<compile_context>
chip_gen: v7x
topology: tpu7x:2x2x1
jax: 0.10.2.dev20260603
libtpu: 0.0.44.dev20260713+nightly
codegen_flags: <defaults>
</compile_context>

<pallas_src>
import dataclasses
import functools

import jax
import jax.numpy as jnp
from jax import lax
from jax.experimental import pallas as pl
from jax.experimental.pallas import tpu as pltpu
from jax.experimental.pallas import tpu_sc as plsc

DIM_Q = 4096
DIM_G = 2048
M = 8192
K = 10

L = 16
NTILES = 16
CHUNK = M // NTILES
CVREGS = CHUNK // L
NEG = float("-inf")
IMAX = 2**31 - 1

BJ = 1024
BM = 2048



def _mv_bias_body(x_ref, w_ref, b_ref, o_ref):
    o_ref[...] = lax.dot_general(
        x_ref[...], w_ref[...], (((1,), (1,)), ((), ())),
        preferred_element_type=jnp.float32) + b_ref[...]


def _mv_body(x_ref, w_ref, o_ref):
    o_ref[...] = jnp.reshape(lax.dot_general(
        x_ref[...], w_ref[...], (((1,), (1,)), ((), ())),
        preferred_element_type=jnp.float32), (BM // CHUNK, 1, CHUNK))


def _pred_query(qt_hat, W, b2d):
    return pl.pallas_call(
        _mv_bias_body,
        grid=(DIM_G // BJ,),
        in_specs=[
            pl.BlockSpec((1, DIM_Q), lambda j: (0, 0)),
            pl.BlockSpec((BJ, DIM_Q), lambda j: (j, 0)),
            pl.BlockSpec((1, BJ), lambda j: (0, j)),
        ],
        out_specs=pl.BlockSpec((1, BJ), lambda j: (0, j)),
        out_shape=jax.ShapeDtypeStruct((1, DIM_G), jnp.float32),
    )(qt_hat, W, b2d)


def _sim(pred_query, memory_key):
    return pl.pallas_call(
        _mv_body,
        grid=(M // BM,),
        in_specs=[
            pl.BlockSpec((1, DIM_G), lambda j: (0, 0)),
            pl.BlockSpec((BM, DIM_G), lambda j: (j, 0)),
        ],
        out_specs=pl.BlockSpec((BM // CHUNK, 1, CHUNK),
                               lambda j: (j, 0, 0)),
        out_shape=jax.ShapeDtypeStruct((NTILES, 1, CHUNK), jnp.float32),
    )(pred_query, memory_key)



_sc_mesh = plsc.VectorSubcoreMesh(core_axis_name="c", subcore_axis_name="s",
                                  num_cores=1)

_sc_params = pltpu.CompilerParams()
if "needs_layout_passes" in pltpu.CompilerParams.__dataclass_fields__:
    _sc_params = dataclasses.replace(_sc_params, needs_layout_passes=False)


@functools.partial(
    pl.kernel,
    out_type=(jax.ShapeDtypeStruct((K, DIM_G), jnp.float32),
              jax.ShapeDtypeStruct((L,), jnp.float32)),
    mesh=_sc_mesh,
    compiler_params=_sc_params,
    scratch_types=[
        pltpu.VMEM((CHUNK,), jnp.float32),
        pltpu.VMEM((L,), jnp.int32),
        pltpu.VMEM((K, DIM_G), jnp.float32),
        pltpu.VMEM((L,), jnp.float32),
        pltpu.VMEM((L,), jnp.int32),
        pltpu.VMEM((L,), jnp.float32),
        pltpu.VMEM((NTILES * L,), jnp.float32),
        pltpu.VMEM((NTILES * L,), jnp.int32),
        pltpu.VMEM_SHARED((NTILES * L,), jnp.float32),
        pltpu.VMEM_SHARED((NTILES * L,), jnp.int32),
        pltpu.SemaphoreType.DMA,
    ],
)
def _sc_topk_gather(sim_hbm, mv_hbm, rows_hbm, val_hbm,
                    simv, idxv, rowsv, lvv, liv, ovv, candv, candi,
                    sh_val, sh_idx, sem):
    cid = lax.axis_index("c")
    sid = lax.axis_index("s")
    iota = lax.iota(jnp.int32, L)

    @pl.when(cid == 0)
    def _core0():
        base = sid * CHUNK
        pltpu.sync_copy(sim_hbm.at[sid, 0], simv)

        lval = jnp.full((L,), NEG, jnp.float32)
        lidx = jnp.zeros((L,), jnp.int32)
        for t in range(K):
            def scan(j, carry):
                best, besti = carry
                v = simv[pl.ds(j * L, L)]
                gi = base + j * L + iota
                p = v > best
                return jnp.where(p, v, best), jnp.where(p, gi, besti)

            best, besti = lax.fori_loop(
                0, CVREGS, scan,
                (jnp.full((L,), NEG, jnp.float32), jnp.full((L,), IMAX, jnp.int32)))
            m = jnp.max(best)
            gidx = jnp.min(jnp.where(best == m, besti, IMAX))
            lane = iota == t
            lval = jnp.where(lane, m, lval)
            lidx = jnp.where(lane, gidx, lidx)
            off = (gidx - base) // L * L
            v = simv[pl.ds(off, L)]
            simv[pl.ds(off, L)] = jnp.where(base + off + iota == gidx, NEG, v)

        lvv[...] = lval
        liv[...] = lidx
        pltpu.sync_copy(lvv, sh_val.at[pl.ds(sid * L, L)])
        pltpu.sync_copy(liv, sh_idx.at[pl.ds(sid * L, L)])
        plsc.subcore_barrier()

        @pl.when(sid == 0)
        def _merge():
            pltpu.sync_copy(sh_val, candv)
            pltpu.sync_copy(sh_idx, candi)
            gval = jnp.full((L,), NEG, jnp.float32)
            gidxv = jnp.zeros((L,), jnp.int32)
            for t in range(K):
                def scan(j, carry):
                    best, besti, bestp = carry
                    v = candv[pl.ds(j * L, L)]
                    mi = candi[pl.ds(j * L, L)]
                    pos = j * L + iota
                    p = v > best
                    return (jnp.where(p, v, best), jnp.where(p, mi, besti),
                            jnp.where(p, pos, bestp))

                best, besti, bestp = lax.fori_loop(
                    0, NTILES, scan,
                    (jnp.full((L,), NEG, jnp.float32),
                     jnp.full((L,), IMAX, jnp.int32),
                     jnp.full((L,), IMAX, jnp.int32)))
                m = jnp.max(best)
                pos = jnp.min(jnp.where(best == m, bestp, IMAX))
                gi = jnp.min(jnp.where(bestp == pos, besti, IMAX))
                lane = iota == t
                gval = jnp.where(lane, m, gval)
                gidxv = jnp.where(lane, gi, gidxv)
                off = pos // L * L
                v = candv[pl.ds(off, L)]
                candv[pl.ds(off, L)] = jnp.where(off + iota == pos, NEG, v)

            idxv[...] = jnp.where(iota < K, gidxv, 0)
            pltpu.async_copy(mv_hbm.at[idxv.at[pl.ds(0, K)]], rowsv, sem).wait()
            pltpu.sync_copy(rowsv, rows_hbm)

            ovv[...] = gval
            pltpu.sync_copy(ovv, val_hbm)



def _attend_body(val_ref, rows_ref, pq_ref, o_ref):
    gv = val_ref[...]
    mx = jnp.max(gv)
    e = jnp.exp(gv - mx)
    w = e / jnp.sum(e)
    mastery = lax.dot_general(
        w[:, :K], rows_ref[...], (((1,), (0,)), ((), ())),
        preferred_element_type=jnp.float32)
    logit = jnp.sum(pq_ref[...] * mastery)
    o_ref[...] = jnp.reshape(jax.nn.sigmoid(logit), (1, 1))


def _attend(val16, rows, pred_query):
    return pl.pallas_call(
        _attend_body,
        in_specs=[
            pl.BlockSpec((1, L), lambda: (0, 0)),
            pl.BlockSpec((K, DIM_G), lambda: (0, 0)),
            pl.BlockSpec((1, DIM_G), lambda: (0, 0)),
        ],
        out_specs=pl.BlockSpec((1, 1), lambda: (0, 0)),
        out_shape=jax.ShapeDtypeStruct((1, 1), jnp.float32),
    )(val16, rows, pred_query)



def kernel(qt_hat, memory_key, memory_value, W, b):
    pred_query = _pred_query(qt_hat, W, b.reshape(1, DIM_G))
    sim = _sim(pred_query, memory_key)
    rows, vals = _sc_topk_gather(sim, memory_value)
    out = _attend(vals.reshape(1, L), rows, pred_query)
    return out.reshape(1)

# --- scband reference (transcript-rebuilt; emitter-appended) ---
"""Pipeline reference for scband-attention-based-predictor-18511309046070 (READ-ONLY COPY).

The authoritative reference and input builder live on the scoring server;
editing this copy changes nothing except your own understanding.
"""

import jax, jax.numpy as jnp
import numpy as np


def setup_inputs(seed: int = 0) -> dict:
    key = jax.random.key(seed)
    k1, k2, k3, k4, k5 = jax.random.split(key, 5)
    qt_hat = jax.random.normal(k1, (1, 4096), dtype=jnp.float32)
    memory_key = jax.random.normal(k2, (8192, 2048), dtype=jnp.float32)
    memory_value = jax.random.normal(k3, (8192, 2048), dtype=jnp.float32)
    # torch Linear(dim_q=4096, dim_g=2048): weight [dim_g, dim_q], bias [dim_g]
    W = jax.random.normal(k4, (2048, 4096), dtype=jnp.float32) * (1.0 / np.sqrt(4096))
    b = jax.random.normal(k5, (2048,), dtype=jnp.float32) * 0.01
    return {"qt_hat": qt_hat, "memory_key": memory_key, "memory_value": memory_value, "W": W, "b": b}


def reference(qt_hat, memory_key, memory_value, W, b):
    pred_query = qt_hat @ W.T + b                      # [1, dim_g]
    sim = pred_query @ memory_key.T                    # [1, M]
    top_k = min(10, sim.shape[-1])
    top_k_val, top_k_idx = jax.lax.top_k(sim, top_k)   # [1, k], [1, k]
    attn_mask = jnp.full_like(sim, -jnp.inf)
    attn_mask = attn_mask.at[0, top_k_idx[0]].set(top_k_val[0])
    attn = jax.nn.softmax(attn_mask, axis=-1)          # [1, M]
    mastery = attn @ memory_value                      # [1, dim_g]
    logits = jnp.sum(pred_query * mastery, axis=-1)    # [1]
    return jax.nn.sigmoid(logits)

if __name__ == "__main__":
    import jax
    _d = setup_inputs()
    print(jax.jit(kernel)(*tuple(_d.values())))

</pallas_src>

<mosaic_0001>
#map = affine_map<(d0, d1) -> (0, 0, 0)>
#map1 = affine_map<(d0, d1) -> (0, 0)>
#map2 = affine_map<(d0, d1) -> (0)>
module attributes {stable_mosaic.version = 14 : i64} {
  func.func @_sc_topk_gather(%arg0: i32, %arg1: i32, %arg2: memref<16x1x512xf32, #tpu.memory_space<hbm>>, %arg3: memref<8192x2048xf32, #tpu.memory_space<hbm>>, %arg4: memref<10x2048xf32, #tpu.memory_space<hbm>>, %arg5: memref<16xf32, #tpu.memory_space<hbm>>, %arg6: memref<512xf32, #tpu.memory_space<vmem>>, %arg7: memref<16xi32, #tpu.memory_space<vmem>>, %arg8: memref<10x2048xf32, #tpu.memory_space<vmem>>, %arg9: memref<16xf32, #tpu.memory_space<vmem>>, %arg10: memref<16xi32, #tpu.memory_space<vmem>>, %arg11: memref<16xf32, #tpu.memory_space<vmem>>, %arg12: memref<256xf32, #tpu.memory_space<vmem>>, %arg13: memref<256xi32, #tpu.memory_space<vmem>>, %arg14: memref<256xf32, #tpu.memory_space<vmem_shared>>, %arg15: memref<256xi32, #tpu.memory_space<vmem_shared>>, %arg16: memref<!tpu.dma_semaphore, #tpu.memory_space<semaphore_mem>>) attributes {dimension_semantics = [#tpu.dimension_semantics<core_parallel>, #tpu.dimension_semantics<subcore_parallel>], iteration_bounds = array<i64: 1, 16>, scalar_prefetch = 0 : i64, scratch_operands = 11 : i64, tpu.core_type = #tpu.core_type<sc_vector_subcore>, window_params = [{transform_indices = #map}, {transform_indices = #map1}, {transform_indices = #map1}, {transform_indices = #map2}]} {
    %iota3A = tpu.iota {dimensions = array<i32: 0>} : vector<16xi32>
    %eq3A = arith.constant 0 : i32
    %eq3A_0 = arith.cmpi eq, %arg0, %eq3A : i32
    %convert_element_type3A = arith.extui %eq3A_0 : i1 to i32
    %cond3A = arith.constant 0 : i32
    %cond3A_1 = arith.cmpi ne, %convert_element_type3A, %cond3A : i32
    scf.if %cond3A_1 {
      %mul3A = arith.constant 512 : i32
      %mul3A_2 = arith.muli %arg1, %mul3A : i32
      %run_scoped3A = arith.constant 0 : i32
      "tpu.region"() ({
        %run_scoped3A_735 = tpu.sem_alloc : memref<!tpu.dma_semaphore, #tpu.memory_space<semaphore_mem>>
        %dma_start3A = arith.constant 0 : i32
        %dma_start3A_736 = tpu.memref_slice %arg2[%arg1, %run_scoped3A, %dma_start3A] : memref<16x1x512xf32, #tpu.memory_space<hbm>> -> memref<1x1x512xf32, #tpu.memory_space<hbm>>
        %dma_start3A_737 = tpu.memref_squeeze %dma_start3A_736 : memref<1x1x512xf32, #tpu.memory_space<hbm>> -> memref<512xf32, #tpu.memory_space<hbm>>
        %dma_start3A_738 = arith.constant 0 : i32
        %dma_start3A_739 = tpu.memref_slice %arg2[%arg1, %run_scoped3A, %dma_start3A_738] : memref<16x1x512xf32, #tpu.memory_space<hbm>> -> memref<1x1x512xf32, #tpu.memory_space<hbm>>
        %dma_start3A_740 = tpu.memref_squeeze %dma_start3A_739 : memref<1x1x512xf32, #tpu.memory_space<hbm>> -> memref<512xf32, #tpu.memory_space<hbm>>
        tpu.enqueue_dma source(%dma_start3A_740 : memref<512xf32, #tpu.memory_space<hbm>>) target(%arg6 : memref<512xf32, #tpu.memory_space<vmem>>) target_semaphore(%run_scoped3A_735 : memref<!tpu.dma_semaphore, #tpu.memory_space<semaphore_mem>>)
        %dma_wait3A = arith.constant 0 : i32
        %dma_wait3A_741 = tpu.memref_slice %arg2[%arg1, %run_scoped3A, %dma_wait3A] : memref<16x1x512xf32, #tpu.memory_space<hbm>> -> memref<1x1x512xf32, #tpu.memory_space<hbm>>
        %dma_wait3A_742 = tpu.memref_squeeze %dma_wait3A_741 : memref<1x1x512xf32, #tpu.memory_space<hbm>> -> memref<512xf32, #tpu.memory_space<hbm>>
        %dma_wait3A_743 = arith.constant 0 : i32
        %dma_wait3A_744 = tpu.memref_slice %arg2[%arg1, %run_scoped3A, %dma_wait3A_743] : memref<16x1x512xf32, #tpu.memory_space<hbm>> -> memref<1x1x512xf32, #tpu.memory_space<hbm>>
        %dma_wait3A_745 = tpu.memref_squeeze %dma_wait3A_744 : memref<1x1x512xf32, #tpu.memory_space<hbm>> -> memref<512xf32, #tpu.memory_space<hbm>>
        tpu.wait_dma2 semaphore(%run_scoped3A_735 : memref<!tpu.dma_semaphore, #tpu.memory_space<semaphore_mem>>) src(%dma_wait3A_745 : memref<512xf32, #tpu.memory_space<hbm>>) dst(%arg6 : memref<512xf32, #tpu.memory_space<vmem>>)
        tpu.yield
      }) : () -> ()
      %broadcast_in_dim3A = arith.constant 0xFF800000 : f32
      %broadcast_in_dim3A_3 = vector.broadcast %broadcast_in_dim3A : f32 to vector<16xf32>
      %broadcast_in_dim3A_4 = arith.constant 0 : i32
      %broadcast_in_dim3A_5 = vector.broadcast %broadcast_in_dim3A_4 : i32 to vector<16xi32>
      %broadcast_in_dim3A_6 = arith.constant 0xFF800000 : f32
      %broadcast_in_dim3A_7 = vector.broadcast %broadcast_in_dim3A_6 : f32 to vector<16xf32>
      %broadcast_in_dim3A_8 = arith.constant 2147483647 : i32
      %broadcast_in_dim3A_9 = vector.broadcast %broadcast_in_dim3A_8 : i32 to vector<16xi32>
      %scan3A = arith.constant 0 : i32
      %scan3A_10 = arith.constant 32 : i32
      %scan3A_11 = arith.addi %scan3A, %scan3A_10 : i32
      %scan3A_12 = arith.constant 1 : i32
      %scan3A_13:2 = scf.for %scan3A_735 = %scan3A to %scan3A_11 step %scan3A_12 iter_args(%scan3A_736 = %broadcast_in_dim3A_7, %scan3A_737 = %broadcast_in_dim3A_9) -> (vector<16xf32>, vector<16xi32>)  : i32 {
        %mul3A_738 = arith.constant 16 : i32
        %mul3A_739 = arith.muli %scan3A_735, %mul3A_738 : i32
        %get3A_740 = arith.index_cast %mul3A_739 : i32 to index
        %get3A_741 = tpu.vector_load %arg6[%get3A_740] {strides = array<i32>} : memref<512xf32, #tpu.memory_space<vmem>>, vector<16xf32>,
        %mul3A_742 = arith.constant 16 : i32
        %mul3A_743 = arith.muli %scan3A_735, %mul3A_742 : i32
        %add3A_744 = arith.addi %mul3A_2, %mul3A_743 : i32
        %add3A_745 = vector.broadcast %add3A_744 : i32 to vector<16xi32>
        %add3A_746 = arith.addi %add3A_745, %iota3A : vector<16xi32>
        %gt3A = arith.cmpf ogt, %get3A_741, %scan3A_736 : vector<16xf32>
        %select_n3A_747 = arith.select %gt3A, %get3A_741, %scan3A_736 : vector<16xi1>, vector<16xf32>
        %select_n3A_748 = arith.select %gt3A, %add3A_746, %scan3A_737 : vector<16xi1>, vector<16xi32>
        scf.yield %select_n3A_747, %select_n3A_748 : vector<16xf32>, vector<16xi32>
      }
      %scan3A_14 = arith.constant 32 : i32
      %reduce_max3A = arith.constant true
      %reduce_max3A_15 = vector.broadcast %reduce_max3A : i1 to vector<16xi1>
      %reduce_max3A_16 = tpu.scan <max>, %scan3A_13#0 masked %reduce_max3A_15 : vector<16xf32>, vector<16xi1> -> vector<16xf32>
      %reduce_max3A_17 = vector.extract %reduce_max3A_16[15] : f32 from vector<16xf32>
      %eq3A_18 = vector.broadcast %reduce_max3A_17 : f32 to vector<16xf32>
      %eq3A_19 = arith.cmpf oeq, %scan3A_13#0, %eq3A_18 : vector<16xf32>
      %jit3A = arith.constant 2147483647 : i32
      %broadcast_in_dim3A_20 = vector.broadcast %jit3A : i32 to vector<16xi32>
      %select_n3A = arith.select %eq3A_19, %scan3A_13#1, %broadcast_in_dim3A_20 : vector<16xi1>, vector<16xi32>
      %reduce_min3A = arith.constant true
      %reduce_min3A_21 = vector.broadcast %reduce_min3A : i1 to vector<16xi1>
      %reduce_min3A_22 = arith.constant -2147483648 : i32
      %reduce_min3A_23 = vector.broadcast %reduce_min3A_22 : i32 to vector<16xi32>
      %reduce_min3A_24 = arith.xori %select_n3A, %reduce_min3A_23 : vector<16xi32>
      %reduce_min3A_25 = tpu.scan <min>, %reduce_min3A_24 masked %reduce_min3A_21 : vector<16xi32>, vector<16xi1> -> vector<16xi32>
      %reduce_min3A_26 = arith.xori %reduce_min3A_25, %reduce_min3A_23 : vector<16xi32>
      %reduce_min3A_27 = vector.extract %reduce_min3A_26[15] : i32 from vector<16xi32>
      %eq3A_28 = arith.constant 0 : i32
      %eq3A_29 = vector.broadcast %eq3A_28 : i32 to vector<16xi32>
      %eq3A_30 = arith.cmpi eq, %iota3A, %eq3A_29 : vector<16xi32>
      %broadcast_in_dim3A_31 = vector.broadcast %reduce_max3A_17 : f32 to vector<16xf32>
      %select_n3A_32 = arith.select %eq3A_30, %broadcast_in_dim3A_31, %broadcast_in_dim3A_3 : vector<16xi1>, vector<16xf32>
      %broadcast_in_dim3A_33 = vector.broadcast %reduce_min3A_27 : i32 to vector<16xi32>
      %select_n3A_34 = arith.select %eq3A_30, %broadcast_in_dim3A_33, %broadcast_in_dim3A_5 : vector<16xi1>, vector<16xi32>
      %sub3A = arith.subi %reduce_min3A_27, %mul3A_2 : i32
      %jit3A_35 = arith.constant 16 : i32
      %div3A = arith.divsi %sub3A, %jit3A_35 : i32
      %sign3A = arith.constant 0 : i32
      %sign3A_36 = arith.cmpi sgt, %sub3A, %sign3A : i32
      %sign3A_37 = arith.extui %sign3A_36 : i1 to i32
      %sign3A_38 = arith.constant 0 : i32
      %sign3A_39 = arith.cmpi slt, %sub3A, %sign3A_38 : i32
      %sign3A_40 = arith.extui %sign3A_39 : i1 to i32
      %sign3A_41 = arith.subi %sign3A_37, %sign3A_40 : i32
      %sign3A_42 = arith.constant 0 : i32
      %sign3A_43 = arith.cmpi sgt, %jit3A_35, %sign3A_42 : i32
      %sign3A_44 = arith.extui %sign3A_43 : i1 to i32
      %sign3A_45 = arith.constant 0 : i32
      %sign3A_46 = arith.cmpi slt, %jit3A_35, %sign3A_45 : i32
      %sign3A_47 = arith.extui %sign3A_46 : i1 to i32
      %sign3A_48 = arith.subi %sign3A_44, %sign3A_47 : i32
      %ne3A = arith.cmpi ne, %sign3A_41, %sign3A_48 : i32
      %rem3A = arith.remsi %sub3A, %jit3A_35 : i32
      %ne3A_49 = arith.constant 0 : i32
      %ne3A_50 = arith.cmpi ne, %rem3A, %ne3A_49 : i32
      %and3A = arith.andi %ne3A, %ne3A_50 : i1
      %sub3A_51 = arith.constant 1 : i32
      %sub3A_52 = arith.subi %div3A, %sub3A_51 : i32
      %select_n3A_53 = arith.select %and3A, %sub3A_52, %div3A : i32
      %mul3A_54 = arith.constant 16 : i32
      %mul3A_55 = arith.muli %select_n3A_53, %mul3A_54 : i32
      %get3A = arith.index_cast %mul3A_55 : i32 to index
      %get3A_56 = tpu.vector_load %arg6[%get3A] {strides = array<i32>} : memref<512xf32, #tpu.memory_space<vmem>>, vector<16xf32>,
      %add3A = arith.addi %mul3A_2, %mul3A_55 : i32
      %add3A_57 = vector.broadcast %add3A : i32 to vector<16xi32>
      %add3A_58 = arith.addi %add3A_57, %iota3A : vector<16xi32>
      %eq3A_59 = vector.broadcast %reduce_min3A_27 : i32 to vector<16xi32>
      %eq3A_60 = arith.cmpi eq, %add3A_58, %eq3A_59 : vector<16xi32>
      %jit3A_61 = arith.constant 0xFF800000 : f32
      %broadcast_in_dim3A_62 = vector.broadcast %jit3A_61 : f32 to vector<16xf32>
      %select_n3A_63 = arith.select %eq3A_60, %broadcast_in_dim3A_62, %get3A_56 : vector<16xi1>, vector<16xf32>
      %swap3A = arith.index_cast %mul3A_55 : i32 to index
      %swap3A_64 = tpu.vector_load %arg6[%swap3A] {strides = array<i32>} : memref<512xf32, #tpu.memory_space<vmem>>, vector<16xf32>,
      tpu.vector_store %arg6[%swap3A], %select_n3A_63 {strides = array<i32>} : memref<512xf32, #tpu.memory_space<vmem>>, vector<16xf32>,
      %broadcast_in_dim3A_65 = arith.constant 0xFF800000 : f32
      %broadcast_in_dim3A_66 = vector.broadcast %broadcast_in_dim3A_65 : f32 to vector<16xf32>
      %broadcast_in_dim3A_67 = arith.constant 2147483647 : i32
      %broadcast_in_dim3A_68 = vector.broadcast %broadcast_in_dim3A_67 : i32 to vector<16xi32>
      %scan3A_69 = arith.constant 0 : i32
      %scan3A_70 = arith.constant 32 : i32
      %scan3A_71 = arith.addi %scan3A_69, %scan3A_70 : i32
      %scan3A_72 = arith.constant 1 : i32
      %scan3A_73:2 = scf.for %scan3A_735 = %scan3A_69 to %scan3A_71 step %scan3A_72 iter_args(%scan3A_736 = %broadcast_in_dim3A_66, %scan3A_737 = %broadcast_in_dim3A_68) -> (vector<16xf32>, vector<16xi32>)  : i32 {
        %mul3A_738 = arith.constant 16 : i32
        %mul3A_739 = arith.muli %scan3A_735, %mul3A_738 : i32
        %get3A_740 = arith.index_cast %mul3A_739 : i32 to index
        %get3A_741 = tpu.vector_load %arg6[%get3A_740] {strides = array<i32>} : memref<512xf32, #tpu.memory_space<vmem>>, vector<16xf32>,
        %mul3A_742 = arith.constant 16 : i32
        %mul3A_743 = arith.muli %scan3A_735, %mul3A_742 : i32
        %add3A_744 = arith.addi %mul3A_2, %mul3A_743 : i32
        %add3A_745 = vector.broadcast %add3A_744 : i32 to vector<16xi32>
        %add3A_746 = arith.addi %add3A_745, %iota3A : vector<16xi32>
        %gt3A = arith.cmpf ogt, %get3A_741, %scan3A_736 : vector<16xf32>
        %select_n3A_747 = arith.select %gt3A, %get3A_741, %scan3A_736 : vector<16xi1>, vector<16xf32>
        %select_n3A_748 = arith.select %gt3A, %add3A_746, %scan3A_737 : vector<16xi1>, vector<16xi32>
        scf.yield %select_n3A_747, %select_n3A_748 : vector<16xf32>, vector<16xi32>
      }
      %scan3A_74 = arith.constant 32 : i32
      %reduce_max3A_75 = arith.constant true
      %reduce_max3A_76 = vector.broadcast %reduce_max3A_75 : i1 to vector<16xi1>
      %reduce_max3A_77 = tpu.scan <max>, %scan3A_73#0 masked %reduce_max3A_76 : vector<16xf32>, vector<16xi1> -> vector<16xf32>
      %reduce_max3A_78 = vector.extract %reduce_max3A_77[15] : f32 from vector<16xf32>
      %eq3A_79 = vector.broadcast %reduce_max3A_78 : f32 to vector<16xf32>
      %eq3A_80 = arith.cmpf oeq, %scan3A_73#0, %eq3A_79 : vector<16xf32>
      %jit3A_81 = arith.constant 2147483647 : i32
      %broadcast_in_dim3A_82 = vector.broadcast %jit3A_81 : i32 to vector<16xi32>
      %select_n3A_83 = arith.select %eq3A_80, %scan3A_73#1, %broadcast_in_dim3A_82 : vector<16xi1>, vector<16xi32>
      %reduce_min3A_84 = arith.constant true
      %reduce_min3A_85 = vector.broadcast %reduce_min3A_84 : i1 to vector<16xi1>
      %reduce_min3A_86 = arith.constant -2147483648 : i32
      %reduce_min3A_87 = vector.broadcast %reduce_min3A_86 : i32 to vector<16xi32>
      %reduce_min3A_88 = arith.xori %select_n3A_83, %reduce_min3A_87 : vector<16xi32>
      %reduce_min3A_89 = tpu.scan <min>, %reduce_min3A_88 masked %reduce_min3A_85 : vector<16xi32>, vector<16xi1> -> vector<16xi32>
      %reduce_min3A_90 = arith.xori %reduce_min3A_89, %reduce_min3A_87 : vector<16xi32>
      %reduce_min3A_91 = vector.extract %reduce_min3A_90[15] : i32 from vector<16xi32>
      %eq3A_92 = arith.constant 1 : i32
      %eq3A_93 = vector.broadcast %eq3A_92 : i32 to vector<16xi32>
      %eq3A_94 = arith.cmpi eq, %iota3A, %eq3A_93 : vector<16xi32>
      %broadcast_in_dim3A_95 = vector.broadcast %reduce_max3A_78 : f32 to vector<16xf32>
      %select_n3A_96 = arith.select %eq3A_94, %broadcast_in_dim3A_95, %select_n3A_32 : vector<16xi1>, vector<16xf32>
      %broadcast_in_dim3A_97 = vector.broadcast %reduce_min3A_91 : i32 to vector<16xi32>
      %select_n3A_98 = arith.select %eq3A_94, %broadcast_in_dim3A_97, %select_n3A_34 : vector<16xi1>, vector<16xi32>
      %sub3A_99 = arith.subi %reduce_min3A_91, %mul3A_2 : i32
      %jit3A_100 = arith.constant 16 : i32
      %div3A_101 = arith.divsi %sub3A_99, %jit3A_100 : i32
      %sign3A_102 = arith.constant 0 : i32
      %sign3A_103 = arith.cmpi sgt, %sub3A_99, %sign3A_102 : i32
      %sign3A_104 = arith.extui %sign3A_103 : i1 to i32
      %sign3A_105 = arith.constant 0 : i32
      %sign3A_106 = arith.cmpi slt, %sub3A_99, %sign3A_105 : i32
      %sign3A_107 = arith.extui %sign3A_106 : i1 to i32
      %sign3A_108 = arith.subi %sign3A_104, %sign3A_107 : i32
      %sign3A_109 = arith.constant 0 : i32
      %sign3A_110 = arith.cmpi sgt, %jit3A_100, %sign3A_109 : i32
      %sign3A_111 = arith.extui %sign3A_110 : i1 to i32
      %sign3A_112 = arith.constant 0 : i32
      %sign3A_113 = arith.cmpi slt, %jit3A_100, %sign3A_112 : i32
      %sign3A_114 = arith.extui %sign3A_113 : i1 to i32
      %sign3A_115 = arith.subi %sign3A_111, %sign3A_114 : i32
      %ne3A_116 = arith.cmpi ne, %sign3A_108, %sign3A_115 : i32
      %rem3A_117 = arith.remsi %sub3A_99, %jit3A_100 : i32
      %ne3A_118 = arith.constant 0 : i32
      %ne3A_119 = arith.cmpi ne, %rem3A_117, %ne3A_118 : i32
      %and3A_120 = arith.andi %ne3A_116, %ne3A_119 : i1
      %sub3A_121 = arith.constant 1 : i32
      %sub3A_122 = arith.subi %div3A_101, %sub3A_121 : i32
      %select_n3A_123 = arith.select %and3A_120, %sub3A_122, %div3A_101 : i32
      %mul3A_124 = arith.constant 16 : i32
      %mul3A_125 = arith.muli %select_n3A_123, %mul3A_124 : i32
      %get3A_126 = arith.index_cast %mul3A_125 : i32 to index
      %get3A_127 = tpu.vector_load %arg6[%get3A_126] {strides = array<i32>} : memref<512xf32, #tpu.memory_space<vmem>>, vector<16xf32>,
      %add3A_128 = arith.addi %mul3A_2, %mul3A_125 : i32
      %add3A_129 = vector.broadcast %add3A_128 : i32 to vector<16xi32>
      %add3A_130 = arith.addi %add3A_129, %iota3A : vector<16xi32>
      %eq3A_131 = vector.broadcast %reduce_min3A_91 : i32 to vector<16xi32>
      %eq3A_132 = arith.cmpi eq, %add3A_130, %eq3A_131 : vector<16xi32>
      %jit3A_133 = arith.constant 0xFF800000 : f32
      %broadcast_in_dim3A_134 = vector.broadcast %jit3A_133 : f32 to vector<16xf32>
      %select_n3A_135 = arith.select %eq3A_132, %broadcast_in_dim3A_134, %get3A_127 : vector<16xi1>, vector<16xf32>
      %swap3A_136 = arith.index_cast %mul3A_125 : i32 to index
      %swap3A_137 = tpu.vector_load %arg6[%swap3A_136] {strides = array<i32>} : memref<512xf32, #tpu.memory_space<vmem>>, vector<16xf32>,
      tpu.vector_store %arg6[%swap3A_136], %select_n3A_135 {strides = array<i32>} : memref<512xf32, #tpu.memory_space<vmem>>, vector<16xf32>,
      %broadcast_in_dim3A_138 = arith.constant 0xFF800000 : f32
      %broadcast_in_dim3A_139 = vector.broadcast %broadcast_in_dim3A_138 : f32 to vector<16xf32>
      %broadcast_in_dim3A_140 = arith.constant 2147483647 : i32
      %broadcast_in_dim3A_141 = vector.broadcast %broadcast_in_dim3A_140 : i32 to vector<16xi32>
      %scan3A_142 = arith.constant 0 : i32
      %scan3A_143 = arith.constant 32 : i32
      %scan3A_144 = arith.addi %scan3A_142, %scan3A_143 : i32
      %scan3A_145 = arith.constant 1 : i32
      %scan3A_146:2 = scf.for %scan3A_735 = %scan3A_142 to %scan3A_144 step %scan3A_145 iter_args(%scan3A_736 = %broadcast_in_dim3A_139, %scan3A_737 = %broadcast_in_dim3A_141) -> (vector<16xf32>, vector<16xi32>)  : i32 {
        %mul3A_738 = arith.constant 16 : i32
        %mul3A_739 = arith.muli %scan3A_735, %mul3A_738 : i32
        %get3A_740 = arith.index_cast %mul3A_739 : i32 to index
        %get3A_741 = tpu.vector_load %arg6[%get3A_740] {strides = array<i32>} : memref<512xf32, #tpu.memory_space<vmem>>, vector<16xf32>,
        %mul3A_742 = arith.constant 16 : i32
        %mul3A_743 = arith.muli %scan3A_735, %mul3A_742 : i32
        %add3A_744 = arith.addi %mul3A_2, %mul3A_743 : i32
        %add3A_745 = vector.broadcast %add3A_744 : i32 to vector<16xi32>
        %add3A_746 = arith.addi %add3A_745, %iota3A : vector<16xi32>
        %gt3A = arith.cmpf ogt, %get3A_741, %scan3A_736 : vector<16xf32>
        %select_n3A_747 = arith.select %gt3A, %get3A_741, %scan3A_736 : vector<16xi1>, vector<16xf32>
        %select_n3A_748 = arith.select %gt3A, %add3A_746, %scan3A_737 : vector<16xi1>, vector<16xi32>
        scf.yield %select_n3A_747, %select_n3A_748 : vector<16xf32>, vector<16xi32>
      }
      %scan3A_147 = arith.constant 32 : i32
      %reduce_max3A_148 = arith.constant true
      %reduce_max3A_149 = vector.broadcast %reduce_max3A_148 : i1 to vector<16xi1>
      %reduce_max3A_150 = tpu.scan <max>, %scan3A_146#0 masked %reduce_max3A_149 : vector<16xf32>, vector<16xi1> -> vector<16xf32>
      %reduce_max3A_151 = vector.extract %reduce_max3A_150[15] : f32 from vector<16xf32>
      %eq3A_152 = vector.broadcast %reduce_max3A_151 : f32 to vector<16xf32>
      %eq3A_153 = arith.cmpf oeq, %scan3A_146#0, %eq3A_152 : vector<16xf32>
      %jit3A_154 = arith.constant 2147483647 : i32
      %broadcast_in_dim3A_155 = vector.broadcast %jit3A_154 : i32 to vector<16xi32>
      %select_n3A_156 = arith.select %eq3A_153, %scan3A_146#1, %broadcast_in_dim3A_155 : vector<16xi1>, vector<16xi32>
      %reduce_min3A_157 = arith.constant true
      %reduce_min3A_158 = vector.broadcast %reduce_min3A_157 : i1 to vector<16xi1>
      %reduce_min3A_159 = arith.constant -2147483648 : i32
      %reduce_min3A_160 = vector.broadcast %reduce_min3A_159 : i32 to vector<16xi32>
      %reduce_min3A_161 = arith.xori %select_n3A_156, %reduce_min3A_160 : vector<16xi32>
      %reduce_min3A_162 = tpu.scan <min>, %reduce_min3A_161 masked %reduce_min3A_158 : vector<16xi32>, vector<16xi1> -> vector<16xi32>
      %reduce_min3A_163 = arith.xori %reduce_min3A_162, %reduce_min3A_160 : vector<16xi32>
      %reduce_min3A_164 = vector.extract %reduce_min3A_163[15] : i32 from vector<16xi32>
      %eq3A_165 = arith.constant 2 : i32
      %eq3A_166 = vector.broadcast %eq3A_165 : i32 to vector<16xi32>
      %eq3A_167 = arith.cmpi eq, %iota3A, %eq3A_166 : vector<16xi32>
      %broadcast_in_dim3A_168 = vector.broadcast %reduce_max3A_151 : f32 to vector<16xf32>
      %select_n3A_169 = arith.select %eq3A_167, %broadcast_in_dim3A_168, %select_n3A_96 : vector<16xi1>, vector<16xf32>
      %broadcast_in_dim3A_170 = vector.broadcast %reduce_min3A_164 : i32 to vector<16xi32>
      %select_n3A_171 = arith.select %eq3A_167, %broadcast_in_dim3A_170, %select_n3A_98 : vector<16xi1>, vector<16xi32>
      %sub3A_172 = arith.subi %reduce_min3A_164, %mul3A_2 : i32
      %jit3A_173 = arith.constant 16 : i32
      %div3A_174 = arith.divsi %sub3A_172, %jit3A_173 : i32
      %sign3A_175 = arith.constant 0 : i32
      %sign3A_176 = arith.cmpi sgt, %sub3A_172, %sign3A_175 : i32
      %sign3A_177 = arith.extui %sign3A_176 : i1 to i32
      %sign3A_178 = arith.constant 0 : i32
      %sign3A_179 = arith.cmpi slt, %sub3A_172, %sign3A_178 : i32
      %sign3A_180 = arith.extui %sign3A_179 : i1 to i32
      %sign3A_181 = arith.subi %sign3A_177, %sign3A_180 : i32
      %sign3A_182 = arith.constant 0 : i32
      %sign3A_183 = arith.cmpi sgt, %jit3A_173, %sign3A_182 : i32
      %sign3A_184 = arith.extui %sign3A_183 : i1 to i32
      %sign3A_185 = arith.constant 0 : i32
      %sign3A_186 = arith.cmpi slt, %jit3A_173, %sign3A_185 : i32
      %sign3A_187 = arith.extui %sign3A_186 : i1 to i32
      %sign3A_188 = arith.subi %sign3A_184, %sign3A_187 : i32
      %ne3A_189 = arith.cmpi ne, %sign3A_181, %sign3A_188 : i32
      %rem3A_190 = arith.remsi %sub3A_172, %jit3A_173 : i32
      %ne3A_191 = arith.constant 0 : i32
      %ne3A_192 = arith.cmpi ne, %rem3A_190, %ne3A_191 : i32
      %and3A_193 = arith.andi %ne3A_189, %ne3A_192 : i1
      %sub3A_194 = arith.constant 1 : i32
      %sub3A_195 = arith.subi %div3A_174, %sub3A_194 : i32
      %select_n3A_196 = arith.select %and3A_193, %sub3A_195, %div3A_174 : i32
      %mul3A_197 = arith.constant 16 : i32
      %mul3A_198 = arith.muli %select_n3A_196, %mul3A_197 : i32
      %get3A_199 = arith.index_cast %mul3A_198 : i32 to index
      %get3A_200 = tpu.vector_load %arg6[%get3A_199] {strides = array<i32>} : memref<512xf32, #tpu.memory_space<vmem>>, vector<16xf32>,
      %add3A_201 = arith.addi %mul3A_2, %mul3A_198 : i32
      %add3A_202 = vector.broadcast %add3A_201 : i32 to vector<16xi32>
      %add3A_203 = arith.addi %add3A_202, %iota3A : vector<16xi32>
      %eq3A_204 = vector.broadcast %reduce_min3A_164 : i32 to vector<16xi32>
      %eq3A_205 = arith.cmpi eq, %add3A_203, %eq3A_204 : vector<16xi32>
      %jit3A_206 = arith.constant 0xFF800000 : f32
      %broadcast_in_dim3A_207 = vector.broadcast %jit3A_206 : f32 to vector<16xf32>
      %select_n3A_208 = arith.select %eq3A_205, %broadcast_in_dim3A_207, %get3A_200 : vector<16xi1>, vector<16xf32>
      %swap3A_209 = arith.index_cast %mul3A_198 : i32 to index
      %swap3A_210 = tpu.vector_load %arg6[%swap3A_209] {strides = array<i32>} : memref<512xf32, #tpu.memory_space<vmem>>, vector<16xf32>,
      tpu.vector_store %arg6[%swap3A_209], %select_n3A_208 {strides = array<i32>} : memref<512xf32, #tpu.memory_space<vmem>>, vector<16xf32>,
      %broadcast_in_dim3A_211 = arith.constant 0xFF800000 : f32
      %broadcast_in_dim3A_212 = vector.broadcast %broadcast_in_dim3A_211 : f32 to vector<16xf32>
      %broadcast_in_dim3A_213 = arith.constant 2147483647 : i32
      %broadcast_in_dim3A_214 = vector.broadcast %broadcast_in_dim3A_213 : i32 to vector<16xi32>
      %scan3A_215 = arith.constant 0 : i32
      %scan3A_216 = arith.constant 32 : i32
      %scan3A_217 = arith.addi %scan3A_215, %scan3A_216 : i32
      %scan3A_218 = arith.constant 1 : i32
      %scan3A_219:2 = scf.for %scan3A_735 = %scan3A_215 to %scan3A_217 step %scan3A_218 iter_args(%scan3A_736 = %broadcast_in_dim3A_212, %scan3A_737 = %broadcast_in_dim3A_214) -> (vector<16xf32>, vector<16xi32>)  : i32 {
        %mul3A_738 = arith.constant 16 : i32
        %mul3A_739 = arith.muli %scan3A_735, %mul3A_738 : i32
        %get3A_740 = arith.index_cast %mul3A_739 : i32 to index
        %get3A_741 = tpu.vector_load %arg6[%get3A_740] {strides = array<i32>} : memref<512xf32, #tpu.memory_space<vmem>>, vector<16xf32>,
        %mul3A_742 = arith.constant 16 : i32
        %mul3A_743 = arith.muli %scan3A_735, %mul3A_742 : i32
        %add3A_744 = arith.addi %mul3A_2, %mul3A_743 : i32
        %add3A_745 = vector.broadcast %add3A_744 : i32 to vector<16xi32>
        %add3A_746 = arith.addi %add3A_745, %iota3A : vector<16xi32>
        %gt3A = arith.cmpf ogt, %get3A_741, %scan3A_736 : vector<16xf32>
        %select_n3A_747 = arith.select %gt3A, %get3A_741, %scan3A_736 : vector<16xi1>, vector<16xf32>
        %select_n3A_748 = arith.select %gt3A, %add3A_746, %scan3A_737 : vector<16xi1>, vector<16xi32>
        scf.yield %select_n3A_747, %select_n3A_748 : vector<16xf32>, vector<16xi32>
      }
      %scan3A_220 = arith.constant 32 : i32
      %reduce_max3A_221 = arith.constant true
      %reduce_max3A_222 = vector.broadcast %reduce_max3A_221 : i1 to vector<16xi1>
      %reduce_max3A_223 = tpu.scan <max>, %scan3A_219#0 masked %reduce_max3A_222 : vector<16xf32>, vector<16xi1> -> vector<16xf32>
      %reduce_max3A_224 = vector.extract %reduce_max3A_223[15] : f32 from vector<16xf32>
      %eq3A_225 = vector.broadcast %reduce_max3A_224 : f32 to vector<16xf32>
      %eq3A_226 = arith.cmpf oeq, %scan3A_219#0, %eq3A_225 : vector<16xf32>
      %jit3A_227 = arith.constant 2147483647 : i32
      %broadcast_in_dim3A_228 = vector.broadcast %jit3A_227 : i32 to vector<16xi32>
      %select_n3A_229 = arith.select %eq3A_226, %scan3A_219#1, %broadcast_in_dim3A_228 : vector<16xi1>, vector<16xi32>
      %reduce_min3A_230 = arith.constant true
      %reduce_min3A_231 = vector.broadcast %reduce_min3A_230 : i1 to vector<16xi1>
      %reduce_min3A_232 = arith.constant -2147483648 : i32
      %reduce_min3A_233 = vector.broadcast %reduce_min3A_232 : i32 to vector<16xi32>
      %reduce_min3A_234 = arith.xori %select_n3A_229, %reduce_min3A_233 : vector<16xi32>
      %reduce_min3A_235 = tpu.scan <min>, %reduce_min3A_234 masked %reduce_min3A_231 : vector<16xi32>, vector<16xi1> -> vector<16xi32>
      %reduce_min3A_236 = arith.xori %reduce_min3A_235, %reduce_min3A_233 : vector<16xi32>
      %reduce_min3A_237 = vector.extract %reduce_min3A_236[15] : i32 from vector<16xi32>
      %eq3A_238 = arith.constant 3 : i32
      %eq3A_239 = vector.broadcast %eq3A_238 : i32 to vector<16xi32>
      %eq3A_240 = arith.cmpi eq, %iota3A, %eq3A_239 : vector<16xi32>
      %broadcast_in_dim3A_241 = vector.broadcast %reduce_max3A_224 : f32 to vector<16xf32>
      %select_n3A_242 = arith.select %eq3A_240, %broadcast_in_dim3A_241, %select_n3A_169 : vector<16xi1>, vector<16xf32>
      %broadcast_in_dim3A_243 = vector.broadcast %reduce_min3A_237 : i32 to vector<16xi32>
      %select_n3A_244 = arith.select %eq3A_240, %broadcast_in_dim3A_243, %select_n3A_171 : vector<16xi1>, vector<16xi32>
      %sub3A_245 = arith.subi %reduce_min3A_237, %mul3A_2 : i32
      %jit3A_246 = arith.constant 16 : i32
      %div3A_247 = arith.divsi %sub3A_245, %jit3A_246 : i32
      %sign3A_248 = arith.constant 0 : i32
      %sign3A_249 = arith.cmpi sgt, %sub3A_245, %sign3A_248 : i32
      %sign3A_250 = arith.extui %sign3A_249 : i1 to i32
      %sign3A_251 = arith.constant 0 : i32
      %sign3A_252 = arith.cmpi slt, %sub3A_245, %sign3A_251 : i32
      %sign3A_253 = arith.extui %sign3A_252 : i1 to i32
      %sign3A_254 = arith.subi %sign3A_250, %sign3A_253 : i32
      %sign3A_255 = arith.constant 0 : i32
      %sign3A_256 = arith.cmpi sgt, %jit3A_246, %sign3A_255 : i32
      %sign3A_257 = arith.extui %sign3A_256 : i1 to i32
      %sign3A_258 = arith.constant 0 : i32
      %sign3A_259 = arith.cmpi slt, %jit3A_246, %sign3A_258 : i32
      %sign3A_260 = arith.extui %sign3A_259 : i1 to i32
      %sign3A_261 = arith.subi %sign3A_257, %sign3A_260 : i32
      %ne3A_262 = arith.cmpi ne, %sign3A_254, %sign3A_261 : i32
      %rem3A_263 = arith.remsi %sub3A_245, %jit3A_246 : i32
      %ne3A_264 = arith.constant 0 : i32
      %ne3A_265 = arith.cmpi ne, %rem3A_263, %ne3A_264 : i32
      %and3A_266 = arith.andi %ne3A_262, %ne3A_265 : i1
      %sub3A_267 = arith.constant 1 : i32
      %sub3A_268 = arith.subi %div3A_247, %sub3A_267 : i32
      %select_n3A_269 = arith.select %and3A_266, %sub3A_268, %div3A_247 : i32
      %mul3A_270 = arith.constant 16 : i32
      %mul3A_271 = arith.muli %select_n3A_269, %mul3A_270 : i32
      %get3A_272 = arith.index_cast %mul3A_271 : i32 to index
      %get3A_273 = tpu.vector_load %arg6[%get3A_272] {strides = array<i32>} : memref<512xf32, #tpu.memory_space<vmem>>, vector<16xf32>,
      %add3A_274 = arith.addi %mul3A_2, %mul3A_271 : i32
      %add3A_275 = vector.broadcast %add3A_274 : i32 to vector<16xi32>
      %add3A_276 = arith.addi %add3A_275, %iota3A : vector<16xi32>
      %eq3A_277 = vector.broadcast %reduce_min3A_237 : i32 to vector<16xi32>
      %eq3A_278 = arith.cmpi eq, %add3A_276, %eq3A_277 : vector<16xi32>
      %jit3A_279 = arith.constant 0xFF800000 : f32
      %broadcast_in_dim3A_280 = vector.broadcast %jit3A_279 : f32 to vector<16xf32>
      %select_n3A_281 = arith.select %eq3A_278, %broadcast_in_dim3A_280, %get3A_273 : vector<16xi1>, vector<16xf32>
      %swap3A_282 = arith.index_cast %mul3A_271 : i32 to index
      %swap3A_283 = tpu.vector_load %arg6[%swap3A_282] {strides = array<i32>} : memref<512xf32, #tpu.memory_space<vmem>>, vector<16xf32>,
      tpu.vector_store %arg6[%swap3A_282], %select_n3A_281 {strides = array<i32>} : memref<512xf32, #tpu.memory_space<vmem>>, vector<16xf32>,
      %broadcast_in_dim3A_284 = arith.constant 0xFF800000 : f32
      %broadcast_in_dim3A_285 = vector.broadcast %broadcast_in_dim3A_284 : f32 to vector<16xf32>
      %broadcast_in_dim3A_286 = arith.constant 2147483647 : i32
      %broadcast_in_dim3A_287 = vector.broadcast %broadcast_in_dim3A_286 : i32 to vector<16xi32>
      %scan3A_288 = arith.constant 0 : i32
      %scan3A_289 = arith.constant 32 : i32
      %scan3A_290 = arith.addi %scan3A_288, %scan3A_289 : i32
      %scan3A_291 = arith.constant 1 : i32
      %scan3A_292:2 = scf.for %scan3A_735 = %scan3A_288 to %scan3A_290 step %scan3A_291 iter_args(%scan3A_736 = %broadcast_in_dim3A_285, %scan3A_737 = %broadcast_in_dim3A_287) -> (vector<16xf32>, vector<16xi32>)  : i32 {
        %mul3A_738 = arith.constant 16 : i32
        %mul3A_739 = arith.muli %scan3A_735, %mul3A_738 : i32
        %get3A_740 = arith.index_cast %mul3A_739 : i32 to index
        %get3A_741 = tpu.vector_load %arg6[%get3A_740] {strides = array<i32>} : memref<512xf32, #tpu.memory_space<vmem>>, vector<16xf32>,
        %mul3A_742 = arith.constant 16 : i32
        %mul3A_743 = arith.muli %scan3A_735, %mul3A_742 : i32
        %add3A_744 = arith.addi %mul3A_2, %mul3A_743 : i32
        %add3A_745 = vector.broadcast %add3A_744 : i32 to vector<16xi32>
        %add3A_746 = arith.addi %add3A_745, %iota3A : vector<16xi32>
        %gt3A = arith.cmpf ogt, %get3A_741, %scan3A_736 : vector<16xf32>
        %select_n3A_747 = arith.select %gt3A, %get3A_741, %scan3A_736 : vector<16xi1>, vector<16xf32>
        %select_n3A_748 = arith.select %gt3A, %add3A_746, %scan3A_737 : vector<16xi1>, vector<16xi32>
        scf.yield %select_n3A_747, %select_n3A_748 : vector<16xf32>, vector<16xi32>
      }
      %scan3A_293 = arith.constant 32 : i32
      %reduce_max3A_294 = arith.constant true
      %reduce_max3A_295 = vector.broadcast %reduce_max3A_294 : i1 to vector<16xi1>
      %reduce_max3A_296 = tpu.scan <max>, %scan3A_292#0 masked %reduce_max3A_295 : vector<16xf32>, vector<16xi1> -> vector<16xf32>
      %reduce_max3A_297 = vector.extract %reduce_max3A_296[15] : f32 from vector<16xf32>
      %eq3A_298 = vector.broadcast %reduce_max3A_297 : f32 to vector<16xf32>
      %eq3A_299 = arith.cmpf oeq, %scan3A_292#0, %eq3A_298 : vector<16xf32>
      %jit3A_300 = arith.constant 2147483647 : i32
      %broadcast_in_dim3A_301 = vector.broadcast %jit3A_300 : i32 to vector<16xi32>
      %select_n3A_302 = arith.select %eq3A_299, %scan3A_292#1, %broadcast_in_dim3A_301 : vector<16xi1>, vector<16xi32>
      %reduce_min3A_303 = arith.constant true
      %reduce_min3A_304 = vector.broadcast %reduce_min3A_303 : i1 to vector<16xi1>
      %reduce_min3A_305 = arith.constant -2147483648 : i32
      %reduce_min3A_306 = vector.broadcast %reduce_min3A_305 : i32 to vector<16xi32>
      %reduce_min3A_307 = arith.xori %select_n3A_302, %reduce_min3A_306 : vector<16xi32>
      %reduce_min3A_308 = tpu.scan <min>, %reduce_min3A_307 masked %reduce_min3A_304 : vector<16xi32>, vector<16xi1> -> vector<16xi32>
      %reduce_min3A_309 = arith.xori %reduce_min3A_308, %reduce_min3A_306 : vector<16xi32>
      %reduce_min3A_310 = vector.extract %reduce_min3A_309[15] : i32 from vector<16xi32>
      %eq3A_311 = arith.constant 4 : i32
      %eq3A_312 = vector.broadcast %eq3A_311 : i32 to vector<16xi32>
      %eq3A_313 = arith.cmpi eq, %iota3A, %eq3A_312 : vector<16xi32>
      %broadcast_in_dim3A_314 = vector.broadcast %reduce_max3A_297 : f32 to vector<16xf32>
      %select_n3A_315 = arith.select %eq3A_313, %broadcast_in_dim3A_314, %select_n3A_242 : vector<16xi1>, vector<16xf32>
      %broadcast_in_dim3A_316 = vector.broadcast %reduce_min3A_310 : i32 to vector<16xi32>
      %select_n3A_317 = arith.select %eq3A_313, %broadcast_in_dim3A_316, %select_n3A_244 : vector<16xi1>, vector<16xi32>
      %sub3A_318 = arith.subi %reduce_min3A_310, %mul3A_2 : i32
      %jit3A_319 = arith.constant 16 : i32
      %div3A_320 = arith.divsi %sub3A_318, %jit3A_319 : i32
      %sign3A_321 = arith.constant 0 : i32
      %sign3A_322 = arith.cmpi sgt, %sub3A_318, %sign3A_321 : i32
      %sign3A_323 = arith.extui %sign3A_322 : i1 to i32
      %sign3A_324 = arith.constant 0 : i32
      %sign3A_325 = arith.cmpi slt, %sub3A_318, %sign3A_324 : i32
      %sign3A_326 = arith.extui %sign3A_325 : i1 to i32
      %sign3A_327 = arith.subi %sign3A_323, %sign3A_326 : i32
      %sign3A_328 = arith.constant 0 : i32
      %sign3A_329 = arith.cmpi sgt, %jit3A_319, %sign3A_328 : i32
      %sign3A_330 = arith.extui %sign3A_329 : i1 to i32
      %sign3A_331 = arith.constant 0 : i32
      %sign3A_332 = arith.cmpi slt, %jit3A_319, %sign3A_331 : i32
      %sign3A_333 = arith.extui %sign3A_332 : i1 to i32
      %sign3A_334 = arith.subi %sign3A_330, %sign3A_333 : i32
      %ne3A_335 = arith.cmpi ne, %sign3A_327, %sign3A_334 : i32
      %rem3A_336 = arith.remsi %sub3A_318, %jit3A_319 : i32
      %ne3A_337 = arith.constant 0 : i32
      %ne3A_338 = arith.cmpi ne, %rem3A_336, %ne3A_337 : i32
      %and3A_339 = arith.andi %ne3A_335, %ne3A_338 : i1
      %sub3A_340 = arith.constant 1 : i32
      %sub3A_341 = arith.subi %div3A_320, %sub3A_340 : i32
      %select_n3A_342 = arith.select %and3A_339, %sub3A_341, %div3A_320 : i32
      %mul3A_343 = arith.constant 16 : i32
      %mul3A_344 = arith.muli %select_n3A_342, %mul3A_343 : i32
      %get3A_345 = arith.index_cast %mul3A_344 : i32 to index
      %get3A_346 = tpu.vector_load %arg6[%get3A_345] {strides = array<i32>} : memref<512xf32, #tpu.memory_space<vmem>>, vector<16xf32>,
      %add3A_347 = arith.addi %mul3A_2, %mul3A_344 : i32
      %add3A_348 = vector.broadcast %add3A_347 : i32 to vector<16xi32>
      %add3A_349 = arith.addi %add3A_348, %iota3A : vector<16xi32>
      %eq3A_350 = vector.broadcast %reduce_min3A_310 : i32 to vector<16xi32>
      %eq3A_351 = arith.cmpi eq, %add3A_349, %eq3A_350 : vector<16xi32>
      %jit3A_352 = arith.constant 0xFF800000 : f32
      %broadcast_in_dim3A_353 = vector.broadcast %jit3A_352 : f32 to vector<16xf32>
      %select_n3A_354 = arith.select %eq3A_351, %broadcast_in_dim3A_353, %get3A_346 : vector<16xi1>, vector<16xf32>
      %swap3A_355 = arith.index_cast %mul3A_344 : i32 to index
      %swap3A_356 = tpu.vector_load %arg6[%swap3A_355] {strides = array<i32>} : memref<512xf32, #tpu.memory_space<vmem>>, vector<16xf32>,
      tpu.vector_store %arg6[%swap3A_355], %select_n3A_354 {strides = array<i32>} : memref<512xf32, #tpu.memory_space<vmem>>, vector<16xf32>,
      %broadcast_in_dim3A_357 = arith.constant 0xFF800000 : f32
      %broadcast_in_dim3A_358 = vector.broadcast %broadcast_in_dim3A_357 : f32 to vector<16xf32>
      %broadcast_in_dim3A_359 = arith.constant 2147483647 : i32
      %broadcast_in_dim3A_360 = vector.broadcast %broadcast_in_dim3A_359 : i32 to vector<16xi32>
      %scan3A_361 = arith.constant 0 : i32
      %scan3A_362 = arith.constant 32 : i32
      %scan3A_363 = arith.addi %scan3A_361, %scan3A_362 : i32
      %scan3A_364 = arith.constant 1 : i32
      %scan3A_365:2 = scf.for %scan3A_735 = %scan3A_361 to %scan3A_363 step %scan3A_364 iter_args(%scan3A_736 = %broadcast_in_dim3A_358, %scan3A_737 = %broadcast_in_dim3A_360) -> (vector<16xf32>, vector<16xi32>)  : i32 {
        %mul3A_738 = arith.constant 16 : i32
        %mul3A_739 = arith.muli %scan3A_735, %mul3A_738 : i32
        %get3A_740 = arith.index_cast %mul3A_739 : i32 to index
        %get3A_741 = tpu.vector_load %arg6[%get3A_740] {strides = array<i32>} : memref<512xf32, #tpu.memory_space<vmem>>, vector<16xf32>,
        %mul3A_742 = arith.constant 16 : i32
        %mul3A_743 = arith.muli %scan3A_735, %mul3A_742 : i32
        %add3A_744 = arith.addi %mul3A_2, %mul3A_743 : i32
        %add3A_745 = vector.broadcast %add3A_744 : i32 to vector<16xi32>
        %add3A_746 = arith.addi %add3A_745, %iota3A : vector<16xi32>
        %gt3A = arith.cmpf ogt, %get3A_741, %scan3A_736 : vector<16xf32>
        %select_n3A_747 = arith.select %gt3A, %get3A_741, %scan3A_736 : vector<16xi1>, vector<16xf32>
        %select_n3A_748 = arith.select %gt3A, %add3A_746, %scan3A_737 : vector<16xi1>, vector<16xi32>
        scf.yield %select_n3A_747, %select_n3A_748 : vector<16xf32>, vector<16xi32>
      }
      %scan3A_366 = arith.constant 32 : i32
      %reduce_max3A_367 = arith.constant true
      %reduce_max3A_368 = vector.broadcast %reduce_max3A_367 : i1 to vector<16xi1>
      %reduce_max3A_369 = tpu.scan <max>, %scan3A_365#0 masked %reduce_max3A_368 : vector<16xf32>, vector<16xi1> -> vector<16xf32>
      %reduce_max3A_370 = vector.extract %reduce_max3A_369[15] : f32 from vector<16xf32>
      %eq3A_371 = vector.broadcast %reduce_max3A_370 : f32 to vector<16xf32>
      %eq3A_372 = arith.cmpf oeq, %scan3A_365#0, %eq3A_371 : vector<16xf32>
      %jit3A_373 = arith.constant 2147483647 : i32
      %broadcast_in_dim3A_374 = vector.broadcast %jit3A_373 : i32 to vector<16xi32>
      %select_n3A_375 = arith.select %eq3A_372, %scan3A_365#1, %broadcast_in_dim3A_374 : vector<16xi1>, vector<16xi32>
      %reduce_min3A_376 = arith.constant true
      %reduce_min3A_377 = vector.broadcast %reduce_min3A_376 : i1 to vector<16xi1>
      %reduce_min3A_378 = arith.constant -2147483648 : i32
      %reduce_min3A_379 = vector.broadcast %reduce_min3A_378 : i32 to vector<16xi32>
      %reduce_min3A_380 = arith.xori %select_n3A_375, %reduce_min3A_379 : vector<16xi32>
      %reduce_min3A_381 = tpu.scan <min>, %reduce_min3A_380 masked %reduce_min3A_377 : vector<16xi32>, vector<16xi1> -> vector<16xi32>
      %reduce_min3A_382 = arith.xori %reduce_min3A_381, %reduce_min3A_379 : vector<16xi32>
      %reduce_min3A_383 = vector.extract %reduce_min3A_382[15] : i32 from vector<16xi32>
      %eq3A_384 = arith.constant 5 : i32
      %eq3A_385 = vector.broadcast %eq3A_384 : i32 to vector<16xi32>
      %eq3A_386 = arith.cmpi eq, %iota3A, %eq3A_385 : vector<16xi32>
      %broadcast_in_dim3A_387 = vector.broadcast %reduce_max3A_370 : f32 to vector<16xf32>
      %select_n3A_388 = arith.select %eq3A_386, %broadcast_in_dim3A_387, %select_n3A_315 : vector<16xi1>, vector<16xf32>
      %broadcast_in_dim3A_389 = vector.broadcast %reduce_min3A_383 : i32 to vector<16xi32>
      %select_n3A_390 = arith.select %eq3A_386, %broadcast_in_dim3A_389, %select_n3A_317 : vector<16xi1>, vector<16xi32>
      %sub3A_391 = arith.subi %reduce_min3A_383, %mul3A_2 : i32
      %jit3A_392 = arith.constant 16 : i32
      %div3A_393 = arith.divsi %sub3A_391, %jit3A_392 : i32
      %sign3A_394 = arith.constant 0 : i32
      %sign3A_395 = arith.cmpi sgt, %sub3A_391, %sign3A_394 : i32
      %sign3A_396 = arith.extui %sign3A_395 : i1 to i32
      %sign3A_397 = arith.constant 0 : i32
      %sign3A_398 = arith.cmpi slt, %sub3A_391, %sign3A_397 : i32
      %sign3A_399 = arith.extui %sign3A_398 : i1 to i32
      %sign3A_400 = arith.subi %sign3A_396, %sign3A_399 : i32
      %sign3A_401 = arith.constant 0 : i32
      %sign3A_402 = arith.cmpi sgt, %jit3A_392, %sign3A_401 : i32
      %sign3A_403 = arith.extui %sign3A_402 : i1 to i32
      %sign3A_404 = arith.constant 0 : i32
      %sign3A_405 = arith.cmpi slt, %jit3A_392, %sign3A_404 : i32
      %sign3A_406 = arith.extui %sign3A_405 : i1 to i32
      %sign3A_407 = arith.subi %sign3A_403, %sign3A_406 : i32
      %ne3A_408 = arith.cmpi ne, %sign3A_400, %sign3A_407 : i32
      %rem3A_409 = arith.remsi %sub3A_391, %jit3A_392 : i32
      %ne3A_410 = arith.constant 0 : i32
      %ne3A_411 = arith.cmpi ne, %rem3A_409, %ne3A_410 : i32
      %and3A_412 = arith.andi %ne3A_408, %ne3A_411 : i1
      %sub3A_413 = arith.constant 1 : i32
      %sub3A_414 = arith.subi %div3A_393, %sub3A_413 : i32
      %select_n3A_415 = arith.select %and3A_412, %sub3A_414, %div3A_393 : i32
      %mul3A_416 = arith.constant 16 : i32
      %mul3A_417 = arith.muli %select_n3A_415, %mul3A_416 : i32
      %get3A_418 = arith.index_cast %mul3A_417 : i32 to index
      %get3A_419 = tpu.vector_load %arg6[%get3A_418] {strides = array<i32>} : memref<512xf32, #tpu.memory_space<vmem>>, vector<16xf32>,
      %add3A_420 = arith.addi %mul3A_2, %mul3A_417 : i32
      %add3A_421 = vector.broadcast %add3A_420 : i32 to vector<16xi32>
      %add3A_422 = arith.addi %add3A_421, %iota3A : vector<16xi32>
      %eq3A_423 = vector.broadcast %reduce_min3A_383 : i32 to vector<16xi32>
      %eq3A_424 = arith.cmpi eq, %add3A_422, %eq3A_423 : vector<16xi32>
      %jit3A_425 = arith.constant 0xFF800000 : f32
      %broadcast_in_dim3A_426 = vector.broadcast %jit3A_425 : f32 to vector<16xf32>
      %select_n3A_427 = arith.select %eq3A_424, %broadcast_in_dim3A_426, %get3A_419 : vector<16xi1>, vector<16xf32>
      %swap3A_428 = arith.index_cast %mul3A_417 : i32 to index
      %swap3A_429 = tpu.vector_load %arg6[%swap3A_428] {strides = array<i32>} : memref<512xf32, #tpu.memory_space<vmem>>, vector<16xf32>,
      tpu.vector_store %arg6[%swap3A_428], %select_n3A_427 {strides = array<i32>} : memref<512xf32, #tpu.memory_space<vmem>>, vector<16xf32>,
      %broadcast_in_dim3A_430 = arith.constant 0xFF800000 : f32
      %broadcast_in_dim3A_431 = vector.broadcast %broadcast_in_dim3A_430 : f32 to vector<16xf32>
      %broadcast_in_dim3A_432 = arith.constant 2147483647 : i32
      %broadcast_in_dim3A_433 = vector.broadcast %broadcast_in_dim3A_432 : i32 to vector<16xi32>
      %scan3A_434 = arith.constant 0 : i32
      %scan3A_435 = arith.constant 32 : i32
      %scan3A_436 = arith.addi %scan3A_434, %scan3A_435 : i32
      %scan3A_437 = arith.constant 1 : i32
      %scan3A_438:2 = scf.for %scan3A_735 = %scan3A_434 to %scan3A_436 step %scan3A_437 iter_args(%scan3A_736 = %broadcast_in_dim3A_431, %scan3A_737 = %broadcast_in_dim3A_433) -> (vector<16xf32>, vector<16xi32>)  : i32 {
        %mul3A_738 = arith.constant 16 : i32
        %mul3A_739 = arith.muli %scan3A_735, %mul3A_738 : i32
        %get3A_740 = arith.index_cast %mul3A_739 : i32 to index
        %get3A_741 = tpu.vector_load %arg6[%get3A_740] {strides = array<i32>} : memref<512xf32, #tpu.memory_space<vmem>>, vector<16xf32>,
        %mul3A_742 = arith.constant 16 : i32
        %mul3A_743 = arith.muli %scan3A_735, %mul3A_742 : i32
        %add3A_744 = arith.addi %mul3A_2, %mul3A_743 : i32
        %add3A_745 = vector.broadcast %add3A_744 : i32 to vector<16xi32>
        %add3A_746 = arith.addi %add3A_745, %iota3A : vector<16xi32>
        %gt3A = arith.cmpf ogt, %get3A_741, %scan3A_736 : vector<16xf32>
        %select_n3A_747 = arith.select %gt3A, %get3A_741, %scan3A_736 : vector<16xi1>, vector<16xf32>
        %select_n3A_748 = arith.select %gt3A, %add3A_746, %scan3A_737 : vector<16xi1>, vector<16xi32>
        scf.yield %select_n3A_747, %select_n3A_748 : vector<16xf32>, vector<16xi32>
      }
      %scan3A_439 = arith.constant 32 : i32
      %reduce_max3A_440 = arith.constant true
      %reduce_max3A_441 = vector.broadcast %reduce_max3A_440 : i1 to vector<16xi1>
      %reduce_max3A_442 = tpu.scan <max>, %scan3A_438#0 masked %reduce_max3A_441 : vector<16xf32>, vector<16xi1> -> vector<16xf32>
      %reduce_max3A_443 = vector.extract %reduce_max3A_442[15] : f32 from vector<16xf32>
      %eq3A_444 = vector.broadcast %reduce_max3A_443 : f32 to vector<16xf32>
      %eq3A_445 = arith.cmpf oeq, %scan3A_438#0, %eq3A_444 : vector<16xf32>
      %jit3A_446 = arith.constant 2147483647 : i32
      %broadcast_in_dim3A_447 = vector.broadcast %jit3A_446 : i32 to vector<16xi32>
      %select_n3A_448 = arith.select %eq3A_445, %scan3A_438#1, %broadcast_in_dim3A_447 : vector<16xi1>, vector<16xi32>
      %reduce_min3A_449 = arith.constant true
      %reduce_min3A_450 = vector.broadcast %reduce_min3A_449 : i1 to vector<16xi1>
      %reduce_min3A_451 = arith.constant -2147483648 : i32
      %reduce_min3A_452 = vector.broadcast %reduce_min3A_451 : i32 to vector<16xi32>
      %reduce_min3A_453 = arith.xori %select_n3A_448, %reduce_min3A_452 : vector<16xi32>
      %reduce_min3A_454 = tpu.scan <min>, %reduce_min3A_453 masked %reduce_min3A_450 : vector<16xi32>, vector<16xi1> -> vector<16xi32>
      %reduce_min3A_455 = arith.xori %reduce_min3A_454, %reduce_min3A_452 : vector<16xi32>
      %reduce_min3A_456 = vector.extract %reduce_min3A_455[15] : i32 from vector<16xi32>
      %eq3A_457 = arith.constant 6 : i32
      %eq3A_458 = vector.broadcast %eq3A_457 : i32 to vector<16xi32>
      %eq3A_459 = arith.cmpi eq, %iota3A, %eq3A_458 : vector<16xi32>
      %broadcast_in_dim3A_460 = vector.broadcast %reduce_max3A_443 : f32 to vector<16xf32>
      %select_n3A_461 = arith.select %eq3A_459, %broadcast_in_dim3A_460, %select_n3A_388 : vector<16xi1>, vector<16xf32>
      %broadcast_in_dim3A_462 = vector.broadcast %reduce_min3A_456 : i32 to vector<16xi32>
      %select_n3A_463 = arith.select %eq3A_459, %broadcast_in_dim3A_462, %select_n3A_390 : vector<16xi1>, vector<16xi32>
      %sub3A_464 = arith.subi %reduce_min3A_456, %mul3A_2 : i32
      %jit3A_465 = arith.constant 16 : i32
      %div3A_466 = arith.divsi %sub3A_464, %jit3A_465 : i32
      %sign3A_467 = arith.constant 0 : i32
      %sign3A_468 = arith.cmpi sgt, %sub3A_464, %sign3A_467 : i32
      %sign3A_469 = arith.extui %sign3A_468 : i1 to i32
      %sign3A_470 = arith.constant 0 : i32
      %sign3A_471 = arith.cmpi slt, %sub3A_464, %sign3A_470 : i32
      %sign3A_472 = arith.extui %sign3A_471 : i1 to i32
      %sign3A_473 = arith.subi %sign3A_469, %sign3A_472 : i32
      %sign3A_474 = arith.constant 0 : i32
      %sign3A_475 = arith.cmpi sgt, %jit3A_465, %sign3A_474 : i32
      %sign3A_476 = arith.extui %sign3A_475 : i1 to i32
      %sign3A_477 = arith.constant 0 : i32
      %sign3A_478 = arith.cmpi slt, %jit3A_465, %sign3A_477 : i32
      %sign3A_479 = arith.extui %sign3A_478 : i1 to i32
      %sign3A_480 = arith.subi %sign3A_476, %sign3A_479 : i32
      %ne3A_481 = arith.cmpi ne, %sign3A_473, %sign3A_480 : i32
      %rem3A_482 = arith.remsi %sub3A_464, %jit3A_465 : i32
      %ne3A_483 = arith.constant 0 : i32
      %ne3A_484 = arith.cmpi ne, %rem3A_482, %ne3A_483 : i32
      %and3A_485 = arith.andi %ne3A_481, %ne3A_484 : i1
      %sub3A_486 = arith.constant 1 : i32
      %sub3A_487 = arith.subi %div3A_466, %sub3A_486 : i32
      %select_n3A_488 = arith.select %and3A_485, %sub3A_487, %div3A_466 : i32
      %mul3A_489 = arith.constant 16 : i32
      %mul3A_490 = arith.muli %select_n3A_488, %mul3A_489 : i32
      %get3A_491 = arith.index_cast %mul3A_490 : i32 to index
      %get3A_492 = tpu.vector_load %arg6[%get3A_491] {strides = array<i32>} : memref<512xf32, #tpu.memory_space<vmem>>, vector<16xf32>,
      %add3A_493 = arith.addi %mul3A_2, %mul3A_490 : i32
      %add3A_494 = vector.broadcast %add3A_493 : i32 to vector<16xi32>
      %add3A_495 = arith.addi %add3A_494, %iota3A : vector<16xi32>
      %eq3A_496 = vector.broadcast %reduce_min3A_456 : i32 to vector<16xi32>
      %eq3A_497 = arith.cmpi eq, %add3A_495, %eq3A_496 : vector<16xi32>
      %jit3A_498 = arith.constant 0xFF800000 : f32
      %broadcast_in_dim3A_499 = vector.broadcast %jit3A_498 : f32 to vector<16xf32>
      %select_n3A_500 = arith.select %eq3A_497, %broadcast_in_dim3A_499, %get3A_492 : vector<16xi1>, vector<16xf32>
      %swap3A_501 = arith.index_cast %mul3A_490 : i32 to index
      %swap3A_502 = tpu.vector_load %arg6[%swap3A_501] {strides = array<i32>} : memref<512xf32, #tpu.memory_space<vmem>>, vector<16xf32>,
      tpu.vector_store %arg6[%swap3A_501], %select_n3A_500 {strides = array<i32>} : memref<512xf32, #tpu.memory_space<vmem>>, vector<16xf32>,
      %broadcast_in_dim3A_503 = arith.constant 0xFF800000 : f32
      %broadcast_in_dim3A_504 = vector.broadcast %broadcast_in_dim3A_503 : f32 to vector<16xf32>
      %broadcast_in_dim3A_505 = arith.constant 2147483647 : i32
      %broadcast_in_dim3A_506 = vector.broadcast %broadcast_in_dim3A_505 : i32 to vector<16xi32>
      %scan3A_507 = arith.constant 0 : i32
      %scan3A_508 = arith.constant 32 : i32
      %scan3A_509 = arith.addi %scan3A_507, %scan3A_508 : i32
      %scan3A_510 = arith.constant 1 : i32
      %scan3A_511:2 = scf.for %scan3A_735 = %scan3A_507 to %scan3A_509 step %scan3A_510 iter_args(%scan3A_736 = %broadcast_in_dim3A_504, %scan3A_737 = %broadcast_in_dim3A_506) -> (vector<16xf32>, vector<16xi32>)  : i32 {
        %mul3A_738 = arith.constant 16 : i32
        %mul3A_739 = arith.muli %scan3A_735, %mul3A_738 : i32
        %get3A_740 = arith.index_cast %mul3A_739 : i32 to index
        %get3A_741 = tpu.vector_load %arg6[%get3A_740] {strides = array<i32>} : memref<512xf32, #tpu.memory_space<vmem>>, vector<16xf32>,
        %mul3A_742 = arith.constant 16 : i32
        %mul3A_743 = arith.muli %scan3A_735, %mul3A_742 : i32
        %add3A_744 = arith.addi %mul3A_2, %mul3A_743 : i32
        %add3A_745 = vector.broadcast %add3A_744 : i32 to vector<16xi32>
        %add3A_746 = arith.addi %add3A_745, %iota3A : vector<16xi32>
        %gt3A = arith.cmpf ogt, %get3A_741, %scan3A_736 : vector<16xf32>
        %select_n3A_747 = arith.select %gt3A, %get3A_741, %scan3A_736 : vector<16xi1>, vector<16xf32>
        %select_n3A_748 = arith.select %gt3A, %add3A_746, %scan3A_737 : vector<16xi1>, vector<16xi32>
        scf.yield %select_n3A_747, %select_n3A_748 : vector<16xf32>, vector<16xi32>
      }
      %scan3A_512 = arith.constant 32 : i32
      %reduce_max3A_513 = arith.constant true
      %reduce_max3A_514 = vector.broadcast %reduce_max3A_513 : i1 to vector<16xi1>
      %reduce_max3A_515 = tpu.scan <max>, %scan3A_511#0 masked %reduce_max3A_514 : vector<16xf32>, vector<16xi1> -> vector<16xf32>
      %reduce_max3A_516 = vector.extract %reduce_max3A_515[15] : f32 from vector<16xf32>
      %eq3A_517 = vector.broadcast %reduce_max3A_516 : f32 to vector<16xf32>
      %eq3A_518 = arith.cmpf oeq, %scan3A_511#0, %eq3A_517 : vector<16xf32>
      %jit3A_519 = arith.constant 2147483647 : i32
      %broadcast_in_dim3A_520 = vector.broadcast %jit3A_519 : i32 to vector<16xi32>
      %select_n3A_521 = arith.select %eq3A_518, %scan3A_511#1, %broadcast_in_dim3A_520 : vector<16xi1>, vector<16xi32>
      %reduce_min3A_522 = arith.constant true
      %reduce_min3A_523 = vector.broadcast %reduce_min3A_522 : i1 to vector<16xi1>
      %reduce_min3A_524 = arith.constant -2147483648 : i32
      %reduce_min3A_525 = vector.broadcast %reduce_min3A_524 : i32 to vector<16xi32>
      %reduce_min3A_526 = arith.xori %select_n3A_521, %reduce_min3A_525 : vector<16xi32>
      %reduce_min3A_527 = tpu.scan <min>, %reduce_min3A_526 masked %reduce_min3A_523 : vector<16xi32>, vector<16xi1> -> vector<16xi32>
      %reduce_min3A_528 = arith.xori %reduce_min3A_527, %reduce_min3A_525 : vector<16xi32>
      %reduce_min3A_529 = vector.extract %reduce_min3A_528[15] : i32 from vector<16xi32>
      %eq3A_530 = arith.constant 7 : i32
      %eq3A_531 = vector.broadcast %eq3A_530 : i32 to vector<16xi32>
      %eq3A_532 = arith.cmpi eq, %iota3A, %eq3A_531 : vector<16xi32>
      %broadcast_in_dim3A_533 = vector.broadcast %reduce_max3A_516 : f32 to vector<16xf32>
      %select_n3A_534 = arith.select %eq3A_532, %broadcast_in_dim3A_533, %select_n3A_461 : vector<16xi1>, vector<16xf32>
      %broadcast_in_dim3A_535 = vector.broadcast %reduce_min3A_529 : i32 to vector<16xi32>
      %select_n3A_536 = arith.select %eq3A_532, %broadcast_in_dim3A_535, %select_n3A_463 : vector<16xi1>, vector<16xi32>
      %sub3A_537 = arith.subi %reduce_min3A_529, %mul3A_2 : i32
      %jit3A_538 = arith.constant 16 : i32
      %div3A_539 = arith.divsi %sub3A_537, %jit3A_538 : i32
      %sign3A_540 = arith.constant 0 : i32
      %sign3A_541 = arith.cmpi sgt, %sub3A_537, %sign3A_540 : i32
      %sign3A_542 = arith.extui %sign3A_541 : i1 to i32
      %sign3A_543 = arith.constant 0 : i32
      %sign3A_544 = arith.cmpi slt, %sub3A_537, %sign3A_543 : i32
      %sign3A_545 = arith.extui %sign3A_544 : i1 to i32
      %sign3A_546 = arith.subi %sign3A_542, %sign3A_545 : i32
      %sign3A_547 = arith.constant 0 : i32
      %sign3A_548 = arith.cmpi sgt, %jit3A_538, %sign3A_547 : i32
      %sign3A_549 = arith.extui %sign3A_548 : i1 to i32
      %sign3A_550 = arith.constant 0 : i32
      %sign3A_551 = arith.cmpi slt, %jit3A_538, %sign3A_550 : i32
      %sign3A_552 = arith.extui %sign3A_551 : i1 to i32
      %sign3A_553 = arith.subi %sign3A_549, %sign3A_552 : i32
      %ne3A_554 = arith.cmpi ne, %sign3A_546, %sign3A_553 : i32
      %rem3A_555 = arith.remsi %sub3A_537, %jit3A_538 : i32
      %ne3A_556 = arith.constant 0 : i32
      %ne3A_557 = arith.cmpi ne, %rem3A_555, %ne3A_556 : i32
      %and3A_558 = arith.andi %ne3A_554, %ne3A_557 : i1
      %sub3A_559 = arith.constant 1 : i32
      %sub3A_560 = arith.subi %div3A_539, %sub3A_559 : i32
      %select_n3A_561 = arith.select %and3A_558, %sub3A_560, %div3A_539 : i32
      %mul3A_562 = arith.constant 16 : i32
      %mul3A_563 = arith.muli %select_n3A_561, %mul3A_562 : i32
      %get3A_564 = arith.index_cast %mul3A_563 : i32 to index
      %get3A_565 = tpu.vector_load %arg6[%get3A_564] {strides = array<i32>} : memref<512xf32, #tpu.memory_space<vmem>>, vector<16xf32>,
      %add3A_566 = arith.addi %mul3A_2, %mul3A_563 : i32
      %add3A_567 = vector.broadcast %add3A_566 : i32 to vector<16xi32>
      %add3A_568 = arith.addi %add3A_567, %iota3A : vector<16xi32>
      %eq3A_569 = vector.broadcast %reduce_min3A_529 : i32 to vector<16xi32>
      %eq3A_570 = arith.cmpi eq, %add3A_568, %eq3A_569 : vector<16xi32>
      %jit3A_571 = arith.constant 0xFF800000 : f32
      %broadcast_in_dim3A_572 = vector.broadcast %jit3A_571 : f32 to vector<16xf32>
      %select_n3A_573 = arith.select %eq3A_570, %broadcast_in_dim3A_572, %get3A_565 : vector<16xi1>, vector<16xf32>
      %swap3A_574 = arith.index_cast %mul3A_563 : i32 to index
      %swap3A_575 = tpu.vector_load %arg6[%swap3A_574] {strides = array<i32>} : memref<512xf32, #tpu.memory_space<vmem>>, vector<16xf32>,
      tpu.vector_store %arg6[%swap3A_574], %select_n3A_573 {strides = array<i32>} : memref<512xf32, #tpu.memory_space<vmem>>, vector<16xf32>,
      %broadcast_in_dim3A_576 = arith.constant 0xFF800000 : f32
      %broadcast_in_dim3A_577 = vector.broadcast %broadcast_in_dim3A_576 : f32 to vector<16xf32>
      %broadcast_in_dim3A_578 = arith.constant 2147483647 : i32
      %broadcast_in_dim3A_579 = vector.broadcast %broadcast_in_dim3A_578 : i32 to vector<16xi32>
      %scan3A_580 = arith.constant 0 : i32
      %scan3A_581 = arith.constant 32 : i32
      %scan3A_582 = arith.addi %scan3A_580, %scan3A_581 : i32
      %scan3A_583 = arith.constant 1 : i32
      %scan3A_584:2 = scf.for %scan3A_735 = %scan3A_580 to %scan3A_582 step %scan3A_583 iter_args(%scan3A_736 = %broadcast_in_dim3A_577, %scan3A_737 = %broadcast_in_dim3A_579) -> (vector<16xf32>, vector<16xi32>)  : i32 {
        %mul3A_738 = arith.constant 16 : i32
        %mul3A_739 = arith.muli %scan3A_735, %mul3A_738 : i32
        %get3A_740 = arith.index_cast %mul3A_739 : i32 to index
        %get3A_741 = tpu.vector_load %arg6[%get3A_740] {strides = array<i32>} : memref<512xf32, #tpu.memory_space<vmem>>, vector<16xf32>,
        %mul3A_742 = arith.constant 16 : i32
        %mul3A_743 = arith.muli %scan3A_735, %mul3A_742 : i32
        %add3A_744 = arith.addi %mul3A_2, %mul3A_743 : i32
        %add3A_745 = vector.broadcast %add3A_744 : i32 to vector<16xi32>
        %add3A_746 = arith.addi %add3A_745, %iota3A : vector<16xi32>
        %gt3A = arith.cmpf ogt, %get3A_741, %scan3A_736 : vector<16xf32>
        %select_n3A_747 = arith.select %gt3A, %get3A_741, %scan3A_736 : vector<16xi1>, vector<16xf32>
        %select_n3A_748 = arith.select %gt3A, %add3A_746, %scan3A_737 : vector<16xi1>, vector<16xi32>
        scf.yield %select_n3A_747, %select_n3A_748 : vector<16xf32>, vector<16xi32>
      }
      %scan3A_585 = arith.constant 32 : i32
      %reduce_max3A_586 = arith.constant true
      %reduce_max3A_587 = vector.broadcast %reduce_max3A_586 : i1 to vector<16xi1>
      %reduce_max3A_588 = tpu.scan <max>, %scan3A_584#0 masked %reduce_max3A_587 : vector<16xf32>, vector<16xi1> -> vector<16xf32>
      %reduce_max3A_589 = vector.extract %reduce_max3A_588[15] : f32 from vector<16xf32>
      %eq3A_590 = vector.broadcast %reduce_max3A_589 : f32 to vector<16xf32>
      %eq3A_591 = arith.cmpf oeq, %scan3A_584#0, %eq3A_590 : vector<16xf32>
      %jit3A_592 = arith.constant 2147483647 : i32
      %broadcast_in_dim3A_593 = vector.broadcast %jit3A_592 : i32 to vector<16xi32>
      %select_n3A_594 = arith.select %eq3A_591, %scan3A_584#1, %broadcast_in_dim3A_593 : vector<16xi1>, vector<16xi32>
      %reduce_min3A_595 = arith.constant true
      %reduce_min3A_596 = vector.broadcast %reduce_min3A_595 : i1 to vector<16xi1>
      %reduce_min3A_597 = arith.constant -2147483648 : i32
      %reduce_min3A_598 = vector.broadcast %reduce_min3A_597 : i32 to vector<16xi32>
      %reduce_min3A_599 = arith.xori %select_n3A_594, %reduce_min3A_598 : vector<16xi32>
      %reduce_min3A_600 = tpu.scan <min>, %reduce_min3A_599 masked %reduce_min3A_596 : vector<16xi32>, vector<16xi1> -> vector<16xi32>
      %reduce_min3A_601 = arith.xori %reduce_min3A_600, %reduce_min3A_598 : vector<16xi32>
      %reduce_min3A_602 = vector.extract %reduce_min3A_601[15] : i32 from vector<16xi32>
      %eq3A_603 = arith.constant 8 : i32
      %eq3A_604 = vector.broadcast %eq3A_603 : i32 to vector<16xi32>
      %eq3A_605 = arith.cmpi eq, %iota3A, %eq3A_604 : vector<16xi32>
      %broadcast_in_dim3A_606 = vector.broadcast %reduce_max3A_589 : f32 to vector<16xf32>
      %select_n3A_607 = arith.select %eq3A_605, %broadcast_in_dim3A_606, %select_n3A_534 : vector<16xi1>, vector<16xf32>
      %broadcast_in_dim3A_608 = vector.broadcast %reduce_min3A_602 : i32 to vector<16xi32>
      %select_n3A_609 = arith.select %eq3A_605, %broadcast_in_dim3A_608, %select_n3A_536 : vector<16xi1>, vector<16xi32>
      %sub3A_610 = arith.subi %reduce_min3A_602, %mul3A_2 : i32
      %jit3A_611 = arith.constant 16 : i32
      %div3A_612 = arith.divsi %sub3A_610, %jit3A_611 : i32
      %sign3A_613 = arith.constant 0 : i32
      %sign3A_614 = arith.cmpi sgt, %sub3A_610, %sign3A_613 : i32
      %sign3A_615 = arith.extui %sign3A_614 : i1 to i32
      %sign3A_616 = arith.constant 0 : i32
      %sign3A_617 = arith.cmpi slt, %sub3A_610, %sign3A_616 : i32
      %sign3A_618 = arith.extui %sign3A_617 : i1 to i32
      %sign3A_619 = arith.subi %sign3A_615, %sign3A_618 : i32
      %sign3A_620 = arith.constant 0 : i32
      %sign3A_621 = arith.cmpi sgt, %jit3A_611, %sign3A_620 : i32
      %sign3A_622 = arith.extui %sign3A_621 : i1 to i32
      %sign3A_623 = arith.constant 0 : i32
      %sign3A_624 = arith.cmpi slt, %jit3A_611, %sign3A_623 : i32
      %sign3A_625 = arith.extui %sign3A_624 : i1 to i32
      %sign3A_626 = arith.subi %sign3A_622, %sign3A_625 : i32
      %ne3A_627 = arith.cmpi ne, %sign3A_619, %sign3A_626 : i32
      %rem3A_628 = arith.remsi %sub3A_610, %jit3A_611 : i32
      %ne3A_629 = arith.constant 0 : i32
      %ne3A_630 = arith.cmpi ne, %rem3A_628, %ne3A_629 : i32
      %and3A_631 = arith.andi %ne3A_627, %ne3A_630 : i1
      %sub3A_632 = arith.constant 1 : i32
      %sub3A_633 = arith.subi %div3A_612, %sub3A_632 : i32
      %select_n3A_634 = arith.select %and3A_631, %sub3A_633, %div3A_612 : i32
      %mul3A_635 = arith.constant 16 : i32
      %mul3A_636 = arith.muli %select_n3A_634, %mul3A_635 : i32
      %get3A_637 = arith.index_cast %mul3A_636 : i32 to index
      %get3A_638 = tpu.vector_load %arg6[%get3A_637] {strides = array<i32>} : memref<512xf32, #tpu.memory_space<vmem>>, vector<16xf32>,
      %add3A_639 = arith.addi %mul3A_2, %mul3A_636 : i32
      %add3A_640 = vector.broadcast %add3A_639 : i32 to vector<16xi32>
      %add3A_641 = arith.addi %add3A_640, %iota3A : vector<16xi32>
      %eq3A_642 = vector.broadcast %reduce_min3A_602 : i32 to vector<16xi32>
      %eq3A_643 = arith.cmpi eq, %add3A_641, %eq3A_642 : vector<16xi32>
      %jit3A_644 = arith.constant 0xFF800000 : f32
      %broadcast_in_dim3A_645 = vector.broadcast %jit3A_644 : f32 to vector<16xf32>
      %select_n3A_646 = arith.select %eq3A_643, %broadcast_in_dim3A_645, %get3A_638 : vector<16xi1>, vector<16xf32>
      %swap3A_647 = arith.index_cast %mul3A_636 : i32 to index
      %swap3A_648 = tpu.vector_load %arg6[%swap3A_647] {strides = array<i32>} : memref<512xf32, #tpu.memory_space<vmem>>, vector<16xf32>,
      tpu.vector_store %arg6[%swap3A_647], %select_n3A_646 {strides = array<i32>} : memref<512xf32, #tpu.memory_space<vmem>>, vector<16xf32>,
      %broadcast_in_dim3A_649 = arith.constant 0xFF800000 : f32
      %broadcast_in_dim3A_650 = vector.broadcast %broadcast_in_dim3A_649 : f32 to vector<16xf32>
      %broadcast_in_dim3A_651 = arith.constant 2147483647 : i32
      %broadcast_in_dim3A_652 = vector.broadcast %broadcast_in_dim3A_651 : i32 to vector<16xi32>
      %scan3A_653 = arith.constant 0 : i32
      %scan3A_654 = arith.constant 32 : i32
      %scan3A_655 = arith.addi %scan3A_653, %scan3A_654 : i32
      %scan3A_656 = arith.constant 1 : i32
      %scan3A_657:2 = scf.for %scan3A_735 = %scan3A_653 to %scan3A_655 step %scan3A_656 iter_args(%scan3A_736 = %broadcast_in_dim3A_650, %scan3A_737 = %broadcast_in_dim3A_652) -> (vector<16xf32>, vector<16xi32>)  : i32 {
        %mul3A_738 = arith.constant 16 : i32
        %mul3A_739 = arith.muli %scan3A_735, %mul3A_738 : i32
        %get3A_740 = arith.index_cast %mul3A_739 : i32 to index
        %get3A_741 = tpu.vector_load %arg6[%get3A_740] {strides = array<i32>} : memref<512xf32, #tpu.memory_space<vmem>>, vector<16xf32>,
        %mul3A_742 = arith.constant 16 : i32
        %mul3A_743 = arith.muli %scan3A_735, %mul3A_742 : i32
        %add3A_744 = arith.addi %mul3A_2, %mul3A_743 : i32
        %add3A_745 = vector.broadcast %add3A_744 : i32 to vector<16xi32>
        %add3A_746 = arith.addi %add3A_745, %iota3A : vector<16xi32>
        %gt3A = arith.cmpf ogt, %get3A_741, %scan3A_736 : vector<16xf32>
        %select_n3A_747 = arith.select %gt3A, %get3A_741, %scan3A_736 : vector<16xi1>, vector<16xf32>
        %select_n3A_748 = arith.select %gt3A, %add3A_746, %scan3A_737 : vector<16xi1>, vector<16xi32>
        scf.yield %select_n3A_747, %select_n3A_748 : vector<16xf32>, vector<16xi32>
      }
      %scan3A_658 = arith.constant 32 : i32
      %reduce_max3A_659 = arith.constant true
      %reduce_max3A_660 = vector.broadcast %reduce_max3A_659 : i1 to vector<16xi1>
      %reduce_max3A_661 = tpu.scan <max>, %scan3A_657#0 masked %reduce_max3A_660 : vector<16xf32>, vector<16xi1> -> vector<16xf32>
      %reduce_max3A_662 = vector.extract %reduce_max3A_661[15] : f32 from vector<16xf32>
      %eq3A_663 = vector.broadcast %reduce_max3A_662 : f32 to vector<16xf32>
      %eq3A_664 = arith.cmpf oeq, %scan3A_657#0, %eq3A_663 : vector<16xf32>
      %jit3A_665 = arith.constant 2147483647 : i32
      %broadcast_in_dim3A_666 = vector.broadcast %jit3A_665 : i32 to vector<16xi32>
      %select_n3A_667 = arith.select %eq3A_664, %scan3A_657#1, %broadcast_in_dim3A_666 : vector<16xi1>, vector<16xi32>
      %reduce_min3A_668 = arith.constant true
      %reduce_min3A_669 = vector.broadcast %reduce_min3A_668 : i1 to vector<16xi1>
      %reduce_min3A_670 = arith.constant -2147483648 : i32
      %reduce_min3A_671 = vector.broadcast %reduce_min3A_670 : i32 to vector<16xi32>
      %reduce_min3A_672 = arith.xori %select_n3A_667, %reduce_min3A_671 : vector<16xi32>
      %reduce_min3A_673 = tpu.scan <min>, %reduce_min3A_672 masked %reduce_min3A_669 : vector<16xi32>, vector<16xi1> -> vector<16xi32>
      %reduce_min3A_674 = arith.xori %reduce_min3A_673, %reduce_min3A_671 : vector<16xi32>
      %reduce_min3A_675 = vector.extract %reduce_min3A_674[15] : i32 from vector<16xi32>
      %eq3A_676 = arith.constant 9 : i32
      %eq3A_677 = vector.broadcast %eq3A_676 : i32 to vector<16xi32>
      %eq3A_678 = arith.cmpi eq, %iota3A, %eq3A_677 : vector<16xi32>
      %broadcast_in_dim3A_679 = vector.broadcast %reduce_max3A_662 : f32 to vector<16xf32>
      %select_n3A_680 = arith.select %eq3A_678, %broadcast_in_dim3A_679, %select_n3A_607 : vector<16xi1>, vector<16xf32>
      %broadcast_in_dim3A_681 = vector.broadcast %reduce_min3A_675 : i32 to vector<16xi32>
      %select_n3A_682 = arith.select %eq3A_678, %broadcast_in_dim3A_681, %select_n3A_609 : vector<16xi1>, vector<16xi32>
      %sub3A_683 = arith.subi %reduce_min3A_675, %mul3A_2 : i32
      %jit3A_684 = arith.constant 16 : i32
      %div3A_685 = arith.divsi %sub3A_683, %jit3A_684 : i32
      %sign3A_686 = arith.constant 0 : i32
      %sign3A_687 = arith.cmpi sgt, %sub3A_683, %sign3A_686 : i32
      %sign3A_688 = arith.extui %sign3A_687 : i1 to i32
      %sign3A_689 = arith.constant 0 : i32
      %sign3A_690 = arith.cmpi slt, %sub3A_683, %sign3A_689 : i32
      %sign3A_691 = arith.extui %sign3A_690 : i1 to i32
      %sign3A_692 = arith.subi %sign3A_688, %sign3A_691 : i32
      %sign3A_693 = arith.constant 0 : i32
      %sign3A_694 = arith.cmpi sgt, %jit3A_684, %sign3A_693 : i32
      %sign3A_695 = arith.extui %sign3A_694 : i1 to i32
      %sign3A_696 = arith.constant 0 : i32
      %sign3A_697 = arith.cmpi slt, %jit3A_684, %sign3A_696 : i32
      %sign3A_698 = arith.extui %sign3A_697 : i1 to i32
      %sign3A_699 = arith.subi %sign3A_695, %sign3A_698 : i32
      %ne3A_700 = arith.cmpi ne, %sign3A_692, %sign3A_699 : i32
      %rem3A_701 = arith.remsi %sub3A_683, %jit3A_684 : i32
      %ne3A_702 = arith.constant 0 : i32
      %ne3A_703 = arith.cmpi ne, %rem3A_701, %ne3A_702 : i32
      %and3A_704 = arith.andi %ne3A_700, %ne3A_703 : i1
      %sub3A_705 = arith.constant 1 : i32
      %sub3A_706 = arith.subi %div3A_685, %sub3A_705 : i32
      %select_n3A_707 = arith.select %and3A_704, %sub3A_706, %div3A_685 : i32
      %mul3A_708 = arith.constant 16 : i32
      %mul3A_709 = arith.muli %select_n3A_707, %mul3A_708 : i32
      %get3A_710 = arith.index_cast %mul3A_709 : i32 to index
      %get3A_711 = tpu.vector_load %arg6[%get3A_710] {strides = array<i32>} : memref<512xf32, #tpu.memory_space<vmem>>, vector<16xf32>,
      %add3A_712 = arith.addi %mul3A_2, %mul3A_709 : i32
      %add3A_713 = vector.broadcast %add3A_712 : i32 to vector<16xi32>
      %add3A_714 = arith.addi %add3A_713, %iota3A : vector<16xi32>
      %eq3A_715 = vector.broadcast %reduce_min3A_675 : i32 to vector<16xi32>
      %eq3A_716 = arith.cmpi eq, %add3A_714, %eq3A_715 : vector<16xi32>
      %jit3A_717 = arith.constant 0xFF800000 : f32
      %broadcast_in_dim3A_718 = vector.broadcast %jit3A_717 : f32 to vector<16xf32>
      %select_n3A_719 = arith.select %eq3A_716, %broadcast_in_dim3A_718, %get3A_711 : vector<16xi1>, vector<16xf32>
      %swap3A_720 = arith.index_cast %mul3A_709 : i32 to index
      %swap3A_721 = tpu.vector_load %arg6[%swap3A_720] {strides = array<i32>} : memref<512xf32, #tpu.memory_space<vmem>>, vector<16xf32>,
      tpu.vector_store %arg6[%swap3A_720], %select_n3A_719 {strides = array<i32>} : memref<512xf32, #tpu.memory_space<vmem>>, vector<16xf32>,
      %swap3A_722 = arith.constant 0 : index
      %swap3A_723 = tpu.vector_load %arg9[%swap3A_722] {strides = array<i32>} : memref<16xf32, #tpu.memory_space<vmem>>, vector<16xf32>,
      tpu.vector_store %arg9[%swap3A_722], %select_n3A_680 {strides = array<i32>} : memref<16xf32, #tpu.memory_space<vmem>>, vector<16xf32>,
      %swap3A_724 = arith.constant 0 : index
      %swap3A_725 = tpu.vector_load %arg10[%swap3A_724] {strides = array<i32>} : memref<16xi32, #tpu.memory_space<vmem>>, vector<16xi32>,
      tpu.vector_store %arg10[%swap3A_724], %select_n3A_682 {strides = array<i32>} : memref<16xi32, #tpu.memory_space<vmem>>, vector<16xi32>,
      %mul3A_726 = arith.constant 16 : i32
      %mul3A_727 = arith.muli %arg1, %mul3A_726 : i32
      "tpu.region"() ({
        %run_scoped3A_735 = tpu.sem_alloc : memref<!tpu.dma_semaphore, #tpu.memory_space<semaphore_mem>>
        %dma_start3A = tpu.memref_slice %arg14[%mul3A_727] : memref<256xf32, #tpu.memory_space<vmem_shared>> -> memref<16xf32, #tpu.memory_space<vmem_shared>>
        %dma_start3A_736 = tpu.memref_slice %arg14[%mul3A_727] : memref<256xf32, #tpu.memory_space<vmem_shared>> -> memref<16xf32, #tpu.memory_space<vmem_shared>>
        tpu.enqueue_dma source(%arg9 : memref<16xf32, #tpu.memory_space<vmem>>) target(%dma_start3A_736 : memref<16xf32, #tpu.memory_space<vmem_shared>>) target_semaphore(%run_scoped3A_735 : memref<!tpu.dma_semaphore, #tpu.memory_space<semaphore_mem>>)
        %dma_wait3A = tpu.memref_slice %arg14[%mul3A_727] : memref<256xf32, #tpu.memory_space<vmem_shared>> -> memref<16xf32, #tpu.memory_space<vmem_shared>>
        %dma_wait3A_737 = tpu.memref_slice %arg14[%mul3A_727] : memref<256xf32, #tpu.memory_space<vmem_shared>> -> memref<16xf32, #tpu.memory_space<vmem_shared>>
        tpu.wait_dma2 semaphore(%run_scoped3A_735 : memref<!tpu.dma_semaphore, #tpu.memory_space<semaphore_mem>>) src(%arg9 : memref<16xf32, #tpu.memory_space<vmem>>) dst(%dma_wait3A_737 : memref<16xf32, #tpu.memory_space<vmem_shared>>)
        tpu.yield
      }) : () -> ()
      %mul3A_728 = arith.constant 16 : i32
      %mul3A_729 = arith.muli %arg1, %mul3A_728 : i32
      "tpu.region"() ({
        %run_scoped3A_735 = tpu.sem_alloc : memref<!tpu.dma_semaphore, #tpu.memory_space<semaphore_mem>>
        %dma_start3A = tpu.memref_slice %arg15[%mul3A_729] : memref<256xi32, #tpu.memory_space<vmem_shared>> -> memref<16xi32, #tpu.memory_space<vmem_shared>>
        %dma_start3A_736 = tpu.memref_slice %arg15[%mul3A_729] : memref<256xi32, #tpu.memory_space<vmem_shared>> -> memref<16xi32, #tpu.memory_space<vmem_shared>>
        tpu.enqueue_dma source(%arg10 : memref<16xi32, #tpu.memory_space<vmem>>) target(%dma_start3A_736 : memref<16xi32, #tpu.memory_space<vmem_shared>>) target_semaphore(%run_scoped3A_735 : memref<!tpu.dma_semaphore, #tpu.memory_space<semaphore_mem>>)
        %dma_wait3A = tpu.memref_slice %arg15[%mul3A_729] : memref<256xi32, #tpu.memory_space<vmem_shared>> -> memref<16xi32, #tpu.memory_space<vmem_shared>>
        %dma_wait3A_737 = tpu.memref_slice %arg15[%mul3A_729] : memref<256xi32, #tpu.memory_space<vmem_shared>> -> memref<16xi32, #tpu.memory_space<vmem_shared>>
        tpu.wait_dma2 semaphore(%run_scoped3A_735 : memref<!tpu.dma_semaphore, #tpu.memory_space<semaphore_mem>>) src(%arg10 : memref<16xi32, #tpu.memory_space<vmem>>) dst(%dma_wait3A_737 : memref<16xi32, #tpu.memory_space<vmem_shared>>)
        tpu.yield
      }) : () -> ()
      %barrier3A = arith.constant 0 : index
      tpu.barrier barrier_id(%barrier3A)
      %eq3A_730 = arith.constant 0 : i32
      %eq3A_731 = arith.cmpi eq, %arg1, %eq3A_730 : i32
      %convert_element_type3A_732 = arith.extui %eq3A_731 : i1 to i32
      %cond3A_733 = arith.constant 0 : i32
      %cond3A_734 = arith.cmpi ne, %convert_element_type3A_732, %cond3A_733 : i32
      scf.if %cond3A_734 {
        "tpu.region"() ({
          %run_scoped3A_1616 = tpu.sem_alloc : memref<!tpu.dma_semaphore, #tpu.memory_space<semaphore_mem>>
          tpu.enqueue_dma source(%arg14 : memref<256xf32, #tpu.memory_space<vmem_shared>>) target(%arg12 : memref<256xf32, #tpu.memory_space<vmem>>) target_semaphore(%run_scoped3A_1616 : memref<!tpu.dma_semaphore, #tpu.memory_space<semaphore_mem>>)
          tpu.wait_dma2 semaphore(%run_scoped3A_1616 : memref<!tpu.dma_semaphore, #tpu.memory_space<semaphore_mem>>) src(%arg14 : memref<256xf32, #tpu.memory_space<vmem_shared>>) dst(%arg12 : memref<256xf32, #tpu.memory_space<vmem>>)
          tpu.yield
        }) : () -> ()
        "tpu.region"() ({
          %run_scoped3A_1616 = tpu.sem_alloc : memref<!tpu.dma_semaphore, #tpu.memory_space<semaphore_mem>>
          tpu.enqueue_dma source(%arg15 : memref<256xi32, #tpu.memory_space<vmem_shared>>) target(%arg13 : memref<256xi32, #tpu.memory_space<vmem>>) target_semaphore(%run_scoped3A_1616 : memref<!tpu.dma_semaphore, #tpu.memory_space<semaphore_mem>>)
          tpu.wait_dma2 semaphore(%run_scoped3A_1616 : memref<!tpu.dma_semaphore, #tpu.memory_space<semaphore_mem>>) src(%arg15 : memref<256xi32, #tpu.memory_space<vmem_shared>>) dst(%arg13 : memref<256xi32, #tpu.memory_space<vmem>>)
          tpu.yield
        }) : () -> ()
        %broadcast_in_dim3A_735 = arith.constant 0xFF800000 : f32
        %broadcast_in_dim3A_736 = vector.broadcast %broadcast_in_dim3A_735 : f32 to vector<16xf32>
        %broadcast_in_dim3A_737 = arith.constant 0 : i32
        %broadcast_in_dim3A_738 = vector.broadcast %broadcast_in_dim3A_737 : i32 to vector<16xi32>
        %broadcast_in_dim3A_739 = arith.constant 0xFF800000 : f32
        %broadcast_in_dim3A_740 = vector.broadcast %broadcast_in_dim3A_739 : f32 to vector<16xf32>
        %broadcast_in_dim3A_741 = arith.constant 2147483647 : i32
        %broadcast_in_dim3A_742 = vector.broadcast %broadcast_in_dim3A_741 : i32 to vector<16xi32>
        %broadcast_in_dim3A_743 = arith.constant 2147483647 : i32
        %broadcast_in_dim3A_744 = vector.broadcast %broadcast_in_dim3A_743 : i32 to vector<16xi32>
        %scan3A_745 = arith.constant 0 : i32
        %scan3A_746 = arith.constant 16 : i32
        %scan3A_747 = arith.addi %scan3A_745, %scan3A_746 : i32
        %scan3A_748 = arith.constant 1 : i32
        %scan3A_749:3 = scf.for %scan3A_1616 = %scan3A_745 to %scan3A_747 step %scan3A_748 iter_args(%scan3A_1617 = %broadcast_in_dim3A_740, %scan3A_1618 = %broadcast_in_dim3A_742, %scan3A_1619 = %broadcast_in_dim3A_744) -> (vector<16xf32>, vector<16xi32>, vector<16xi32>)  : i32 {
          %mul3A_1620 = arith.constant 16 : i32
          %mul3A_1621 = arith.muli %scan3A_1616, %mul3A_1620 : i32
          %get3A_1622 = arith.index_cast %mul3A_1621 : i32 to index
          %get3A_1623 = tpu.vector_load %arg12[%get3A_1622] {strides = array<i32>} : memref<256xf32, #tpu.memory_space<vmem>>, vector<16xf32>,
          %mul3A_1624 = arith.constant 16 : i32
          %mul3A_1625 = arith.muli %scan3A_1616, %mul3A_1624 : i32
          %get3A_1626 = arith.index_cast %mul3A_1625 : i32 to index
          %get3A_1627 = tpu.vector_load %arg13[%get3A_1626] {strides = array<i32>} : memref<256xi32, #tpu.memory_space<vmem>>, vector<16xi32>,
          %mul3A_1628 = arith.constant 16 : i32
          %mul3A_1629 = arith.muli %scan3A_1616, %mul3A_1628 : i32
          %add3A_1630 = vector.broadcast %mul3A_1629 : i32 to vector<16xi32>
          %add3A_1631 = arith.addi %add3A_1630, %iota3A : vector<16xi32>
          %gt3A = arith.cmpf ogt, %get3A_1623, %scan3A_1617 : vector<16xf32>
          %select_n3A_1632 = arith.select %gt3A, %get3A_1623, %scan3A_1617 : vector<16xi1>, vector<16xf32>
          %select_n3A_1633 = arith.select %gt3A, %get3A_1627, %scan3A_1618 : vector<16xi1>, vector<16xi32>
          %select_n3A_1634 = arith.select %gt3A, %add3A_1631, %scan3A_1619 : vector<16xi1>, vector<16xi32>
          scf.yield %select_n3A_1632, %select_n3A_1633, %select_n3A_1634 : vector<16xf32>, vector<16xi32>, vector<16xi32>
        }
        %scan3A_750 = arith.constant 16 : i32
        %reduce_max3A_751 = arith.constant true
        %reduce_max3A_752 = vector.broadcast %reduce_max3A_751 : i1 to vector<16xi1>
        %reduce_max3A_753 = tpu.scan <max>, %scan3A_749#0 masked %reduce_max3A_752 : vector<16xf32>, vector<16xi1> -> vector<16xf32>
        %reduce_max3A_754 = vector.extract %reduce_max3A_753[15] : f32 from vector<16xf32>
        %eq3A_755 = vector.broadcast %reduce_max3A_754 : f32 to vector<16xf32>
        %eq3A_756 = arith.cmpf oeq, %scan3A_749#0, %eq3A_755 : vector<16xf32>
        %jit3A_757 = arith.constant 2147483647 : i32
        %broadcast_in_dim3A_758 = vector.broadcast %jit3A_757 : i32 to vector<16xi32>
        %select_n3A_759 = arith.select %eq3A_756, %scan3A_749#2, %broadcast_in_dim3A_758 : vector<16xi1>, vector<16xi32>
        %reduce_min3A_760 = arith.constant true
        %reduce_min3A_761 = vector.broadcast %reduce_min3A_760 : i1 to vector<16xi1>
        %reduce_min3A_762 = arith.constant -2147483648 : i32
        %reduce_min3A_763 = vector.broadcast %reduce_min3A_762 : i32 to vector<16xi32>
        %reduce_min3A_764 = arith.xori %select_n3A_759, %reduce_min3A_763 : vector<16xi32>
        %reduce_min3A_765 = tpu.scan <min>, %reduce_min3A_764 masked %reduce_min3A_761 : vector<16xi32>, vector<16xi1> -> vector<16xi32>
        %reduce_min3A_766 = arith.xori %reduce_min3A_765, %reduce_min3A_763 : vector<16xi32>
        %reduce_min3A_767 = vector.extract %reduce_min3A_766[15] : i32 from vector<16xi32>
        %eq3A_768 = vector.broadcast %reduce_min3A_767 : i32 to vector<16xi32>
        %eq3A_769 = arith.cmpi eq, %scan3A_749#2, %eq3A_768 : vector<16xi32>
        %jit3A_770 = arith.constant 2147483647 : i32
        %broadcast_in_dim3A_771 = vector.broadcast %jit3A_770 : i32 to vector<16xi32>
        %select_n3A_772 = arith.select %eq3A_769, %scan3A_749#1, %broadcast_in_dim3A_771 : vector<16xi1>, vector<16xi32>
        %reduce_min3A_773 = arith.constant true
        %reduce_min3A_774 = vector.broadcast %reduce_min3A_773 : i1 to vector<16xi1>
        %reduce_min3A_775 = arith.constant -2147483648 : i32
        %reduce_min3A_776 = vector.broadcast %reduce_min3A_775 : i32 to vector<16xi32>
        %reduce_min3A_777 = arith.xori %select_n3A_772, %reduce_min3A_776 : vector<16xi32>
        %reduce_min3A_778 = tpu.scan <min>, %reduce_min3A_777 masked %reduce_min3A_774 : vector<16xi32>, vector<16xi1> -> vector<16xi32>
        %reduce_min3A_779 = arith.xori %reduce_min3A_778, %reduce_min3A_776 : vector<16xi32>
        %reduce_min3A_780 = vector.extract %reduce_min3A_779[15] : i32 from vector<16xi32>
        %eq3A_781 = arith.constant 0 : i32
        %eq3A_782 = vector.broadcast %eq3A_781 : i32 to vector<16xi32>
        %eq3A_783 = arith.cmpi eq, %iota3A, %eq3A_782 : vector<16xi32>
        %broadcast_in_dim3A_784 = vector.broadcast %reduce_max3A_754 : f32 to vector<16xf32>
        %select_n3A_785 = arith.select %eq3A_783, %broadcast_in_dim3A_784, %broadcast_in_dim3A_736 : vector<16xi1>, vector<16xf32>
        %broadcast_in_dim3A_786 = vector.broadcast %reduce_min3A_780 : i32 to vector<16xi32>
        %select_n3A_787 = arith.select %eq3A_783, %broadcast_in_dim3A_786, %broadcast_in_dim3A_738 : vector<16xi1>, vector<16xi32>
        %jit3A_788 = arith.constant 16 : i32
        %div3A_789 = arith.divsi %reduce_min3A_767, %jit3A_788 : i32
        %sign3A_790 = arith.constant 0 : i32
        %sign3A_791 = arith.cmpi sgt, %reduce_min3A_767, %sign3A_790 : i32
        %sign3A_792 = arith.extui %sign3A_791 : i1 to i32
        %sign3A_793 = arith.constant 0 : i32
        %sign3A_794 = arith.cmpi slt, %reduce_min3A_767, %sign3A_793 : i32
        %sign3A_795 = arith.extui %sign3A_794 : i1 to i32
        %sign3A_796 = arith.subi %sign3A_792, %sign3A_795 : i32
        %sign3A_797 = arith.constant 0 : i32
        %sign3A_798 = arith.cmpi sgt, %jit3A_788, %sign3A_797 : i32
        %sign3A_799 = arith.extui %sign3A_798 : i1 to i32
        %sign3A_800 = arith.constant 0 : i32
        %sign3A_801 = arith.cmpi slt, %jit3A_788, %sign3A_800 : i32
        %sign3A_802 = arith.extui %sign3A_801 : i1 to i32
        %sign3A_803 = arith.subi %sign3A_799, %sign3A_802 : i32
        %ne3A_804 = arith.cmpi ne, %sign3A_796, %sign3A_803 : i32
        %rem3A_805 = arith.remsi %reduce_min3A_767, %jit3A_788 : i32
        %ne3A_806 = arith.constant 0 : i32
        %ne3A_807 = arith.cmpi ne, %rem3A_805, %ne3A_806 : i32
        %and3A_808 = arith.andi %ne3A_804, %ne3A_807 : i1
        %sub3A_809 = arith.constant 1 : i32
        %sub3A_810 = arith.subi %div3A_789, %sub3A_809 : i32
        %select_n3A_811 = arith.select %and3A_808, %sub3A_810, %div3A_789 : i32
        %mul3A_812 = arith.constant 16 : i32
        %mul3A_813 = arith.muli %select_n3A_811, %mul3A_812 : i32
        %get3A_814 = arith.index_cast %mul3A_813 : i32 to index
        %get3A_815 = tpu.vector_load %arg12[%get3A_814] {strides = array<i32>} : memref<256xf32, #tpu.memory_space<vmem>>, vector<16xf32>,
        %add3A_816 = vector.broadcast %mul3A_813 : i32 to vector<16xi32>
        %add3A_817 = arith.addi %add3A_816, %iota3A : vector<16xi32>
        %eq3A_818 = vector.broadcast %reduce_min3A_767 : i32 to vector<16xi32>
        %eq3A_819 = arith.cmpi eq, %add3A_817, %eq3A_818 : vector<16xi32>
        %jit3A_820 = arith.constant 0xFF800000 : f32
        %broadcast_in_dim3A_821 = vector.broadcast %jit3A_820 : f32 to vector<16xf32>
        %select_n3A_822 = arith.select %eq3A_819, %broadcast_in_dim3A_821, %get3A_815 : vector<16xi1>, vector<16xf32>
        %swap3A_823 = arith.index_cast %mul3A_813 : i32 to index
        %swap3A_824 = tpu.vector_load %arg12[%swap3A_823] {strides = array<i32>} : memref<256xf32, #tpu.memory_space<vmem>>, vector<16xf32>,
        tpu.vector_store %arg12[%swap3A_823], %select_n3A_822 {strides = array<i32>} : memref<256xf32, #tpu.memory_space<vmem>>, vector<16xf32>,
        %broadcast_in_dim3A_825 = arith.constant 0xFF800000 : f32
        %broadcast_in_dim3A_826 = vector.broadcast %broadcast_in_dim3A_825 : f32 to vector<16xf32>
        %broadcast_in_dim3A_827 = arith.constant 2147483647 : i32
        %broadcast_in_dim3A_828 = vector.broadcast %broadcast_in_dim3A_827 : i32 to vector<16xi32>
        %broadcast_in_dim3A_829 = arith.constant 2147483647 : i32
        %broadcast_in_dim3A_830 = vector.broadcast %broadcast_in_dim3A_829 : i32 to vector<16xi32>
        %scan3A_831 = arith.constant 0 : i32
        %scan3A_832 = arith.constant 16 : i32
        %scan3A_833 = arith.addi %scan3A_831, %scan3A_832 : i32
        %scan3A_834 = arith.constant 1 : i32
        %scan3A_835:3 = scf.for %scan3A_1616 = %scan3A_831 to %scan3A_833 step %scan3A_834 iter_args(%scan3A_1617 = %broadcast_in_dim3A_826, %scan3A_1618 = %broadcast_in_dim3A_828, %scan3A_1619 = %broadcast_in_dim3A_830) -> (vector<16xf32>, vector<16xi32>, vector<16xi32>)  : i32 {
          %mul3A_1620 = arith.constant 16 : i32
          %mul3A_1621 = arith.muli %scan3A_1616, %mul3A_1620 : i32
          %get3A_1622 = arith.index_cast %mul3A_1621 : i32 to index
          %get3A_1623 = tpu.vector_load %arg12[%get3A_1622] {strides = array<i32>} : memref<256xf32, #tpu.memory_space<vmem>>, vector<16xf32>,
          %mul3A_1624 = arith.constant 16 : i32
          %mul3A_1625 = arith.muli %scan3A_1616, %mul3A_1624 : i32
          %get3A_1626 = arith.index_cast %mul3A_1625 : i32 to index
          %get3A_1627 = tpu.vector_load %arg13[%get3A_1626] {strides = array<i32>} : memref<256xi32, #tpu.memory_space<vmem>>, vector<16xi32>,
          %mul3A_1628 = arith.constant 16 : i32
          %mul3A_1629 = arith.muli %scan3A_1616, %mul3A_1628 : i32
          %add3A_1630 = vector.broadcast %mul3A_1629 : i32 to vector<16xi32>
          %add3A_1631 = arith.addi %add3A_1630, %iota3A : vector<16xi32>
          %gt3A = arith.cmpf ogt, %get3A_1623, %scan3A_1617 : vector<16xf32>
          %select_n3A_1632 = arith.select %gt3A, %get3A_1623, %scan3A_1617 : vector<16xi1>, vector<16xf32>
          %select_n3A_1633 = arith.select %gt3A, %get3A_1627, %scan3A_1618 : vector<16xi1>, vector<16xi32>
          %select_n3A_1634 = arith.select %gt3A, %add3A_1631, %scan3A_1619 : vector<16xi1>, vector<16xi32>
          scf.yield %select_n3A_1632, %select_n3A_1633, %select_n3A_1634 : vector<16xf32>, vector<16xi32>, vector<16xi32>
        }
        %scan3A_836 = arith.constant 16 : i32
        %reduce_max3A_837 = arith.constant true
        %reduce_max3A_838 = vector.broadcast %reduce_max3A_837 : i1 to vector<16xi1>
        %reduce_max3A_839 = tpu.scan <max>, %scan3A_835#0 masked %reduce_max3A_838 : vector<16xf32>, vector<16xi1> -> vector<16xf32>
        %reduce_max3A_840 = vector.extract %reduce_max3A_839[15] : f32 from vector<16xf32>
        %eq3A_841 = vector.broadcast %reduce_max3A_840 : f32 to vector<16xf32>
        %eq3A_842 = arith.cmpf oeq, %scan3A_835#0, %eq3A_841 : vector<16xf32>
        %jit3A_843 = arith.constant 2147483647 : i32
        %broadcast_in_dim3A_844 = vector.broadcast %jit3A_843 : i32 to vector<16xi32>
        %select_n3A_845 = arith.select %eq3A_842, %scan3A_835#2, %broadcast_in_dim3A_844 : vector<16xi1>, vector<16xi32>
        %reduce_min3A_846 = arith.constant true
        %reduce_min3A_847 = vector.broadcast %reduce_min3A_846 : i1 to vector<16xi1>
        %reduce_min3A_848 = arith.constant -2147483648 : i32
        %reduce_min3A_849 = vector.broadcast %reduce_min3A_848 : i32 to vector<16xi32>
        %reduce_min3A_850 = arith.xori %select_n3A_845, %reduce_min3A_849 : vector<16xi32>
        %reduce_min3A_851 = tpu.scan <min>, %reduce_min3A_850 masked %reduce_min3A_847 : vector<16xi32>, vector<16xi1> -> vector<16xi32>
        %reduce_min3A_852 = arith.xori %reduce_min3A_851, %reduce_min3A_849 : vector<16xi32>
        %reduce_min3A_853 = vector.extract %reduce_min3A_852[15] : i32 from vector<16xi32>
        %eq3A_854 = vector.broadcast %reduce_min3A_853 : i32 to vector<16xi32>
        %eq3A_855 = arith.cmpi eq, %scan3A_835#2, %eq3A_854 : vector<16xi32>
        %jit3A_856 = arith.constant 2147483647 : i32
        %broadcast_in_dim3A_857 = vector.broadcast %jit3A_856 : i32 to vector<16xi32>
        %select_n3A_858 = arith.select %eq3A_855, %scan3A_835#1, %broadcast_in_dim3A_857 : vector<16xi1>, vector<16xi32>
        %reduce_min3A_859 = arith.constant true
        %reduce_min3A_860 = vector.broadcast %reduce_min3A_859 : i1 to vector<16xi1>
        %reduce_min3A_861 = arith.constant -2147483648 : i32
        %reduce_min3A_862 = vector.broadcast %reduce_min3A_861 : i32 to vector<16xi32>
        %reduce_min3A_863 = arith.xori %select_n3A_858, %reduce_min3A_862 : vector<16xi32>
        %reduce_min3A_864 = tpu.scan <min>, %reduce_min3A_863 masked %reduce_min3A_860 : vector<16xi32>, vector<16xi1> -> vector<16xi32>
        %reduce_min3A_865 = arith.xori %reduce_min3A_864, %reduce_min3A_862 : vector<16xi32>
        %reduce_min3A_866 = vector.extract %reduce_min3A_865[15] : i32 from vector<16xi32>
        %eq3A_867 = arith.constant 1 : i32
        %eq3A_868 = vector.broadcast %eq3A_867 : i32 to vector<16xi32>
        %eq3A_869 = arith.cmpi eq, %iota3A, %eq3A_868 : vector<16xi32>
        %broadcast_in_dim3A_870 = vector.broadcast %reduce_max3A_840 : f32 to vector<16xf32>
        %select_n3A_871 = arith.select %eq3A_869, %broadcast_in_dim3A_870, %select_n3A_785 : vector<16xi1>, vector<16xf32>
        %broadcast_in_dim3A_872 = vector.broadcast %reduce_min3A_866 : i32 to vector<16xi32>
        %select_n3A_873 = arith.select %eq3A_869, %broadcast_in_dim3A_872, %select_n3A_787 : vector<16xi1>, vector<16xi32>
        %jit3A_874 = arith.constant 16 : i32
        %div3A_875 = arith.divsi %reduce_min3A_853, %jit3A_874 : i32
        %sign3A_876 = arith.constant 0 : i32
        %sign3A_877 = arith.cmpi sgt, %reduce_min3A_853, %sign3A_876 : i32
        %sign3A_878 = arith.extui %sign3A_877 : i1 to i32
        %sign3A_879 = arith.constant 0 : i32
        %sign3A_880 = arith.cmpi slt, %reduce_min3A_853, %sign3A_879 : i32
        %sign3A_881 = arith.extui %sign3A_880 : i1 to i32
        %sign3A_882 = arith.subi %sign3A_878, %sign3A_881 : i32
        %sign3A_883 = arith.constant 0 : i32
        %sign3A_884 = arith.cmpi sgt, %jit3A_874, %sign3A_883 : i32
        %sign3A_885 = arith.extui %sign3A_884 : i1 to i32
        %sign3A_886 = arith.constant 0 : i32
        %sign3A_887 = arith.cmpi slt, %jit3A_874, %sign3A_886 : i32
        %sign3A_888 = arith.extui %sign3A_887 : i1 to i32
        %sign3A_889 = arith.subi %sign3A_885, %sign3A_888 : i32
        %ne3A_890 = arith.cmpi ne, %sign3A_882, %sign3A_889 : i32
        %rem3A_891 = arith.remsi %reduce_min3A_853, %jit3A_874 : i32
        %ne3A_892 = arith.constant 0 : i32
        %ne3A_893 = arith.cmpi ne, %rem3A_891, %ne3A_892 : i32
        %and3A_894 = arith.andi %ne3A_890, %ne3A_893 : i1
        %sub3A_895 = arith.constant 1 : i32
        %sub3A_896 = arith.subi %div3A_875, %sub3A_895 : i32
        %select_n3A_897 = arith.select %and3A_894, %sub3A_896, %div3A_875 : i32
        %mul3A_898 = arith.constant 16 : i32
        %mul3A_899 = arith.muli %select_n3A_897, %mul3A_898 : i32
        %get3A_900 = arith.index_cast %mul3A_899 : i32 to index
        %get3A_901 = tpu.vector_load %arg12[%get3A_900] {strides = array<i32>} : memref<256xf32, #tpu.memory_space<vmem>>, vector<16xf32>,
        %add3A_902 = vector.broadcast %mul3A_899 : i32 to vector<16xi32>
        %add3A_903 = arith.addi %add3A_902, %iota3A : vector<16xi32>
        %eq3A_904 = vector.broadcast %reduce_min3A_853 : i32 to vector<16xi32>
        %eq3A_905 = arith.cmpi eq, %add3A_903, %eq3A_904 : vector<16xi32>
        %jit3A_906 = arith.constant 0xFF800000 : f32
        %broadcast_in_dim3A_907 = vector.broadcast %jit3A_906 : f32 to vector<16xf32>
        %select_n3A_908 = arith.select %eq3A_905, %broadcast_in_dim3A_907, %get3A_901 : vector<16xi1>, vector<16xf32>
        %swap3A_909 = arith.index_cast %mul3A_899 : i32 to index
        %swap3A_910 = tpu.vector_load %arg12[%swap3A_909] {strides = array<i32>} : memref<256xf32, #tpu.memory_space<vmem>>, vector<16xf32>,
        tpu.vector_store %arg12[%swap3A_909], %select_n3A_908 {strides = array<i32>} : memref<256xf32, #tpu.memory_space<vmem>>, vector<16xf32>,
        %broadcast_in_dim3A_911 = arith.constant 0xFF800000 : f32
        %broadcast_in_dim3A_912 = vector.broadcast %broadcast_in_dim3A_911 : f32 to vector<16xf32>
        %broadcast_in_dim3A_913 = arith.constant 2147483647 : i32
        %broadcast_in_dim3A_914 = vector.broadcast %broadcast_in_dim3A_913 : i32 to vector<16xi32>
        %broadcast_in_dim3A_915 = arith.constant 2147483647 : i32
        %broadcast_in_dim3A_916 = vector.broadcast %broadcast_in_dim3A_915 : i32 to vector<16xi32>
        %scan3A_917 = arith.constant 0 : i32
        %scan3A_918 = arith.constant 16 : i32
        %scan3A_919 = arith.addi %scan3A_917, %scan3A_918 : i32
        %scan3A_920 = arith.constant 1 : i32
        %scan3A_921:3 = scf.for %scan3A_1616 = %scan3A_917 to %scan3A_919 step %scan3A_920 iter_args(%scan3A_1617 = %broadcast_in_dim3A_912, %scan3A_1618 = %broadcast_in_dim3A_914, %scan3A_1619 = %broadcast_in_dim3A_916) -> (vector<16xf32>, vector<16xi32>, vector<16xi32>)  : i32 {
          %mul3A_1620 = arith.constant 16 : i32
          %mul3A_1621 = arith.muli %scan3A_1616, %mul3A_1620 : i32
          %get3A_1622 = arith.index_cast %mul3A_1621 : i32 to index
          %get3A_1623 = tpu.vector_load %arg12[%get3A_1622] {strides = array<i32>} : memref<256xf32, #tpu.memory_space<vmem>>, vector<16xf32>,
          %mul3A_1624 = arith.constant 16 : i32
          %mul3A_1625 = arith.muli %scan3A_1616, %mul3A_1624 : i32
          %get3A_1626 = arith.index_cast %mul3A_1625 : i32 to index
          %get3A_1627 = tpu.vector_load %arg13[%get3A_1626] {strides = array<i32>} : memref<256xi32, #tpu.memory_space<vmem>>, vector<16xi32>,
          %mul3A_1628 = arith.constant 16 : i32
          %mul3A_1629 = arith.muli %scan3A_1616, %mul3A_1628 : i32
          %add3A_1630 = vector.broadcast %mul3A_1629 : i32 to vector<16xi32>
          %add3A_1631 = arith.addi %add3A_1630, %iota3A : vector<16xi32>
          %gt3A = arith.cmpf ogt, %get3A_1623, %scan3A_1617 : vector<16xf32>
          %select_n3A_1632 = arith.select %gt3A, %get3A_1623, %scan3A_1617 : vector<16xi1>, vector<16xf32>
          %select_n3A_1633 = arith.select %gt3A, %get3A_1627, %scan3A_1618 : vector<16xi1>, vector<16xi32>
          %select_n3A_1634 = arith.select %gt3A, %add3A_1631, %scan3A_1619 : vector<16xi1>, vector<16xi32>
          scf.yield %select_n3A_1632, %select_n3A_1633, %select_n3A_1634 : vector<16xf32>, vector<16xi32>, vector<16xi32>
        }
        %scan3A_922 = arith.constant 16 : i32
        %reduce_max3A_923 = arith.constant true
        %reduce_max3A_924 = vector.broadcast %reduce_max3A_923 : i1 to vector<16xi1>
        %reduce_max3A_925 = tpu.scan <max>, %scan3A_921#0 masked %reduce_max3A_924 : vector<16xf32>, vector<16xi1> -> vector<16xf32>
        %reduce_max3A_926 = vector.extract %reduce_max3A_925[15] : f32 from vector<16xf32>
        %eq3A_927 = vector.broadcast %reduce_max3A_926 : f32 to vector<16xf32>
        %eq3A_928 = arith.cmpf oeq, %scan3A_921#0, %eq3A_927 : vector<16xf32>
        %jit3A_929 = arith.constant 2147483647 : i32
        %broadcast_in_dim3A_930 = vector.broadcast %jit3A_929 : i32 to vector<16xi32>
        %select_n3A_931 = arith.select %eq3A_928, %scan3A_921#2, %broadcast_in_dim3A_930 : vector<16xi1>, vector<16xi32>
        %reduce_min3A_932 = arith.constant true
        %reduce_min3A_933 = vector.broadcast %reduce_min3A_932 : i1 to vector<16xi1>
        %reduce_min3A_934 = arith.constant -2147483648 : i32
        %reduce_min3A_935 = vector.broadcast %reduce_min3A_934 : i32 to vector<16xi32>
        %reduce_min3A_936 = arith.xori %select_n3A_931, %reduce_min3A_935 : vector<16xi32>
        %reduce_min3A_937 = tpu.scan <min>, %reduce_min3A_936 masked %reduce_min3A_933 : vector<16xi32>, vector<16xi1> -> vector<16xi32>
        %reduce_min3A_938 = arith.xori %reduce_min3A_937, %reduce_min3A_935 : vector<16xi32>
        %reduce_min3A_939 = vector.extract %reduce_min3A_938[15] : i32 from vector<16xi32>
        %eq3A_940 = vector.broadcast %reduce_min3A_939 : i32 to vector<16xi32>
        %eq3A_941 = arith.cmpi eq, %scan3A_921#2, %eq3A_940 : vector<16xi32>
        %jit3A_942 = arith.constant 2147483647 : i32
        %broadcast_in_dim3A_943 = vector.broadcast %jit3A_942 : i32 to vector<16xi32>
        %select_n3A_944 = arith.select %eq3A_941, %scan3A_921#1, %broadcast_in_dim3A_943 : vector<16xi1>, vector<16xi32>
        %reduce_min3A_945 = arith.constant true
        %reduce_min3A_946 = vector.broadcast %reduce_min3A_945 : i1 to vector<16xi1>
        %reduce_min3A_947 = arith.constant -2147483648 : i32
        %reduce_min3A_948 = vector.broadcast %reduce_min3A_947 : i32 to vector<16xi32>
        %reduce_min3A_949 = arith.xori %select_n3A_944, %reduce_min3A_948 : vector<16xi32>
        %reduce_min3A_950 = tpu.scan <min>, %reduce_min3A_949 masked %reduce_min3A_946 : vector<16xi32>, vector<16xi1> -> vector<16xi32>
        %reduce_min3A_951 = arith.xori %reduce_min3A_950, %reduce_min3A_948 : vector<16xi32>
        %reduce_min3A_952 = vector.extract %reduce_min3A_951[15] : i32 from vector<16xi32>
        %eq3A_953 = arith.constant 2 : i32
        %eq3A_954 = vector.broadcast %eq3A_953 : i32 to vector<16xi32>
        %eq3A_955 = arith.cmpi eq, %iota3A, %eq3A_954 : vector<16xi32>
        %broadcast_in_dim3A_956 = vector.broadcast %reduce_max3A_926 : f32 to vector<16xf32>
        %select_n3A_957 = arith.select %eq3A_955, %broadcast_in_dim3A_956, %select_n3A_871 : vector<16xi1>, vector<16xf32>
        %broadcast_in_dim3A_958 = vector.broadcast %reduce_min3A_952 : i32 to vector<16xi32>
        %select_n3A_959 = arith.select %eq3A_955, %broadcast_in_dim3A_958, %select_n3A_873 : vector<16xi1>, vector<16xi32>
        %jit3A_960 = arith.constant 16 : i32
        %div3A_961 = arith.divsi %reduce_min3A_939, %jit3A_960 : i32
        %sign3A_962 = arith.constant 0 : i32
        %sign3A_963 = arith.cmpi sgt, %reduce_min3A_939, %sign3A_962 : i32
        %sign3A_964 = arith.extui %sign3A_963 : i1 to i32
        %sign3A_965 = arith.constant 0 : i32
        %sign3A_966 = arith.cmpi slt, %reduce_min3A_939, %sign3A_965 : i32
        %sign3A_967 = arith.extui %sign3A_966 : i1 to i32
        %sign3A_968 = arith.subi %sign3A_964, %sign3A_967 : i32
        %sign3A_969 = arith.constant 0 : i32
        %sign3A_970 = arith.cmpi sgt, %jit3A_960, %sign3A_969 : i32
        %sign3A_971 = arith.extui %sign3A_970 : i1 to i32
        %sign3A_972 = arith.constant 0 : i32
        %sign3A_973 = arith.cmpi slt, %jit3A_960, %sign3A_972 : i32
        %sign3A_974 = arith.extui %sign3A_973 : i1 to i32
        %sign3A_975 = arith.subi %sign3A_971, %sign3A_974 : i32
        %ne3A_976 = arith.cmpi ne, %sign3A_968, %sign3A_975 : i32
        %rem3A_977 = arith.remsi %reduce_min3A_939, %jit3A_960 : i32
        %ne3A_978 = arith.constant 0 : i32
        %ne3A_979 = arith.cmpi ne, %rem3A_977, %ne3A_978 : i32
        %and3A_980 = arith.andi %ne3A_976, %ne3A_979 : i1
        %sub3A_981 = arith.constant 1 : i32
        %sub3A_982 = arith.subi %div3A_961, %sub3A_981 : i32
        %select_n3A_983 = arith.select %and3A_980, %sub3A_982, %div3A_961 : i32
        %mul3A_984 = arith.constant 16 : i32
        %mul3A_985 = arith.muli %select_n3A_983, %mul3A_984 : i32
        %get3A_986 = arith.index_cast %mul3A_985 : i32 to index
        %get3A_987 = tpu.vector_load %arg12[%get3A_986] {strides = array<i32>} : memref<256xf32, #tpu.memory_space<vmem>>, vector<16xf32>,
        %add3A_988 = vector.broadcast %mul3A_985 : i32 to vector<16xi32>
        %add3A_989 = arith.addi %add3A_988, %iota3A : vector<16xi32>
        %eq3A_990 = vector.broadcast %reduce_min3A_939 : i32 to vector<16xi32>
        %eq3A_991 = arith.cmpi eq, %add3A_989, %eq3A_990 : vector<16xi32>
        %jit3A_992 = arith.constant 0xFF800000 : f32
        %broadcast_in_dim3A_993 = vector.broadcast %jit3A_992 : f32 to vector<16xf32>
        %select_n3A_994 = arith.select %eq3A_991, %broadcast_in_dim3A_993, %get3A_987 : vector<16xi1>, vector<16xf32>
        %swap3A_995 = arith.index_cast %mul3A_985 : i32 to index
        %swap3A_996 = tpu.vector_load %arg12[%swap3A_995] {strides = array<i32>} : memref<256xf32, #tpu.memory_space<vmem>>, vector<16xf32>,
        tpu.vector_store %arg12[%swap3A_995], %select_n3A_994 {strides = array<i32>} : memref<256xf32, #tpu.memory_space<vmem>>, vector<16xf32>,
        %broadcast_in_dim3A_997 = arith.constant 0xFF800000 : f32
        %broadcast_in_dim3A_998 = vector.broadcast %broadcast_in_dim3A_997 : f32 to vector<16xf32>
        %broadcast_in_dim3A_999 = arith.constant 2147483647 : i32
        %broadcast_in_dim3A_1000 = vector.broadcast %broadcast_in_dim3A_999 : i32 to vector<16xi32>
        %broadcast_in_dim3A_1001 = arith.constant 2147483647 : i32
        %broadcast_in_dim3A_1002 = vector.broadcast %broadcast_in_dim3A_1001 : i32 to vector<16xi32>
        %scan3A_1003 = arith.constant 0 : i32
        %scan3A_1004 = arith.constant 16 : i32
        %scan3A_1005 = arith.addi %scan3A_1003, %scan3A_1004 : i32
        %scan3A_1006 = arith.constant 1 : i32
        %scan3A_1007:3 = scf.for %scan3A_1616 = %scan3A_1003 to %scan3A_1005 step %scan3A_1006 iter_args(%scan3A_1617 = %broadcast_in_dim3A_998, %scan3A_1618 = %broadcast_in_dim3A_1000, %scan3A_1619 = %broadcast_in_dim3A_1002) -> (vector<16xf32>, vector<16xi32>, vector<16xi32>)  : i32 {
          %mul3A_1620 = arith.constant 16 : i32
          %mul3A_1621 = arith.muli %scan3A_1616, %mul3A_1620 : i32
          %get3A_1622 = arith.index_cast %mul3A_1621 : i32 to index
          %get3A_1623 = tpu.vector_load %arg12[%get3A_1622] {strides = array<i32>} : memref<256xf32, #tpu.memory_space<vmem>>, vector<16xf32>,
          %mul3A_1624 = arith.constant 16 : i32
          %mul3A_1625 = arith.muli %scan3A_1616, %mul3A_1624 : i32
          %get3A_1626 = arith.index_cast %mul3A_1625 : i32 to index
          %get3A_1627 = tpu.vector_load %arg13[%get3A_1626] {strides = array<i32>} : memref<256xi32, #tpu.memory_space<vmem>>, vector<16xi32>,
          %mul3A_1628 = arith.constant 16 : i32
          %mul3A_1629 = arith.muli %scan3A_1616, %mul3A_1628 : i32
          %add3A_1630 = vector.broadcast %mul3A_1629 : i32 to vector<16xi32>
          %add3A_1631 = arith.addi %add3A_1630, %iota3A : vector<16xi32>
          %gt3A = arith.cmpf ogt, %get3A_1623, %scan3A_1617 : vector<16xf32>
          %select_n3A_1632 = arith.select %gt3A, %get3A_1623, %scan3A_1617 : vector<16xi1>, vector<16xf32>
          %select_n3A_1633 = arith.select %gt3A, %get3A_1627, %scan3A_1618 : vector<16xi1>, vector<16xi32>
          %select_n3A_1634 = arith.select %gt3A, %add3A_1631, %scan3A_1619 : vector<16xi1>, vector<16xi32>
          scf.yield %select_n3A_1632, %select_n3A_1633, %select_n3A_1634 : vector<16xf32>, vector<16xi32>, vector<16xi32>
        }
        %scan3A_1008 = arith.constant 16 : i32
        %reduce_max3A_1009 = arith.constant true
        %reduce_max3A_1010 = vector.broadcast %reduce_max3A_1009 : i1 to vector<16xi1>
        %reduce_max3A_1011 = tpu.scan <max>, %scan3A_1007#0 masked %reduce_max3A_1010 : vector<16xf32>, vector<16xi1> -> vector<16xf32>
        %reduce_max3A_1012 = vector.extract %reduce_max3A_1011[15] : f32 from vector<16xf32>
        %eq3A_1013 = vector.broadcast %reduce_max3A_1012 : f32 to vector<16xf32>
        %eq3A_1014 = arith.cmpf oeq, %scan3A_1007#0, %eq3A_1013 : vector<16xf32>
        %jit3A_1015 = arith.constant 2147483647 : i32
        %broadcast_in_dim3A_1016 = vector.broadcast %jit3A_1015 : i32 to vector<16xi32>
        %select_n3A_1017 = arith.select %eq3A_1014, %scan3A_1007#2, %broadcast_in_dim3A_1016 : vector<16xi1>, vector<16xi32>
        %reduce_min3A_1018 = arith.constant true
        %reduce_min3A_1019 = vector.broadcast %reduce_min3A_1018 : i1 to vector<16xi1>
        %reduce_min3A_1020 = arith.constant -2147483648 : i32
        %reduce_min3A_1021 = vector.broadcast %reduce_min3A_1020 : i32 to vector<16xi32>
        %reduce_min3A_1022 = arith.xori %select_n3A_1017, %reduce_min3A_1021 : vector<16xi32>
        %reduce_min3A_1023 = tpu.scan <min>, %reduce_min3A_1022 masked %reduce_min3A_1019 : vector<16xi32>, vector<16xi1> -> vector<16xi32>
        %reduce_min3A_1024 = arith.xori %reduce_min3A_1023, %reduce_min3A_1021 : vector<16xi32>
        %reduce_min3A_1025 = vector.extract %reduce_min3A_1024[15] : i32 from vector<16xi32>
        %eq3A_1026 = vector.broadcast %reduce_min3A_1025 : i32 to vector<16xi32>
        %eq3A_1027 = arith.cmpi eq, %scan3A_1007#2, %eq3A_1026 : vector<16xi32>
        %jit3A_1028 = arith.constant 2147483647 : i32
        %broadcast_in_dim3A_1029 = vector.broadcast %jit3A_1028 : i32 to vector<16xi32>
        %select_n3A_1030 = arith.select %eq3A_1027, %scan3A_1007#1, %broadcast_in_dim3A_1029 : vector<16xi1>, vector<16xi32>
        %reduce_min3A_1031 = arith.constant true
        %reduce_min3A_1032 = vector.broadcast %reduce_min3A_1031 : i1 to vector<16xi1>
        %reduce_min3A_1033 = arith.constant -2147483648 : i32
        %reduce_min3A_1034 = vector.broadcast %reduce_min3A_1033 : i32 to vector<16xi32>
        %reduce_min3A_1035 = arith.xori %select_n3A_1030, %reduce_min3A_1034 : vector<16xi32>
        %reduce_min3A_1036 = tpu.scan <min>, %reduce_min3A_1035 masked %reduce_min3A_1032 : vector<16xi32>, vector<16xi1> -> vector<16xi32>
        %reduce_min3A_1037 = arith.xori %reduce_min3A_1036, %reduce_min3A_1034 : vector<16xi32>
        %reduce_min3A_1038 = vector.extract %reduce_min3A_1037[15] : i32 from vector<16xi32>
        %eq3A_1039 = arith.constant 3 : i32
        %eq3A_1040 = vector.broadcast %eq3A_1039 : i32 to vector<16xi32>
        %eq3A_1041 = arith.cmpi eq, %iota3A, %eq3A_1040 : vector<16xi32>
        %broadcast_in_dim3A_1042 = vector.broadcast %reduce_max3A_1012 : f32 to vector<16xf32>
        %select_n3A_1043 = arith.select %eq3A_1041, %broadcast_in_dim3A_1042, %select_n3A_957 : vector<16xi1>, vector<16xf32>
        %broadcast_in_dim3A_1044 = vector.broadcast %reduce_min3A_1038 : i32 to vector<16xi32>
        %select_n3A_1045 = arith.select %eq3A_1041, %broadcast_in_dim3A_1044, %select_n3A_959 : vector<16xi1>, vector<16xi32>
        %jit3A_1046 = arith.constant 16 : i32
        %div3A_1047 = arith.divsi %reduce_min3A_1025, %jit3A_1046 : i32
        %sign3A_1048 = arith.constant 0 : i32
        %sign3A_1049 = arith.cmpi sgt, %reduce_min3A_1025, %sign3A_1048 : i32
        %sign3A_1050 = arith.extui %sign3A_1049 : i1 to i32
        %sign3A_1051 = arith.constant 0 : i32
        %sign3A_1052 = arith.cmpi slt, %reduce_min3A_1025, %sign3A_1051 : i32
        %sign3A_1053 = arith.extui %sign3A_1052 : i1 to i32
        %sign3A_1054 = arith.subi %sign3A_1050, %sign3A_1053 : i32
        %sign3A_1055 = arith.constant 0 : i32
        %sign3A_1056 = arith.cmpi sgt, %jit3A_1046, %sign3A_1055 : i32
        %sign3A_1057 = arith.extui %sign3A_1056 : i1 to i32
        %sign3A_1058 = arith.constant 0 : i32
        %sign3A_1059 = arith.cmpi slt, %jit3A_1046, %sign3A_1058 : i32
        %sign3A_1060 = arith.extui %sign3A_1059 : i1 to i32
        %sign3A_1061 = arith.subi %sign3A_1057, %sign3A_1060 : i32
        %ne3A_1062 = arith.cmpi ne, %sign3A_1054, %sign3A_1061 : i32
        %rem3A_1063 = arith.remsi %reduce_min3A_1025, %jit3A_1046 : i32
        %ne3A_1064 = arith.constant 0 : i32
        %ne3A_1065 = arith.cmpi ne, %rem3A_1063, %ne3A_1064 : i32
        %and3A_1066 = arith.andi %ne3A_1062, %ne3A_1065 : i1
        %sub3A_1067 = arith.constant 1 : i32
        %sub3A_1068 = arith.subi %div3A_1047, %sub3A_1067 : i32
        %select_n3A_1069 = arith.select %and3A_1066, %sub3A_1068, %div3A_1047 : i32
        %mul3A_1070 = arith.constant 16 : i32
        %mul3A_1071 = arith.muli %select_n3A_1069, %mul3A_1070 : i32
        %get3A_1072 = arith.index_cast %mul3A_1071 : i32 to index
        %get3A_1073 = tpu.vector_load %arg12[%get3A_1072] {strides = array<i32>} : memref<256xf32, #tpu.memory_space<vmem>>, vector<16xf32>,
        %add3A_1074 = vector.broadcast %mul3A_1071 : i32 to vector<16xi32>
        %add3A_1075 = arith.addi %add3A_1074, %iota3A : vector<16xi32>
        %eq3A_1076 = vector.broadcast %reduce_min3A_1025 : i32 to vector<16xi32>
        %eq3A_1077 = arith.cmpi eq, %add3A_1075, %eq3A_1076 : vector<16xi32>
        %jit3A_1078 = arith.constant 0xFF800000 : f32
        %broadcast_in_dim3A_1079 = vector.broadcast %jit3A_1078 : f32 to vector<16xf32>
        %select_n3A_1080 = arith.select %eq3A_1077, %broadcast_in_dim3A_1079, %get3A_1073 : vector<16xi1>, vector<16xf32>
        %swap3A_1081 = arith.index_cast %mul3A_1071 : i32 to index
        %swap3A_1082 = tpu.vector_load %arg12[%swap3A_1081] {strides = array<i32>} : memref<256xf32, #tpu.memory_space<vmem>>, vector<16xf32>,
        tpu.vector_store %arg12[%swap3A_1081], %select_n3A_1080 {strides = array<i32>} : memref<256xf32, #tpu.memory_space<vmem>>, vector<16xf32>,
        %broadcast_in_dim3A_1083 = arith.constant 0xFF800000 : f32
        %broadcast_in_dim3A_1084 = vector.broadcast %broadcast_in_dim3A_1083 : f32 to vector<16xf32>
        %broadcast_in_dim3A_1085 = arith.constant 2147483647 : i32
        %broadcast_in_dim3A_1086 = vector.broadcast %broadcast_in_dim3A_1085 : i32 to vector<16xi32>
        %broadcast_in_dim3A_1087 = arith.constant 2147483647 : i32
        %broadcast_in_dim3A_1088 = vector.broadcast %broadcast_in_dim3A_1087 : i32 to vector<16xi32>
        %scan3A_1089 = arith.constant 0 : i32
        %scan3A_1090 = arith.constant 16 : i32
        %scan3A_1091 = arith.addi %scan3A_1089, %scan3A_1090 : i32
        %scan3A_1092 = arith.constant 1 : i32
        %scan3A_1093:3 = scf.for %scan3A_1616 = %scan3A_1089 to %scan3A_1091 step %scan3A_1092 iter_args(%scan3A_1617 = %broadcast_in_dim3A_1084, %scan3A_1618 = %broadcast_in_dim3A_1086, %scan3A_1619 = %broadcast_in_dim3A_1088) -> (vector<16xf32>, vector<16xi32>, vector<16xi32>)  : i32 {
          %mul3A_1620 = arith.constant 16 : i32
          %mul3A_1621 = arith.muli %scan3A_1616, %mul3A_1620 : i32
          %get3A_1622 = arith.index_cast %mul3A_1621 : i32 to index
          %get3A_1623 = tpu.vector_load %arg12[%get3A_1622] {strides = array<i32>} : memref<256xf32, #tpu.memory_space<vmem>>, vector<16xf32>,
          %mul3A_1624 = arith.constant 16 : i32
          %mul3A_1625 = arith.muli %scan3A_1616, %mul3A_1624 : i32
          %get3A_1626 = arith.index_cast %mul3A_1625 : i32 to index
          %get3A_1627 = tpu.vector_load %arg13[%get3A_1626] {strides = array<i32>} : memref<256xi32, #tpu.memory_space<vmem>>, vector<16xi32>,
          %mul3A_1628 = arith.constant 16 : i32
          %mul3A_1629 = arith.muli %scan3A_1616, %mul3A_1628 : i32
          %add3A_1630 = vector.broadcast %mul3A_1629 : i32 to vector<16xi32>
          %add3A_1631 = arith.addi %add3A_1630, %iota3A : vector<16xi32>
          %gt3A = arith.cmpf ogt, %get3A_1623, %scan3A_1617 : vector<16xf32>
          %select_n3A_1632 = arith.select %gt3A, %get3A_1623, %scan3A_1617 : vector<16xi1>, vector<16xf32>
          %select_n3A_1633 = arith.select %gt3A, %get3A_1627, %scan3A_1618 : vector<16xi1>, vector<16xi32>
          %select_n3A_1634 = arith.select %gt3A, %add3A_1631, %scan3A_1619 : vector<16xi1>, vector<16xi32>
          scf.yield %select_n3A_1632, %select_n3A_1633, %select_n3A_1634 : vector<16xf32>, vector<16xi32>, vector<16xi32>
        }
        %scan3A_1094 = arith.constant 16 : i32
        %reduce_max3A_1095 = arith.constant true
        %reduce_max3A_1096 = vector.broadcast %reduce_max3A_1095 : i1 to vector<16xi1>
        %reduce_max3A_1097 = tpu.scan <max>, %scan3A_1093#0 masked %reduce_max3A_1096 : vector<16xf32>, vector<16xi1> -> vector<16xf32>
        %reduce_max3A_1098 = vector.extract %reduce_max3A_1097[15] : f32 from vector<16xf32>
        %eq3A_1099 = vector.broadcast %reduce_max3A_1098 : f32 to vector<16xf32>
        %eq3A_1100 = arith.cmpf oeq, %scan3A_1093#0, %eq3A_1099 : vector<16xf32>
        %jit3A_1101 = arith.constant 2147483647 : i32
        %broadcast_in_dim3A_1102 = vector.broadcast %jit3A_1101 : i32 to vector<16xi32>
        %select_n3A_1103 = arith.select %eq3A_1100, %scan3A_1093#2, %broadcast_in_dim3A_1102 : vector<16xi1>, vector<16xi32>
        %reduce_min3A_1104 = arith.constant true
        %reduce_min3A_1105 = vector.broadcast %reduce_min3A_1104 : i1 to vector<16xi1>
        %reduce_min3A_1106 = arith.constant -2147483648 : i32
        %reduce_min3A_1107 = vector.broadcast %reduce_min3A_1106 : i32 to vector<16xi32>
        %reduce_min3A_1108 = arith.xori %select_n3A_1103, %reduce_min3A_1107 : vector<16xi32>
        %reduce_min3A_1109 = tpu.scan <min>, %reduce_min3A_1108 masked %reduce_min3A_1105 : vector<16xi32>, vector<16xi1> -> vector<16xi32>
        %reduce_min3A_1110 = arith.xori %reduce_min3A_1109, %reduce_min3A_1107 : vector<16xi32>
        %reduce_min3A_1111 = vector.extract %reduce_min3A_1110[15] : i32 from vector<16xi32>
        %eq3A_1112 = vector.broadcast %reduce_min3A_1111 : i32 to vector<16xi32>
        %eq3A_1113 = arith.cmpi eq, %scan3A_1093#2, %eq3A_1112 : vector<16xi32>
        %jit3A_1114 = arith.constant 2147483647 : i32
        %broadcast_in_dim3A_1115 = vector.broadcast %jit3A_1114 : i32 to vector<16xi32>
        %select_n3A_1116 = arith.select %eq3A_1113, %scan3A_1093#1, %broadcast_in_dim3A_1115 : vector<16xi1>, vector<16xi32>
        %reduce_min3A_1117 = arith.constant true
        %reduce_min3A_1118 = vector.broadcast %reduce_min3A_1117 : i1 to vector<16xi1>
        %reduce_min3A_1119 = arith.constant -2147483648 : i32
        %reduce_min3A_1120 = vector.broadcast %reduce_min3A_1119 : i32 to vector<16xi32>
        %reduce_min3A_1121 = arith.xori %select_n3A_1116, %reduce_min3A_1120 : vector<16xi32>
        %reduce_min3A_1122 = tpu.scan <min>, %reduce_min3A_1121 masked %reduce_min3A_1118 : vector<16xi32>, vector<16xi1> -> vector<16xi32>
        %reduce_min3A_1123 = arith.xori %reduce_min3A_1122, %reduce_min3A_1120 : vector<16xi32>
        %reduce_min3A_1124 = vector.extract %reduce_min3A_1123[15] : i32 from vector<16xi32>
        %eq3A_1125 = arith.constant 4 : i32
        %eq3A_1126 = vector.broadcast %eq3A_1125 : i32 to vector<16xi32>
        %eq3A_1127 = arith.cmpi eq, %iota3A, %eq3A_1126 : vector<16xi32>
        %broadcast_in_dim3A_1128 = vector.broadcast %reduce_max3A_1098 : f32 to vector<16xf32>
        %select_n3A_1129 = arith.select %eq3A_1127, %broadcast_in_dim3A_1128, %select_n3A_1043 : vector<16xi1>, vector<16xf32>
        %broadcast_in_dim3A_1130 = vector.broadcast %reduce_min3A_1124 : i32 to vector<16xi32>
        %select_n3A_1131 = arith.select %eq3A_1127, %broadcast_in_dim3A_1130, %select_n3A_1045 : vector<16xi1>, vector<16xi32>
        %jit3A_1132 = arith.constant 16 : i32
        %div3A_1133 = arith.divsi %reduce_min3A_1111, %jit3A_1132 : i32
        %sign3A_1134 = arith.constant 0 : i32
        %sign3A_1135 = arith.cmpi sgt, %reduce_min3A_1111, %sign3A_1134 : i32
        %sign3A_1136 = arith.extui %sign3A_1135 : i1 to i32
        %sign3A_1137 = arith.constant 0 : i32
        %sign3A_1138 = arith.cmpi slt, %reduce_min3A_1111, %sign3A_1137 : i32
        %sign3A_1139 = arith.extui %sign3A_1138 : i1 to i32
        %sign3A_1140 = arith.subi %sign3A_1136, %sign3A_1139 : i32
        %sign3A_1141 = arith.constant 0 : i32
        %sign3A_1142 = arith.cmpi sgt, %jit3A_1132, %sign3A_1141 : i32
        %sign3A_1143 = arith.extui %sign3A_1142 : i1 to i32
        %sign3A_1144 = arith.constant 0 : i32
        %sign3A_1145 = arith.cmpi slt, %jit3A_1132, %sign3A_1144 : i32
        %sign3A_1146 = arith.extui %sign3A_1145 : i1 to i32
        %sign3A_1147 = arith.subi %sign3A_1143, %sign3A_1146 : i32
        %ne3A_1148 = arith.cmpi ne, %sign3A_1140, %sign3A_1147 : i32
        %rem3A_1149 = arith.remsi %reduce_min3A_1111, %jit3A_1132 : i32
        %ne3A_1150 = arith.constant 0 : i32
        %ne3A_1151 = arith.cmpi ne, %rem3A_1149, %ne3A_1150 : i32
        %and3A_1152 = arith.andi %ne3A_1148, %ne3A_1151 : i1
        %sub3A_1153 = arith.constant 1 : i32
        %sub3A_1154 = arith.subi %div3A_1133, %sub3A_1153 : i32
        %select_n3A_1155 = arith.select %and3A_1152, %sub3A_1154, %div3A_1133 : i32
        %mul3A_1156 = arith.constant 16 : i32
        %mul3A_1157 = arith.muli %select_n3A_1155, %mul3A_1156 : i32
        %get3A_1158 = arith.index_cast %mul3A_1157 : i32 to index
        %get3A_1159 = tpu.vector_load %arg12[%get3A_1158] {strides = array<i32>} : memref<256xf32, #tpu.memory_space<vmem>>, vector<16xf32>,
        %add3A_1160 = vector.broadcast %mul3A_1157 : i32 to vector<16xi32>
        %add3A_1161 = arith.addi %add3A_1160, %iota3A : vector<16xi32>
        %eq3A_1162 = vector.broadcast %reduce_min3A_1111 : i32 to vector<16xi32>
        %eq3A_1163 = arith.cmpi eq, %add3A_1161, %eq3A_1162 : vector<16xi32>
        %jit3A_1164 = arith.constant 0xFF800000 : f32
        %broadcast_in_dim3A_1165 = vector.broadcast %jit3A_1164 : f32 to vector<16xf32>
        %select_n3A_1166 = arith.select %eq3A_1163, %broadcast_in_dim3A_1165, %get3A_1159 : vector<16xi1>, vector<16xf32>
        %swap3A_1167 = arith.index_cast %mul3A_1157 : i32 to index
        %swap3A_1168 = tpu.vector_load %arg12[%swap3A_1167] {strides = array<i32>} : memref<256xf32, #tpu.memory_space<vmem>>, vector<16xf32>,
        tpu.vector_store %arg12[%swap3A_1167], %select_n3A_1166 {strides = array<i32>} : memref<256xf32, #tpu.memory_space<vmem>>, vector<16xf32>,
        %broadcast_in_dim3A_1169 = arith.constant 0xFF800000 : f32
        %broadcast_in_dim3A_1170 = vector.broadcast %broadcast_in_dim3A_1169 : f32 to vector<16xf32>
        %broadcast_in_dim3A_1171 = arith.constant 2147483647 : i32
        %broadcast_in_dim3A_1172 = vector.broadcast %broadcast_in_dim3A_1171 : i32 to vector<16xi32>
        %broadcast_in_dim3A_1173 = arith.constant 2147483647 : i32
        %broadcast_in_dim3A_1174 = vector.broadcast %broadcast_in_dim3A_1173 : i32 to vector<16xi32>
        %scan3A_1175 = arith.constant 0 : i32
        %scan3A_1176 = arith.constant 16 : i32
        %scan3A_1177 = arith.addi %scan3A_1175, %scan3A_1176 : i32
        %scan3A_1178 = arith.constant 1 : i32
        %scan3A_1179:3 = scf.for %scan3A_1616 = %scan3A_1175 to %scan3A_1177 step %scan3A_1178 iter_args(%scan3A_1617 = %broadcast_in_dim3A_1170, %scan3A_1618 = %broadcast_in_dim3A_1172, %scan3A_1619 = %broadcast_in_dim3A_1174) -> (vector<16xf32>, vector<16xi32>, vector<16xi32>)  : i32 {
          %mul3A_1620 = arith.constant 16 : i32
          %mul3A_1621 = arith.muli %scan3A_1616, %mul3A_1620 : i32
          %get3A_1622 = arith.index_cast %mul3A_1621 : i32 to index
          %get3A_1623 = tpu.vector_load %arg12[%get3A_1622] {strides = array<i32>} : memref<256xf32, #tpu.memory_space<vmem>>, vector<16xf32>,
          %mul3A_1624 = arith.constant 16 : i32
          %mul3A_1625 = arith.muli %scan3A_1616, %mul3A_1624 : i32
          %get3A_1626 = arith.index_cast %mul3A_1625 : i32 to index
          %get3A_1627 = tpu.vector_load %arg13[%get3A_1626] {strides = array<i32>} : memref<256xi32, #tpu.memory_space<vmem>>, vector<16xi32>,
          %mul3A_1628 = arith.constant 16 : i32
          %mul3A_1629 = arith.muli %scan3A_1616, %mul3A_1628 : i32
          %add3A_1630 = vector.broadcast %mul3A_1629 : i32 to vector<16xi32>
          %add3A_1631 = arith.addi %add3A_1630, %iota3A : vector<16xi32>
          %gt3A = arith.cmpf ogt, %get3A_1623, %scan3A_1617 : vector<16xf32>
          %select_n3A_1632 = arith.select %gt3A, %get3A_1623, %scan3A_1617 : vector<16xi1>, vector<16xf32>
          %select_n3A_1633 = arith.select %gt3A, %get3A_1627, %scan3A_1618 : vector<16xi1>, vector<16xi32>
          %select_n3A_1634 = arith.select %gt3A, %add3A_1631, %scan3A_1619 : vector<16xi1>, vector<16xi32>
          scf.yield %select_n3A_1632, %select_n3A_1633, %select_n3A_1634 : vector<16xf32>, vector<16xi32>, vector<16xi32>
        }
        %scan3A_1180 = arith.constant 16 : i32
        %reduce_max3A_1181 = arith.constant true
        %reduce_max3A_1182 = vector.broadcast %reduce_max3A_1181 : i1 to vector<16xi1>
        %reduce_max3A_1183 = tpu.scan <max>, %scan3A_1179#0 masked %reduce_max3A_1182 : vector<16xf32>, vector<16xi1> -> vector<16xf32>
        %reduce_max3A_1184 = vector.extract %reduce_max3A_1183[15] : f32 from vector<16xf32>
        %eq3A_1185 = vector.broadcast %reduce_max3A_1184 : f32 to vector<16xf32>
        %eq3A_1186 = arith.cmpf oeq, %scan3A_1179#0, %eq3A_1185 : vector<16xf32>
        %jit3A_1187 = arith.constant 2147483647 : i32
        %broadcast_in_dim3A_1188 = vector.broadcast %jit3A_1187 : i32 to vector<16xi32>
        %select_n3A_1189 = arith.select %eq3A_1186, %scan3A_1179#2, %broadcast_in_dim3A_1188 : vector<16xi1>, vector<16xi32>
        %reduce_min3A_1190 = arith.constant true
        %reduce_min3A_1191 = vector.broadcast %reduce_min3A_1190 : i1 to vector<16xi1>
        %reduce_min3A_1192 = arith.constant -2147483648 : i32
        %reduce_min3A_1193 = vector.broadcast %reduce_min3A_1192 : i32 to vector<16xi32>
        %reduce_min3A_1194 = arith.xori %select_n3A_1189, %reduce_min3A_1193 : vector<16xi32>
        %reduce_min3A_1195 = tpu.scan <min>, %reduce_min3A_1194 masked %reduce_min3A_1191 : vector<16xi32>, vector<16xi1> -> vector<16xi32>
        %reduce_min3A_1196 = arith.xori %reduce_min3A_1195, %reduce_min3A_1193 : vector<16xi32>
        %reduce_min3A_1197 = vector.extract %reduce_min3A_1196[15] : i32 from vector<16xi32>
        %eq3A_1198 = vector.broadcast %reduce_min3A_1197 : i32 to vector<16xi32>
        %eq3A_1199 = arith.cmpi eq, %scan3A_1179#2, %eq3A_1198 : vector<16xi32>
        %jit3A_1200 = arith.constant 2147483647 : i32
        %broadcast_in_dim3A_1201 = vector.broadcast %jit3A_1200 : i32 to vector<16xi32>
        %select_n3A_1202 = arith.select %eq3A_1199, %scan3A_1179#1, %broadcast_in_dim3A_1201 : vector<16xi1>, vector<16xi32>
        %reduce_min3A_1203 = arith.constant true
        %reduce_min3A_1204 = vector.broadcast %reduce_min3A_1203 : i1 to vector<16xi1>
        %reduce_min3A_1205 = arith.constant -2147483648 : i32
        %reduce_min3A_1206 = vector.broadcast %reduce_min3A_1205 : i32 to vector<16xi32>
        %reduce_min3A_1207 = arith.xori %select_n3A_1202, %reduce_min3A_1206 : vector<16xi32>
        %reduce_min3A_1208 = tpu.scan <min>, %reduce_min3A_1207 masked %reduce_min3A_1204 : vector<16xi32>, vector<16xi1> -> vector<16xi32>
        %reduce_min3A_1209 = arith.xori %reduce_min3A_1208, %reduce_min3A_1206 : vector<16xi32>
        %reduce_min3A_1210 = vector.extract %reduce_min3A_1209[15] : i32 from vector<16xi32>
        %eq3A_1211 = arith.constant 5 : i32
        %eq3A_1212 = vector.broadcast %eq3A_1211 : i32 to vector<16xi32>
        %eq3A_1213 = arith.cmpi eq, %iota3A, %eq3A_1212 : vector<16xi32>
        %broadcast_in_dim3A_1214 = vector.broadcast %reduce_max3A_1184 : f32 to vector<16xf32>
        %select_n3A_1215 = arith.select %eq3A_1213, %broadcast_in_dim3A_1214, %select_n3A_1129 : vector<16xi1>, vector<16xf32>
        %broadcast_in_dim3A_1216 = vector.broadcast %reduce_min3A_1210 : i32 to vector<16xi32>
        %select_n3A_1217 = arith.select %eq3A_1213, %broadcast_in_dim3A_1216, %select_n3A_1131 : vector<16xi1>, vector<16xi32>
        %jit3A_1218 = arith.constant 16 : i32
        %div3A_1219 = arith.divsi %reduce_min3A_1197, %jit3A_1218 : i32
        %sign3A_1220 = arith.constant 0 : i32
        %sign3A_1221 = arith.cmpi sgt, %reduce_min3A_1197, %sign3A_1220 : i32
        %sign3A_1222 = arith.extui %sign3A_1221 : i1 to i32
        %sign3A_1223 = arith.constant 0 : i32
        %sign3A_1224 = arith.cmpi slt, %reduce_min3A_1197, %sign3A_1223 : i32
        %sign3A_1225 = arith.extui %sign3A_1224 : i1 to i32
        %sign3A_1226 = arith.subi %sign3A_1222, %sign3A_1225 : i32
        %sign3A_1227 = arith.constant 0 : i32
        %sign3A_1228 = arith.cmpi sgt, %jit3A_1218, %sign3A_1227 : i32
        %sign3A_1229 = arith.extui %sign3A_1228 : i1 to i32
        %sign3A_1230 = arith.constant 0 : i32
        %sign3A_1231 = arith.cmpi slt, %jit3A_1218, %sign3A_1230 : i32
        %sign3A_1232 = arith.extui %sign3A_1231 : i1 to i32
        %sign3A_1233 = arith.subi %sign3A_1229, %sign3A_1232 : i32
        %ne3A_1234 = arith.cmpi ne, %sign3A_1226, %sign3A_1233 : i32
        %rem3A_1235 = arith.remsi %reduce_min3A_1197, %jit3A_1218 : i32
        %ne3A_1236 = arith.constant 0 : i32
        %ne3A_1237 = arith.cmpi ne, %rem3A_1235, %ne3A_1236 : i32
        %and3A_1238 = arith.andi %ne3A_1234, %ne3A_1237 : i1
        %sub3A_1239 = arith.constant 1 : i32
        %sub3A_1240 = arith.subi %div3A_1219, %sub3A_1239 : i32
        %select_n3A_1241 = arith.select %and3A_1238, %sub3A_1240, %div3A_1219 : i32
        %mul3A_1242 = arith.constant 16 : i32
        %mul3A_1243 = arith.muli %select_n3A_1241, %mul3A_1242 : i32
        %get3A_1244 = arith.index_cast %mul3A_1243 : i32 to index
        %get3A_1245 = tpu.vector_load %arg12[%get3A_1244] {strides = array<i32>} : memref<256xf32, #tpu.memory_space<vmem>>, vector<16xf32>,
        %add3A_1246 = vector.broadcast %mul3A_1243 : i32 to vector<16xi32>
        %add3A_1247 = arith.addi %add3A_1246, %iota3A : vector<16xi32>
        %eq3A_1248 = vector.broadcast %reduce_min3A_1197 : i32 to vector<16xi32>
        %eq3A_1249 = arith.cmpi eq, %add3A_1247, %eq3A_1248 : vector<16xi32>
        %jit3A_1250 = arith.constant 0xFF800000 : f32
        %broadcast_in_dim3A_1251 = vector.broadcast %jit3A_1250 : f32 to vector<16xf32>
        %select_n3A_1252 = arith.select %eq3A_1249, %broadcast_in_dim3A_1251, %get3A_1245 : vector<16xi1>, vector<16xf32>
        %swap3A_1253 = arith.index_cast %mul3A_1243 : i32 to index
        %swap3A_1254 = tpu.vector_load %arg12[%swap3A_1253] {strides = array<i32>} : memref<256xf32, #tpu.memory_space<vmem>>, vector<16xf32>,
        tpu.vector_store %arg12[%swap3A_1253], %select_n3A_1252 {strides = array<i32>} : memref<256xf32, #tpu.memory_space<vmem>>, vector<16xf32>,
        %broadcast_in_dim3A_1255 = arith.constant 0xFF800000 : f32
        %broadcast_in_dim3A_1256 = vector.broadcast %broadcast_in_dim3A_1255 : f32 to vector<16xf32>
        %broadcast_in_dim3A_1257 = arith.constant 2147483647 : i32
        %broadcast_in_dim3A_1258 = vector.broadcast %broadcast_in_dim3A_1257 : i32 to vector<16xi32>
        %broadcast_in_dim3A_1259 = arith.constant 2147483647 : i32
        %broadcast_in_dim3A_1260 = vector.broadcast %broadcast_in_dim3A_1259 : i32 to vector<16xi32>
        %scan3A_1261 = arith.constant 0 : i32
        %scan3A_1262 = arith.constant 16 : i32
        %scan3A_1263 = arith.addi %scan3A_1261, %scan3A_1262 : i32
        %scan3A_1264 = arith.constant 1 : i32
        %scan3A_1265:3 = scf.for %scan3A_1616 = %scan3A_1261 to %scan3A_1263 step %scan3A_1264 iter_args(%scan3A_1617 = %broadcast_in_dim3A_1256, %scan3A_1618 = %broadcast_in_dim3A_1258, %scan3A_1619 = %broadcast_in_dim3A_1260) -> (vector<16xf32>, vector<16xi32>, vector<16xi32>)  : i32 {
          %mul3A_1620 = arith.constant 16 : i32
          %mul3A_1621 = arith.muli %scan3A_1616, %mul3A_1620 : i32
          %get3A_1622 = arith.index_cast %mul3A_1621 : i32 to index
          %get3A_1623 = tpu.vector_load %arg12[%get3A_1622] {strides = array<i32>} : memref<256xf32, #tpu.memory_space<vmem>>, vector<16xf32>,
          %mul3A_1624 = arith.constant 16 : i32
          %mul3A_1625 = arith.muli %scan3A_1616, %mul3A_1624 : i32
          %get3A_1626 = arith.index_cast %mul3A_1625 : i32 to index
          %get3A_1627 = tpu.vector_load %arg13[%get3A_1626] {strides = array<i32>} : memref<256xi32, #tpu.memory_space<vmem>>, vector<16xi32>,
          %mul3A_1628 = arith.constant 16 : i32
          %mul3A_1629 = arith.muli %scan3A_1616, %mul3A_1628 : i32
          %add3A_1630 = vector.broadcast %mul3A_1629 : i32 to vector<16xi32>
          %add3A_1631 = arith.addi %add3A_1630, %iota3A : vector<16xi32>
          %gt3A = arith.cmpf ogt, %get3A_1623, %scan3A_1617 : vector<16xf32>
          %select_n3A_1632 = arith.select %gt3A, %get3A_1623, %scan3A_1617 : vector<16xi1>, vector<16xf32>
          %select_n3A_1633 = arith.select %gt3A, %get3A_1627, %scan3A_1618 : vector<16xi1>, vector<16xi32>
          %select_n3A_1634 = arith.select %gt3A, %add3A_1631, %scan3A_1619 : vector<16xi1>, vector<16xi32>
          scf.yield %select_n3A_1632, %select_n3A_1633, %select_n3A_1634 : vector<16xf32>, vector<16xi32>, vector<16xi32>
        }
        %scan3A_1266 = arith.constant 16 : i32
        %reduce_max3A_1267 = arith.constant true
        %reduce_max3A_1268 = vector.broadcast %reduce_max3A_1267 : i1 to vector<16xi1>
        %reduce_max3A_1269 = tpu.scan <max>, %scan3A_1265#0 masked %reduce_max3A_1268 : vector<16xf32>, vector<16xi1> -> vector<16xf32>
        %reduce_max3A_1270 = vector.extract %reduce_max3A_1269[15] : f32 from vector<16xf32>
        %eq3A_1271 = vector.broadcast %reduce_max3A_1270 : f32 to vector<16xf32>
        %eq3A_1272 = arith.cmpf oeq, %scan3A_1265#0, %eq3A_1271 : vector<16xf32>
        %jit3A_1273 = arith.constant 2147483647 : i32
        %broadcast_in_dim3A_1274 = vector.broadcast %jit3A_1273 : i32 to vector<16xi32>
        %select_n3A_1275 = arith.select %eq3A_1272, %scan3A_1265#2, %broadcast_in_dim3A_1274 : vector<16xi1>, vector<16xi32>
        %reduce_min3A_1276 = arith.constant true
        %reduce_min3A_1277 = vector.broadcast %reduce_min3A_1276 : i1 to vector<16xi1>
        %reduce_min3A_1278 = arith.constant -2147483648 : i32
        %reduce_min3A_1279 = vector.broadcast %reduce_min3A_1278 : i32 to vector<16xi32>
        %reduce_min3A_1280 = arith.xori %select_n3A_1275, %reduce_min3A_1279 : vector<16xi32>
        %reduce_min3A_1281 = tpu.scan <min>, %reduce_min3A_1280 masked %reduce_min3A_1277 : vector<16xi32>, vector<16xi1> -> vector<16xi32>
        %reduce_min3A_1282 = arith.xori %reduce_min3A_1281, %reduce_min3A_1279 : vector<16xi32>
        %reduce_min3A_1283 = vector.extract %reduce_min3A_1282[15] : i32 from vector<16xi32>
        %eq3A_1284 = vector.broadcast %reduce_min3A_1283 : i32 to vector<16xi32>
        %eq3A_1285 = arith.cmpi eq, %scan3A_1265#2, %eq3A_1284 : vector<16xi32>
        %jit3A_1286 = arith.constant 2147483647 : i32
        %broadcast_in_dim3A_1287 = vector.broadcast %jit3A_1286 : i32 to vector<16xi32>
        %select_n3A_1288 = arith.select %eq3A_1285, %scan3A_1265#1, %broadcast_in_dim3A_1287 : vector<16xi1>, vector<16xi32>
        %reduce_min3A_1289 = arith.constant true
        %reduce_min3A_1290 = vector.broadcast %reduce_min3A_1289 : i1 to vector<16xi1>
        %reduce_min3A_1291 = arith.constant -2147483648 : i32
        %reduce_min3A_1292 = vector.broadcast %reduce_min3A_1291 : i32 to vector<16xi32>
        %reduce_min3A_1293 = arith.xori %select_n3A_1288, %reduce_min3A_1292 : vector<16xi32>
        %reduce_min3A_1294 = tpu.scan <min>, %reduce_min3A_1293 masked %reduce_min3A_1290 : vector<16xi32>, vector<16xi1> -> vector<16xi32>
        %reduce_min3A_1295 = arith.xori %reduce_min3A_1294, %reduce_min3A_1292 : vector<16xi32>
        %reduce_min3A_1296 = vector.extract %reduce_min3A_1295[15] : i32 from vector<16xi32>
        %eq3A_1297 = arith.constant 6 : i32
        %eq3A_1298 = vector.broadcast %eq3A_1297 : i32 to vector<16xi32>
        %eq3A_1299 = arith.cmpi eq, %iota3A, %eq3A_1298 : vector<16xi32>
        %broadcast_in_dim3A_1300 = vector.broadcast %reduce_max3A_1270 : f32 to vector<16xf32>
        %select_n3A_1301 = arith.select %eq3A_1299, %broadcast_in_dim3A_1300, %select_n3A_1215 : vector<16xi1>, vector<16xf32>
        %broadcast_in_dim3A_1302 = vector.broadcast %reduce_min3A_1296 : i32 to vector<16xi32>
        %select_n3A_1303 = arith.select %eq3A_1299, %broadcast_in_dim3A_1302, %select_n3A_1217 : vector<16xi1>, vector<16xi32>
        %jit3A_1304 = arith.constant 16 : i32
        %div3A_1305 = arith.divsi %reduce_min3A_1283, %jit3A_1304 : i32
        %sign3A_1306 = arith.constant 0 : i32
        %sign3A_1307 = arith.cmpi sgt, %reduce_min3A_1283, %sign3A_1306 : i32
        %sign3A_1308 = arith.extui %sign3A_1307 : i1 to i32
        %sign3A_1309 = arith.constant 0 : i32
        %sign3A_1310 = arith.cmpi slt, %reduce_min3A_1283, %sign3A_1309 : i32
        %sign3A_1311 = arith.extui %sign3A_1310 : i1 to i32
        %sign3A_1312 = arith.subi %sign3A_1308, %sign3A_1311 : i32
        %sign3A_1313 = arith.constant 0 : i32
        %sign3A_1314 = arith.cmpi sgt, %jit3A_1304, %sign3A_1313 : i32
        %sign3A_1315 = arith.extui %sign3A_1314 : i1 to i32
        %sign3A_1316 = arith.constant 0 : i32
        %sign3A_1317 = arith.cmpi slt, %jit3A_1304, %sign3A_1316 : i32
        %sign3A_1318 = arith.extui %sign3A_1317 : i1 to i32
        %sign3A_1319 = arith.subi %sign3A_1315, %sign3A_1318 : i32
        %ne3A_1320 = arith.cmpi ne, %sign3A_1312, %sign3A_1319 : i32
        %rem3A_1321 = arith.remsi %reduce_min3A_1283, %jit3A_1304 : i32
        %ne3A_1322 = arith.constant 0 : i32
        %ne3A_1323 = arith.cmpi ne, %rem3A_1321, %ne3A_1322 : i32
        %and3A_1324 = arith.andi %ne3A_1320, %ne3A_1323 : i1
        %sub3A_1325 = arith.constant 1 : i32
        %sub3A_1326 = arith.subi %div3A_1305, %sub3A_1325 : i32
        %select_n3A_1327 = arith.select %and3A_1324, %sub3A_1326, %div3A_1305 : i32
        %mul3A_1328 = arith.constant 16 : i32
        %mul3A_1329 = arith.muli %select_n3A_1327, %mul3A_1328 : i32
        %get3A_1330 = arith.index_cast %mul3A_1329 : i32 to index
        %get3A_1331 = tpu.vector_load %arg12[%get3A_1330] {strides = array<i32>} : memref<256xf32, #tpu.memory_space<vmem>>, vector<16xf32>,
        %add3A_1332 = vector.broadcast %mul3A_1329 : i32 to vector<16xi32>
        %add3A_1333 = arith.addi %add3A_1332, %iota3A : vector<16xi32>
        %eq3A_1334 = vector.broadcast %reduce_min3A_1283 : i32 to vector<16xi32>
        %eq3A_1335 = arith.cmpi eq, %add3A_1333, %eq3A_1334 : vector<16xi32>
        %jit3A_1336 = arith.constant 0xFF800000 : f32
        %broadcast_in_dim3A_1337 = vector.broadcast %jit3A_1336 : f32 to vector<16xf32>
        %select_n3A_1338 = arith.select %eq3A_1335, %broadcast_in_dim3A_1337, %get3A_1331 : vector<16xi1>, vector<16xf32>
        %swap3A_1339 = arith.index_cast %mul3A_1329 : i32 to index
        %swap3A_1340 = tpu.vector_load %arg12[%swap3A_1339] {strides = array<i32>} : memref<256xf32, #tpu.memory_space<vmem>>, vector<16xf32>,
        tpu.vector_store %arg12[%swap3A_1339], %select_n3A_1338 {strides = array<i32>} : memref<256xf32, #tpu.memory_space<vmem>>, vector<16xf32>,
        %broadcast_in_dim3A_1341 = arith.constant 0xFF800000 : f32
        %broadcast_in_dim3A_1342 = vector.broadcast %broadcast_in_dim3A_1341 : f32 to vector<16xf32>
        %broadcast_in_dim3A_1343 = arith.constant 2147483647 : i32
        %broadcast_in_dim3A_1344 = vector.broadcast %broadcast_in_dim3A_1343 : i32 to vector<16xi32>
        %broadcast_in_dim3A_1345 = arith.constant 2147483647 : i32
        %broadcast_in_dim3A_1346 = vector.broadcast %broadcast_in_dim3A_1345 : i32 to vector<16xi32>
        %scan3A_1347 = arith.constant 0 : i32
        %scan3A_1348 = arith.constant 16 : i32
        %scan3A_1349 = arith.addi %scan3A_1347, %scan3A_1348 : i32
        %scan3A_1350 = arith.constant 1 : i32
        %scan3A_1351:3 = scf.for %scan3A_1616 = %scan3A_1347 to %scan3A_1349 step %scan3A_1350 iter_args(%scan3A_1617 = %broadcast_in_dim3A_1342, %scan3A_1618 = %broadcast_in_dim3A_1344, %scan3A_1619 = %broadcast_in_dim3A_1346) -> (vector<16xf32>, vector<16xi32>, vector<16xi32>)  : i32 {
          %mul3A_1620 = arith.constant 16 : i32
          %mul3A_1621 = arith.muli %scan3A_1616, %mul3A_1620 : i32
          %get3A_1622 = arith.index_cast %mul3A_1621 : i32 to index
          %get3A_1623 = tpu.vector_load %arg12[%get3A_1622] {strides = array<i32>} : memref<256xf32, #tpu.memory_space<vmem>>, vector<16xf32>,
          %mul3A_1624 = arith.constant 16 : i32
          %mul3A_1625 = arith.muli %scan3A_1616, %mul3A_1624 : i32
          %get3A_1626 = arith.index_cast %mul3A_1625 : i32 to index
          %get3A_1627 = tpu.vector_load %arg13[%get3A_1626] {strides = array<i32>} : memref<256xi32, #tpu.memory_space<vmem>>, vector<16xi32>,
          %mul3A_1628 = arith.constant 16 : i32
          %mul3A_1629 = arith.muli %scan3A_1616, %mul3A_1628 : i32
          %add3A_1630 = vector.broadcast %mul3A_1629 : i32 to vector<16xi32>
          %add3A_1631 = arith.addi %add3A_1630, %iota3A : vector<16xi32>
          %gt3A = arith.cmpf ogt, %get3A_1623, %scan3A_1617 : vector<16xf32>
          %select_n3A_1632 = arith.select %gt3A, %get3A_1623, %scan3A_1617 : vector<16xi1>, vector<16xf32>
          %select_n3A_1633 = arith.select %gt3A, %get3A_1627, %scan3A_1618 : vector<16xi1>, vector<16xi32>
          %select_n3A_1634 = arith.select %gt3A, %add3A_1631, %scan3A_1619 : vector<16xi1>, vector<16xi32>
          scf.yield %select_n3A_1632, %select_n3A_1633, %select_n3A_1634 : vector<16xf32>, vector<16xi32>, vector<16xi32>
        }
        %scan3A_1352 = arith.constant 16 : i32
        %reduce_max3A_1353 = arith.constant true
        %reduce_max3A_1354 = vector.broadcast %reduce_max3A_1353 : i1 to vector<16xi1>
        %reduce_max3A_1355 = tpu.scan <max>, %scan3A_1351#0 masked %reduce_max3A_1354 : vector<16xf32>, vector<16xi1> -> vector<16xf32>
        %reduce_max3A_1356 = vector.extract %reduce_max3A_1355[15] : f32 from vector<16xf32>
        %eq3A_1357 = vector.broadcast %reduce_max3A_1356 : f32 to vector<16xf32>
        %eq3A_1358 = arith.cmpf oeq, %scan3A_1351#0, %eq3A_1357 : vector<16xf32>
        %jit3A_1359 = arith.constant 2147483647 : i32
        %broadcast_in_dim3A_1360 = vector.broadcast %jit3A_1359 : i32 to vector<16xi32>
        %select_n3A_1361 = arith.select %eq3A_1358, %scan3A_1351#2, %broadcast_in_dim3A_1360 : vector<16xi1>, vector<16xi32>
        %reduce_min3A_1362 = arith.constant true
        %reduce_min3A_1363 = vector.broadcast %reduce_min3A_1362 : i1 to vector<16xi1>
        %reduce_min3A_1364 = arith.constant -2147483648 : i32
        %reduce_min3A_1365 = vector.broadcast %reduce_min3A_1364 : i32 to vector<16xi32>
        %reduce_min3A_1366 = arith.xori %select_n3A_1361, %reduce_min3A_1365 : vector<16xi32>
        %reduce_min3A_1367 = tpu.scan <min>, %reduce_min3A_1366 masked %reduce_min3A_1363 : vector<16xi32>, vector<16xi1> -> vector<16xi32>
        %reduce_min3A_1368 = arith.xori %reduce_min3A_1367, %reduce_min3A_1365 : vector<16xi32>
        %reduce_min3A_1369 = vector.extract %reduce_min3A_1368[15] : i32 from vector<16xi32>
        %eq3A_1370 = vector.broadcast %reduce_min3A_1369 : i32 to vector<16xi32>
        %eq3A_1371 = arith.cmpi eq, %scan3A_1351#2, %eq3A_1370 : vector<16xi32>
        %jit3A_1372 = arith.constant 2147483647 : i32
        %broadcast_in_dim3A_1373 = vector.broadcast %jit3A_1372 : i32 to vector<16xi32>
        %select_n3A_1374 = arith.select %eq3A_1371, %scan3A_1351#1, %broadcast_in_dim3A_1373 : vector<16xi1>, vector<16xi32>
        %reduce_min3A_1375 = arith.constant true
        %reduce_min3A_1376 = vector.broadcast %reduce_min3A_1375 : i1 to vector<16xi1>
        %reduce_min3A_1377 = arith.constant -2147483648 : i32
        %reduce_min3A_1378 = vector.broadcast %reduce_min3A_1377 : i32 to vector<16xi32>
        %reduce_min3A_1379 = arith.xori %select_n3A_1374, %reduce_min3A_1378 : vector<16xi32>
        %reduce_min3A_1380 = tpu.scan <min>, %reduce_min3A_1379 masked %reduce_min3A_1376 : vector<16xi32>, vector<16xi1> -> vector<16xi32>
        %reduce_min3A_1381 = arith.xori %reduce_min3A_1380, %reduce_min3A_1378 : vector<16xi32>
        %reduce_min3A_1382 = vector.extract %reduce_min3A_1381[15] : i32 from vector<16xi32>
        %eq3A_1383 = arith.constant 7 : i32
        %eq3A_1384 = vector.broadcast %eq3A_1383 : i32 to vector<16xi32>
        %eq3A_1385 = arith.cmpi eq, %iota3A, %eq3A_1384 : vector<16xi32>
        %broadcast_in_dim3A_1386 = vector.broadcast %reduce_max3A_1356 : f32 to vector<16xf32>
        %select_n3A_1387 = arith.select %eq3A_1385, %broadcast_in_dim3A_1386, %select_n3A_1301 : vector<16xi1>, vector<16xf32>
        %broadcast_in_dim3A_1388 = vector.broadcast %reduce_min3A_1382 : i32 to vector<16xi32>
        %select_n3A_1389 = arith.select %eq3A_1385, %broadcast_in_dim3A_1388, %select_n3A_1303 : vector<16xi1>, vector<16xi32>
        %jit3A_1390 = arith.constant 16 : i32
        %div3A_1391 = arith.divsi %reduce_min3A_1369, %jit3A_1390 : i32
        %sign3A_1392 = arith.constant 0 : i32
        %sign3A_1393 = arith.cmpi sgt, %reduce_min3A_1369, %sign3A_1392 : i32
        %sign3A_1394 = arith.extui %sign3A_1393 : i1 to i32
        %sign3A_1395 = arith.constant 0 : i32
        %sign3A_1396 = arith.cmpi slt, %reduce_min3A_1369, %sign3A_1395 : i32
        %sign3A_1397 = arith.extui %sign3A_1396 : i1 to i32
        %sign3A_1398 = arith.subi %sign3A_1394, %sign3A_1397 : i32
        %sign3A_1399 = arith.constant 0 : i32
        %sign3A_1400 = arith.cmpi sgt, %jit3A_1390, %sign3A_1399 : i32
        %sign3A_1401 = arith.extui %sign3A_1400 : i1 to i32
        %sign3A_1402 = arith.constant 0 : i32
        %sign3A_1403 = arith.cmpi slt, %jit3A_1390, %sign3A_1402 : i32
        %sign3A_1404 = arith.extui %sign3A_1403 : i1 to i32
        %sign3A_1405 = arith.subi %sign3A_1401, %sign3A_1404 : i32
        %ne3A_1406 = arith.cmpi ne, %sign3A_1398, %sign3A_1405 : i32
        %rem3A_1407 = arith.remsi %reduce_min3A_1369, %jit3A_1390 : i32
        %ne3A_1408 = arith.constant 0 : i32
        %ne3A_1409 = arith.cmpi ne, %rem3A_1407, %ne3A_1408 : i32
        %and3A_1410 = arith.andi %ne3A_1406, %ne3A_1409 : i1
        %sub3A_1411 = arith.constant 1 : i32
        %sub3A_1412 = arith.subi %div3A_1391, %sub3A_1411 : i32
        %select_n3A_1413 = arith.select %and3A_1410, %sub3A_1412, %div3A_1391 : i32
        %mul3A_1414 = arith.constant 16 : i32
        %mul3A_1415 = arith.muli %select_n3A_1413, %mul3A_1414 : i32
        %get3A_1416 = arith.index_cast %mul3A_1415 : i32 to index
        %get3A_1417 = tpu.vector_load %arg12[%get3A_1416] {strides = array<i32>} : memref<256xf32, #tpu.memory_space<vmem>>, vector<16xf32>,
        %add3A_1418 = vector.broadcast %mul3A_1415 : i32 to vector<16xi32>
        %add3A_1419 = arith.addi %add3A_1418, %iota3A : vector<16xi32>
        %eq3A_1420 = vector.broadcast %reduce_min3A_1369 : i32 to vector<16xi32>
        %eq3A_1421 = arith.cmpi eq, %add3A_1419, %eq3A_1420 : vector<16xi32>
        %jit3A_1422 = arith.constant 0xFF800000 : f32
        %broadcast_in_dim3A_1423 = vector.broadcast %jit3A_1422 : f32 to vector<16xf32>
        %select_n3A_1424 = arith.select %eq3A_1421, %broadcast_in_dim3A_1423, %get3A_1417 : vector<16xi1>, vector<16xf32>
        %swap3A_1425 = arith.index_cast %mul3A_1415 : i32 to index
        %swap3A_1426 = tpu.vector_load %arg12[%swap3A_1425] {strides = array<i32>} : memref<256xf32, #tpu.memory_space<vmem>>, vector<16xf32>,
        tpu.vector_store %arg12[%swap3A_1425], %select_n3A_1424 {strides = array<i32>} : memref<256xf32, #tpu.memory_space<vmem>>, vector<16xf32>,
        %broadcast_in_dim3A_1427 = arith.constant 0xFF800000 : f32
        %broadcast_in_dim3A_1428 = vector.broadcast %broadcast_in_dim3A_1427 : f32 to vector<16xf32>
        %broadcast_in_dim3A_1429 = arith.constant 2147483647 : i32
        %broadcast_in_dim3A_1430 = vector.broadcast %broadcast_in_dim3A_1429 : i32 to vector<16xi32>
        %broadcast_in_dim3A_1431 = arith.constant 2147483647 : i32
        %broadcast_in_dim3A_1432 = vector.broadcast %broadcast_in_dim3A_1431 : i32 to vector<16xi32>
        %scan3A_1433 = arith.constant 0 : i32
        %scan3A_1434 = arith.constant 16 : i32
        %scan3A_1435 = arith.addi %scan3A_1433, %scan3A_1434 : i32
        %scan3A_1436 = arith.constant 1 : i32
        %scan3A_1437:3 = scf.for %scan3A_1616 = %scan3A_1433 to %scan3A_1435 step %scan3A_1436 iter_args(%scan3A_1617 = %broadcast_in_dim3A_1428, %scan3A_1618 = %broadcast_in_dim3A_1430, %scan3A_1619 = %broadcast_in_dim3A_1432) -> (vector<16xf32>, vector<16xi32>, vector<16xi32>)  : i32 {
          %mul3A_1620 = arith.constant 16 : i32
          %mul3A_1621 = arith.muli %scan3A_1616, %mul3A_1620 : i32
          %get3A_1622 = arith.index_cast %mul3A_1621 : i32 to index
          %get3A_1623 = tpu.vector_load %arg12[%get3A_1622] {strides = array<i32>} : memref<256xf32, #tpu.memory_space<vmem>>, vector<16xf32>,
          %mul3A_1624 = arith.constant 16 : i32
          %mul3A_1625 = arith.muli %scan3A_1616, %mul3A_1624 : i32
          %get3A_1626 = arith.index_cast %mul3A_1625 : i32 to index
          %get3A_1627 = tpu.vector_load %arg13[%get3A_1626] {strides = array<i32>} : memref<256xi32, #tpu.memory_space<vmem>>, vector<16xi32>,
          %mul3A_1628 = arith.constant 16 : i32
          %mul3A_1629 = arith.muli %scan3A_1616, %mul3A_1628 : i32
          %add3A_1630 = vector.broadcast %mul3A_1629 : i32 to vector<16xi32>
          %add3A_1631 = arith.addi %add3A_1630, %iota3A : vector<16xi32>
          %gt3A = arith.cmpf ogt, %get3A_1623, %scan3A_1617 : vector<16xf32>
          %select_n3A_1632 = arith.select %gt3A, %get3A_1623, %scan3A_1617 : vector<16xi1>, vector<16xf32>
          %select_n3A_1633 = arith.select %gt3A, %get3A_1627, %scan3A_1618 : vector<16xi1>, vector<16xi32>
          %select_n3A_1634 = arith.select %gt3A, %add3A_1631, %scan3A_1619 : vector<16xi1>, vector<16xi32>
          scf.yield %select_n3A_1632, %select_n3A_1633, %select_n3A_1634 : vector<16xf32>, vector<16xi32>, vector<16xi32>
        }
        %scan3A_1438 = arith.constant 16 : i32
        %reduce_max3A_1439 = arith.constant true
        %reduce_max3A_1440 = vector.broadcast %reduce_max3A_1439 : i1 to vector<16xi1>
        %reduce_max3A_1441 = tpu.scan <max>, %scan3A_1437#0 masked %reduce_max3A_1440 : vector<16xf32>, vector<16xi1> -> vector<16xf32>
        %reduce_max3A_1442 = vector.extract %reduce_max3A_1441[15] : f32 from vector<16xf32>
        %eq3A_1443 = vector.broadcast %reduce_max3A_1442 : f32 to vector<16xf32>
        %eq3A_1444 = arith.cmpf oeq, %scan3A_1437#0, %eq3A_1443 : vector<16xf32>
        %jit3A_1445 = arith.constant 2147483647 : i32
        %broadcast_in_dim3A_1446 = vector.broadcast %jit3A_1445 : i32 to vector<16xi32>
        %select_n3A_1447 = arith.select %eq3A_1444, %scan3A_1437#2, %broadcast_in_dim3A_1446 : vector<16xi1>, vector<16xi32>
        %reduce_min3A_1448 = arith.constant true
        %reduce_min3A_1449 = vector.broadcast %reduce_min3A_1448 : i1 to vector<16xi1>
        %reduce_min3A_1450 = arith.constant -2147483648 : i32
        %reduce_min3A_1451 = vector.broadcast %reduce_min3A_1450 : i32 to vector<16xi32>
        %reduce_min3A_1452 = arith.xori %select_n3A_1447, %reduce_min3A_1451 : vector<16xi32>
        %reduce_min3A_1453 = tpu.scan <min>, %reduce_min3A_1452 masked %reduce_min3A_1449 : vector<16xi32>, vector<16xi1> -> vector<16xi32>
        %reduce_min3A_1454 = arith.xori %reduce_min3A_1453, %reduce_min3A_1451 : vector<16xi32>
        %reduce_min3A_1455 = vector.extract %reduce_min3A_1454[15] : i32 from vector<16xi32>
        %eq3A_1456 = vector.broadcast %reduce_min3A_1455 : i32 to vector<16xi32>
        %eq3A_1457 = arith.cmpi eq, %scan3A_1437#2, %eq3A_1456 : vector<16xi32>
        %jit3A_1458 = arith.constant 2147483647 : i32
        %broadcast_in_dim3A_1459 = vector.broadcast %jit3A_1458 : i32 to vector<16xi32>
        %select_n3A_1460 = arith.select %eq3A_1457, %scan3A_1437#1, %broadcast_in_dim3A_1459 : vector<16xi1>, vector<16xi32>
        %reduce_min3A_1461 = arith.constant true
        %reduce_min3A_1462 = vector.broadcast %reduce_min3A_1461 : i1 to vector<16xi1>
        %reduce_min3A_1463 = arith.constant -2147483648 : i32
        %reduce_min3A_1464 = vector.broadcast %reduce_min3A_1463 : i32 to vector<16xi32>
        %reduce_min3A_1465 = arith.xori %select_n3A_1460, %reduce_min3A_1464 : vector<16xi32>
        %reduce_min3A_1466 = tpu.scan <min>, %reduce_min3A_1465 masked %reduce_min3A_1462 : vector<16xi32>, vector<16xi1> -> vector<16xi32>
        %reduce_min3A_1467 = arith.xori %reduce_min3A_1466, %reduce_min3A_1464 : vector<16xi32>
        %reduce_min3A_1468 = vector.extract %reduce_min3A_1467[15] : i32 from vector<16xi32>
        %eq3A_1469 = arith.constant 8 : i32
        %eq3A_1470 = vector.broadcast %eq3A_1469 : i32 to vector<16xi32>
        %eq3A_1471 = arith.cmpi eq, %iota3A, %eq3A_1470 : vector<16xi32>
        %broadcast_in_dim3A_1472 = vector.broadcast %reduce_max3A_1442 : f32 to vector<16xf32>
        %select_n3A_1473 = arith.select %eq3A_1471, %broadcast_in_dim3A_1472, %select_n3A_1387 : vector<16xi1>, vector<16xf32>
        %broadcast_in_dim3A_1474 = vector.broadcast %reduce_min3A_1468 : i32 to vector<16xi32>
        %select_n3A_1475 = arith.select %eq3A_1471, %broadcast_in_dim3A_1474, %select_n3A_1389 : vector<16xi1>, vector<16xi32>
        %jit3A_1476 = arith.constant 16 : i32
        %div3A_1477 = arith.divsi %reduce_min3A_1455, %jit3A_1476 : i32
        %sign3A_1478 = arith.constant 0 : i32
        %sign3A_1479 = arith.cmpi sgt, %reduce_min3A_1455, %sign3A_1478 : i32
        %sign3A_1480 = arith.extui %sign3A_1479 : i1 to i32
        %sign3A_1481 = arith.constant 0 : i32
        %sign3A_1482 = arith.cmpi slt, %reduce_min3A_1455, %sign3A_1481 : i32
        %sign3A_1483 = arith.extui %sign3A_1482 : i1 to i32
        %sign3A_1484 = arith.subi %sign3A_1480, %sign3A_1483 : i32
        %sign3A_1485 = arith.constant 0 : i32
        %sign3A_1486 = arith.cmpi sgt, %jit3A_1476, %sign3A_1485 : i32
        %sign3A_1487 = arith.extui %sign3A_1486 : i1 to i32
        %sign3A_1488 = arith.constant 0 : i32
        %sign3A_1489 = arith.cmpi slt, %jit3A_1476, %sign3A_1488 : i32
        %sign3A_1490 = arith.extui %sign3A_1489 : i1 to i32
        %sign3A_1491 = arith.subi %sign3A_1487, %sign3A_1490 : i32
        %ne3A_1492 = arith.cmpi ne, %sign3A_1484, %sign3A_1491 : i32
        %rem3A_1493 = arith.remsi %reduce_min3A_1455, %jit3A_1476 : i32
        %ne3A_1494 = arith.constant 0 : i32
        %ne3A_1495 = arith.cmpi ne, %rem3A_1493, %ne3A_1494 : i32
        %and3A_1496 = arith.andi %ne3A_1492, %ne3A_1495 : i1
        %sub3A_1497 = arith.constant 1 : i32
        %sub3A_1498 = arith.subi %div3A_1477, %sub3A_1497 : i32
        %select_n3A_1499 = arith.select %and3A_1496, %sub3A_1498, %div3A_1477 : i32
        %mul3A_1500 = arith.constant 16 : i32
        %mul3A_1501 = arith.muli %select_n3A_1499, %mul3A_1500 : i32
        %get3A_1502 = arith.index_cast %mul3A_1501 : i32 to index
        %get3A_1503 = tpu.vector_load %arg12[%get3A_1502] {strides = array<i32>} : memref<256xf32, #tpu.memory_space<vmem>>, vector<16xf32>,
        %add3A_1504 = vector.broadcast %mul3A_1501 : i32 to vector<16xi32>
        %add3A_1505 = arith.addi %add3A_1504, %iota3A : vector<16xi32>
        %eq3A_1506 = vector.broadcast %reduce_min3A_1455 : i32 to vector<16xi32>
        %eq3A_1507 = arith.cmpi eq, %add3A_1505, %eq3A_1506 : vector<16xi32>
        %jit3A_1508 = arith.constant 0xFF800000 : f32
        %broadcast_in_dim3A_1509 = vector.broadcast %jit3A_1508 : f32 to vector<16xf32>
        %select_n3A_1510 = arith.select %eq3A_1507, %broadcast_in_dim3A_1509, %get3A_1503 : vector<16xi1>, vector<16xf32>
        %swap3A_1511 = arith.index_cast %mul3A_1501 : i32 to index
        %swap3A_1512 = tpu.vector_load %arg12[%swap3A_1511] {strides = array<i32>} : memref<256xf32, #tpu.memory_space<vmem>>, vector<16xf32>,
        tpu.vector_store %arg12[%swap3A_1511], %select_n3A_1510 {strides = array<i32>} : memref<256xf32, #tpu.memory_space<vmem>>, vector<16xf32>,
        %broadcast_in_dim3A_1513 = arith.constant 0xFF800000 : f32
        %broadcast_in_dim3A_1514 = vector.broadcast %broadcast_in_dim3A_1513 : f32 to vector<16xf32>
        %broadcast_in_dim3A_1515 = arith.constant 2147483647 : i32
        %broadcast_in_dim3A_1516 = vector.broadcast %broadcast_in_dim3A_1515 : i32 to vector<16xi32>
        %broadcast_in_dim3A_1517 = arith.constant 2147483647 : i32
        %broadcast_in_dim3A_1518 = vector.broadcast %broadcast_in_dim3A_1517 : i32 to vector<16xi32>
        %scan3A_1519 = arith.constant 0 : i32
        %scan3A_1520 = arith.constant 16 : i32
        %scan3A_1521 = arith.addi %scan3A_1519, %scan3A_1520 : i32
        %scan3A_1522 = arith.constant 1 : i32
        %scan3A_1523:3 = scf.for %scan3A_1616 = %scan3A_1519 to %scan3A_1521 step %scan3A_1522 iter_args(%scan3A_1617 = %broadcast_in_dim3A_1514, %scan3A_1618 = %broadcast_in_dim3A_1516, %scan3A_1619 = %broadcast_in_dim3A_1518) -> (vector<16xf32>, vector<16xi32>, vector<16xi32>)  : i32 {
          %mul3A_1620 = arith.constant 16 : i32
          %mul3A_1621 = arith.muli %scan3A_1616, %mul3A_1620 : i32
          %get3A_1622 = arith.index_cast %mul3A_1621 : i32 to index
          %get3A_1623 = tpu.vector_load %arg12[%get3A_1622] {strides = array<i32>} : memref<256xf32, #tpu.memory_space<vmem>>, vector<16xf32>,
          %mul3A_1624 = arith.constant 16 : i32
          %mul3A_1625 = arith.muli %scan3A_1616, %mul3A_1624 : i32
          %get3A_1626 = arith.index_cast %mul3A_1625 : i32 to index
          %get3A_1627 = tpu.vector_load %arg13[%get3A_1626] {strides = array<i32>} : memref<256xi32, #tpu.memory_space<vmem>>, vector<16xi32>,
          %mul3A_1628 = arith.constant 16 : i32
          %mul3A_1629 = arith.muli %scan3A_1616, %mul3A_1628 : i32
          %add3A_1630 = vector.broadcast %mul3A_1629 : i32 to vector<16xi32>
          %add3A_1631 = arith.addi %add3A_1630, %iota3A : vector<16xi32>
          %gt3A = arith.cmpf ogt, %get3A_1623, %scan3A_1617 : vector<16xf32>
          %select_n3A_1632 = arith.select %gt3A, %get3A_1623, %scan3A_1617 : vector<16xi1>, vector<16xf32>
          %select_n3A_1633 = arith.select %gt3A, %get3A_1627, %scan3A_1618 : vector<16xi1>, vector<16xi32>
          %select_n3A_1634 = arith.select %gt3A, %add3A_1631, %scan3A_1619 : vector<16xi1>, vector<16xi32>
          scf.yield %select_n3A_1632, %select_n3A_1633, %select_n3A_1634 : vector<16xf32>, vector<16xi32>, vector<16xi32>
        }
        %scan3A_1524 = arith.constant 16 : i32
        %reduce_max3A_1525 = arith.constant true
        %reduce_max3A_1526 = vector.broadcast %reduce_max3A_1525 : i1 to vector<16xi1>
        %reduce_max3A_1527 = tpu.scan <max>, %scan3A_1523#0 masked %reduce_max3A_1526 : vector<16xf32>, vector<16xi1> -> vector<16xf32>
        %reduce_max3A_1528 = vector.extract %reduce_max3A_1527[15] : f32 from vector<16xf32>
        %eq3A_1529 = vector.broadcast %reduce_max3A_1528 : f32 to vector<16xf32>
        %eq3A_1530 = arith.cmpf oeq, %scan3A_1523#0, %eq3A_1529 : vector<16xf32>
        %jit3A_1531 = arith.constant 2147483647 : i32
        %broadcast_in_dim3A_1532 = vector.broadcast %jit3A_1531 : i32 to vector<16xi32>
        %select_n3A_1533 = arith.select %eq3A_1530, %scan3A_1523#2, %broadcast_in_dim3A_1532 : vector<16xi1>, vector<16xi32>
        %reduce_min3A_1534 = arith.constant true
        %reduce_min3A_1535 = vector.broadcast %reduce_min3A_1534 : i1 to vector<16xi1>
        %reduce_min3A_1536 = arith.constant -2147483648 : i32
        %reduce_min3A_1537 = vector.broadcast %reduce_min3A_1536 : i32 to vector<16xi32>
        %reduce_min3A_1538 = arith.xori %select_n3A_1533, %reduce_min3A_1537 : vector<16xi32>
        %reduce_min3A_1539 = tpu.scan <min>, %reduce_min3A_1538 masked %reduce_min3A_1535 : vector<16xi32>, vector<16xi1> -> vector<16xi32>
        %reduce_min3A_1540 = arith.xori %reduce_min3A_1539, %reduce_min3A_1537 : vector<16xi32>
        %reduce_min3A_1541 = vector.extract %reduce_min3A_1540[15] : i32 from vector<16xi32>
        %eq3A_1542 = vector.broadcast %reduce_min3A_1541 : i32 to vector<16xi32>
        %eq3A_1543 = arith.cmpi eq, %scan3A_1523#2, %eq3A_1542 : vector<16xi32>
        %jit3A_1544 = arith.constant 2147483647 : i32
        %broadcast_in_dim3A_1545 = vector.broadcast %jit3A_1544 : i32 to vector<16xi32>
        %select_n3A_1546 = arith.select %eq3A_1543, %scan3A_1523#1, %broadcast_in_dim3A_1545 : vector<16xi1>, vector<16xi32>
        %reduce_min3A_1547 = arith.constant true
        %reduce_min3A_1548 = vector.broadcast %reduce_min3A_1547 : i1 to vector<16xi1>
        %reduce_min3A_1549 = arith.constant -2147483648 : i32
        %reduce_min3A_1550 = vector.broadcast %reduce_min3A_1549 : i32 to vector<16xi32>
        %reduce_min3A_1551 = arith.xori %select_n3A_1546, %reduce_min3A_1550 : vector<16xi32>
        %reduce_min3A_1552 = tpu.scan <min>, %reduce_min3A_1551 masked %reduce_min3A_1548 : vector<16xi32>, vector<16xi1> -> vector<16xi32>
        %reduce_min3A_1553 = arith.xori %reduce_min3A_1552, %reduce_min3A_1550 : vector<16xi32>
        %reduce_min3A_1554 = vector.extract %reduce_min3A_1553[15] : i32 from vector<16xi32>
        %eq3A_1555 = arith.constant 9 : i32
        %eq3A_1556 = vector.broadcast %eq3A_1555 : i32 to vector<16xi32>
        %eq3A_1557 = arith.cmpi eq, %iota3A, %eq3A_1556 : vector<16xi32>
        %broadcast_in_dim3A_1558 = vector.broadcast %reduce_max3A_1528 : f32 to vector<16xf32>
        %select_n3A_1559 = arith.select %eq3A_1557, %broadcast_in_dim3A_1558, %select_n3A_1473 : vector<16xi1>, vector<16xf32>
        %broadcast_in_dim3A_1560 = vector.broadcast %reduce_min3A_1554 : i32 to vector<16xi32>
        %select_n3A_1561 = arith.select %eq3A_1557, %broadcast_in_dim3A_1560, %select_n3A_1475 : vector<16xi1>, vector<16xi32>
        %jit3A_1562 = arith.constant 16 : i32
        %div3A_1563 = arith.divsi %reduce_min3A_1541, %jit3A_1562 : i32
        %sign3A_1564 = arith.constant 0 : i32
        %sign3A_1565 = arith.cmpi sgt, %reduce_min3A_1541, %sign3A_1564 : i32
        %sign3A_1566 = arith.extui %sign3A_1565 : i1 to i32
        %sign3A_1567 = arith.constant 0 : i32
        %sign3A_1568 = arith.cmpi slt, %reduce_min3A_1541, %sign3A_1567 : i32
        %sign3A_1569 = arith.extui %sign3A_1568 : i1 to i32
        %sign3A_1570 = arith.subi %sign3A_1566, %sign3A_1569 : i32
        %sign3A_1571 = arith.constant 0 : i32
        %sign3A_1572 = arith.cmpi sgt, %jit3A_1562, %sign3A_1571 : i32
        %sign3A_1573 = arith.extui %sign3A_1572 : i1 to i32
        %sign3A_1574 = arith.constant 0 : i32
        %sign3A_1575 = arith.cmpi slt, %jit3A_1562, %sign3A_1574 : i32
        %sign3A_1576 = arith.extui %sign3A_1575 : i1 to i32
        %sign3A_1577 = arith.subi %sign3A_1573, %sign3A_1576 : i32
        %ne3A_1578 = arith.cmpi ne, %sign3A_1570, %sign3A_1577 : i32
        %rem3A_1579 = arith.remsi %reduce_min3A_1541, %jit3A_1562 : i32
        %ne3A_1580 = arith.constant 0 : i32
        %ne3A_1581 = arith.cmpi ne, %rem3A_1579, %ne3A_1580 : i32
        %and3A_1582 = arith.andi %ne3A_1578, %ne3A_1581 : i1
        %sub3A_1583 = arith.constant 1 : i32
        %sub3A_1584 = arith.subi %div3A_1563, %sub3A_1583 : i32
        %select_n3A_1585 = arith.select %and3A_1582, %sub3A_1584, %div3A_1563 : i32
        %mul3A_1586 = arith.constant 16 : i32
        %mul3A_1587 = arith.muli %select_n3A_1585, %mul3A_1586 : i32
        %get3A_1588 = arith.index_cast %mul3A_1587 : i32 to index
        %get3A_1589 = tpu.vector_load %arg12[%get3A_1588] {strides = array<i32>} : memref<256xf32, #tpu.memory_space<vmem>>, vector<16xf32>,
        %add3A_1590 = vector.broadcast %mul3A_1587 : i32 to vector<16xi32>
        %add3A_1591 = arith.addi %add3A_1590, %iota3A : vector<16xi32>
        %eq3A_1592 = vector.broadcast %reduce_min3A_1541 : i32 to vector<16xi32>
        %eq3A_1593 = arith.cmpi eq, %add3A_1591, %eq3A_1592 : vector<16xi32>
        %jit3A_1594 = arith.constant 0xFF800000 : f32
        %broadcast_in_dim3A_1595 = vector.broadcast %jit3A_1594 : f32 to vector<16xf32>
        %select_n3A_1596 = arith.select %eq3A_1593, %broadcast_in_dim3A_1595, %get3A_1589 : vector<16xi1>, vector<16xf32>
        %swap3A_1597 = arith.index_cast %mul3A_1587 : i32 to index
        %swap3A_1598 = tpu.vector_load %arg12[%swap3A_1597] {strides = array<i32>} : memref<256xf32, #tpu.memory_space<vmem>>, vector<16xf32>,
        tpu.vector_store %arg12[%swap3A_1597], %select_n3A_1596 {strides = array<i32>} : memref<256xf32, #tpu.memory_space<vmem>>, vector<16xf32>,
        %lt3A = arith.constant 10 : i32
        %lt3A_1599 = vector.broadcast %lt3A : i32 to vector<16xi32>
        %lt3A_1600 = arith.cmpi slt, %iota3A, %lt3A_1599 : vector<16xi32>
        %jit3A_1601 = arith.constant 0 : i32
        %broadcast_in_dim3A_1602 = vector.broadcast %jit3A_1601 : i32 to vector<16xi32>
        %select_n3A_1603 = arith.select %lt3A_1600, %select_n3A_1561, %broadcast_in_dim3A_1602 : vector<16xi1>, vector<16xi32>
        %swap3A_1604 = arith.constant 0 : index
        %swap3A_1605 = tpu.vector_load %arg7[%swap3A_1604] {strides = array<i32>} : memref<16xi32, #tpu.memory_space<vmem>>, vector<16xi32>,
        tpu.vector_store %arg7[%swap3A_1604], %select_n3A_1603 {strides = array<i32>} : memref<16xi32, #tpu.memory_space<vmem>>, vector<16xi32>,
        %dma_start3A = arith.constant 0 : i32
        %dma_start3A_1606 = tpu.memref_slice %arg7[%dma_start3A] : memref<16xi32, #tpu.memory_space<vmem>> -> memref<10xi32, #tpu.memory_space<vmem>>
        %dma_start3A_1607 = arith.constant 0 : i32
        %dma_start3A_1608 = arith.constant 0 : i32
        %dma_start3A_1609 = tpu.memref_slice %arg3[%dma_start3A_1607, %dma_start3A_1608] : memref<8192x2048xf32, #tpu.memory_space<hbm>> -> memref<8192x2048xf32, #tpu.memory_space<hbm>>
        tpu.enqueue_indirect_dma source(%dma_start3A_1609 : memref<8192x2048xf32, #tpu.memory_space<hbm>>) target(%arg8 : memref<10x2048xf32, #tpu.memory_space<vmem>>) offsets(%dma_start3A_1606 : memref<10xi32, #tpu.memory_space<vmem>>) semaphore(%arg16 : memref<!tpu.dma_semaphore, #tpu.memory_space<semaphore_mem>>)
        %dma_wait3A = arith.constant 0 : i32
        %dma_wait3A_1610 = tpu.memref_slice %arg7[%dma_wait3A] : memref<16xi32, #tpu.memory_space<vmem>> -> memref<10xi32, #tpu.memory_space<vmem>>
        %dma_wait3A_1611 = arith.constant 0 : i32
        %dma_wait3A_1612 = arith.constant 0 : i32
        %dma_wait3A_1613 = tpu.memref_slice %arg3[%dma_wait3A_1611, %dma_wait3A_1612] : memref<8192x2048xf32, #tpu.memory_space<hbm>> -> memref<8192x2048xf32, #tpu.memory_space<hbm>>
        tpu.wait_indirect_dma semaphore(%arg16 : memref<!tpu.dma_semaphore, #tpu.memory_space<semaphore_mem>>) src(%dma_wait3A_1613 : memref<8192x2048xf32, #tpu.memory_space<hbm>>) dst(%arg8 : memref<10x2048xf32, #tpu.memory_space<vmem>>)
        "tpu.region"() ({
          %run_scoped3A_1616 = tpu.sem_alloc : memref<!tpu.dma_semaphore, #tpu.memory_space<semaphore_mem>>
          tpu.enqueue_dma source(%arg8 : memref<10x2048xf32, #tpu.memory_space<vmem>>) target(%arg4 : memref<10x2048xf32, #tpu.memory_space<hbm>>) target_semaphore(%run_scoped3A_1616 : memref<!tpu.dma_semaphore, #tpu.memory_space<semaphore_mem>>)
          tpu.wait_dma2 semaphore(%run_scoped3A_1616 : memref<!tpu.dma_semaphore, #tpu.memory_space<semaphore_mem>>) src(%arg8 : memref<10x2048xf32, #tpu.memory_space<vmem>>) dst(%arg4 : memref<10x2048xf32, #tpu.memory_space<hbm>>)
          tpu.yield
        }) : () -> ()
        %swap3A_1614 = arith.constant 0 : index
        %swap3A_1615 = tpu.vector_load %arg11[%swap3A_1614] {strides = array<i32>} : memref<16xf32, #tpu.memory_space<vmem>>, vector<16xf32>,
        tpu.vector_store %arg11[%swap3A_1614], %select_n3A_1559 {strides = array<i32>} : memref<16xf32, #tpu.memory_space<vmem>>, vector<16xf32>,
        "tpu.region"() ({
          %run_scoped3A_1616 = tpu.sem_alloc : memref<!tpu.dma_semaphore, #tpu.memory_space<semaphore_mem>>
          tpu.enqueue_dma source(%arg11 : memref<16xf32, #tpu.memory_space<vmem>>) target(%arg5 : memref<16xf32, #tpu.memory_space<hbm>>) target_semaphore(%run_scoped3A_1616 : memref<!tpu.dma_semaphore, #tpu.memory_space<semaphore_mem>>)
          tpu.wait_dma2 semaphore(%run_scoped3A_1616 : memref<!tpu.dma_semaphore, #tpu.memory_space<semaphore_mem>>) src(%arg11 : memref<16xf32, #tpu.memory_space<vmem>>) dst(%arg5 : memref<16xf32, #tpu.memory_space<hbm>>)
          tpu.yield
        }) : () -> ()
      } else {
      }
    } else {
    }
    return
  }
}

module attributes {stable_mosaic.version = 14 : i64} {
  func.func @_mv_bias_body(%arg0: i32, %arg1: memref<1x4096xf32, #tpu.memory_space<vmem>>, %arg2: memref<1024x4096xf32, #tpu.memory_space<vmem>>, %arg3: memref<1x1024xf32, #tpu.memory_space<vmem>>, %arg4: memref<1x1024xf32, #tpu.memory_space<vmem>>) attributes {dimension_semantics = [#tpu.dimension_semantics<arbitrary>], iteration_bounds = array<i64: 2>, scalar_prefetch = 0 : i64, scratch_operands = 0 : i64, tpu.core_type = #tpu.core_type<tc>, window_params = [{pipeline_mode = #tpu.pipeline_mode<synchronous>, transform_indices = @transform_0, window_bounds = array<i64: 1, 4096>}, {transform_indices = @transform_1, window_bounds = array<i64: 1024, 4096>}, {transform_indices = @transform_2, window_bounds = array<i64: 1, 1024>}, {transform_indices = @transform_3, window_bounds = array<i64: 1, 1024>}]} {
    %get3A = arith.constant 0 : index
    %get3A_0 = arith.constant 0 : index
    %get3A_1 = vector.load %arg1[%get3A, %get3A_0] : memref<1x4096xf32, #tpu.memory_space<vmem>>, vector<1x4096xf32>
    %get3A_2 = arith.constant 0 : index
    %get3A_3 = arith.constant 0 : index
    %get3A_4 = vector.load %arg2[%get3A_2, %get3A_3] : memref<1024x4096xf32, #tpu.memory_space<vmem>>, vector<1024x4096xf32>
    %dot_general3A = arith.constant dense<0.000000e+00> : vector<1x1024xf32>
    %dot_general3A_5 = tpu.matmul %get3A_1, %get3A_4, %dot_general3A {dimension_numbers = #tpu.dot_dimension_numbers<[1], [1], [0], [0], [0, 0, 1, 0], [], []>, transpose_lhs_hint = false} : vector<1x4096xf32>, vector<1024x4096xf32>, vector<1x1024xf32> -> vector<1x1024xf32>
    %get3A_6 = arith.constant 0 : index
    %get3A_7 = arith.constant 0 : index
    %get3A_8 = vector.load %arg3[%get3A_6, %get3A_7] : memref<1x1024xf32, #tpu.memory_space<vmem>>, vector<1x1024xf32>
    %add3A = arith.addf %dot_general3A_5, %get3A_8 : vector<1x1024xf32>
    %swap3A = arith.constant 0 : index
    %swap3A_9 = arith.constant 0 : index
    %swap3A_10 = vector.load %arg4[%swap3A, %swap3A_9] : memref<1x1024xf32, #tpu.memory_space<vmem>>, vector<1x1024xf32>
    tpu.vector_store %arg4[%swap3A, %swap3A_9], %add3A {strides = array<i32>} : memref<1x1024xf32, #tpu.memory_space<vmem>>, vector<1x1024xf32>,
    return
  }
  func.func @transform_0(%arg0: i32) -> (i32, i32) {
    %c0_i32 = arith.constant 0 : i32
    %c0_i32_0 = arith.constant 0 : i32
    %c0_i32_1 = arith.constant 0 : i32
    return %c0_i32, %c0_i32_0 : i32, i32
  }
  func.func @transform_1(%arg0: i32) -> (i32, i32) {
    %c0_i32 = arith.constant 0 : i32
    %c0_i32_0 = arith.constant 0 : i32
    return %arg0, %c0_i32 : i32, i32
  }
  func.func @transform_2(%arg0: i32) -> (i32, i32) {
    %c0_i32 = arith.constant 0 : i32
    %c0_i32_0 = arith.constant 0 : i32
    return %c0_i32, %arg0 : i32, i32
  }
  func.func @transform_3(%arg0: i32) -> (i32, i32) {
    %c0_i32 = arith.constant 0 : i32
    %c0_i32_0 = arith.constant 0 : i32
    return %c0_i32, %arg0 : i32, i32
  }
}

module attributes {stable_mosaic.version = 14 : i64} {
  func.func @_attend_body(%arg0: memref<1x16xf32, #tpu.memory_space<vmem>>, %arg1: memref<10x2048xf32, #tpu.memory_space<vmem>>, %arg2: memref<1x2048xf32, #tpu.memory_space<vmem>>, %arg3: memref<1x1xf32, #tpu.memory_space<vmem>>) attributes {dimension_semantics = [], scalar_prefetch = 0 : i64, scratch_operands = 0 : i64, tpu.core_type = #tpu.core_type<tc>} {
    %get3A = arith.constant 0 : index
    %get3A_0 = arith.constant 0 : index
    %get3A_1 = vector.load %arg0[%get3A, %get3A_0] : memref<1x16xf32, #tpu.memory_space<vmem>>, vector<1x16xf32>
    %reduce_max3A = vector.shape_cast %get3A_1 : vector<1x16xf32> to vector<1x1x16xf32>
    %reduce_max3A_2 = arith.constant dense<0xFF800000> : vector<1xf32>
    %reduce_max3A_3 = vector.multi_reduction <maximumf>, %reduce_max3A, %reduce_max3A_2 [1, 2] : vector<1x1x16xf32> to vector<1xf32>
    %reduce_max3A_4 = vector.shape_cast %reduce_max3A_3 : vector<1xf32> to vector<1x1x1xf32>
    %reduce_max3A_5 = vector.extract %reduce_max3A_4[0, 0, 0] : f32 from vector<1x1x1xf32>
    %sub3A = vector.broadcast %reduce_max3A_5 : f32 to vector<1x16xf32>
    %sub3A_6 = arith.subf %get3A_1, %sub3A : vector<1x16xf32>
    %exp3A = math.exp %sub3A_6 : vector<1x16xf32>
    %reduce_sum3A = vector.shape_cast %exp3A : vector<1x16xf32> to vector<1x1x16xf32>
    %reduce_sum3A_7 = arith.constant dense<0.000000e+00> : vector<1xf32>
    %reduce_sum3A_8 = vector.multi_reduction <add>, %reduce_sum3A, %reduce_sum3A_7 [1, 2] : vector<1x1x16xf32> to vector<1xf32>
    %reduce_sum3A_9 = vector.shape_cast %reduce_sum3A_8 : vector<1xf32> to vector<1x1x1xf32>
    %reduce_sum3A_10 = vector.extract %reduce_sum3A_9[0, 0, 0] : f32 from vector<1x1x1xf32>
    %div3A = vector.broadcast %reduce_sum3A_10 : f32 to vector<1x16xf32>
    %div3A_11 = arith.divf %exp3A, %div3A : vector<1x16xf32>
    %slice3A = vector.extract_strided_slice %div3A_11 {offsets = [0, 0], sizes = [1, 10], strides = [1, 1]} : vector<1x16xf32> to vector<1x10xf32>
    %get3A_12 = arith.constant 0 : index
    %get3A_13 = arith.constant 0 : index
    %get3A_14 = vector.load %arg1[%get3A_12, %get3A_13] : memref<10x2048xf32, #tpu.memory_space<vmem>>, vector<10x2048xf32>
    %dot_general3A = arith.constant dense<0.000000e+00> : vector<1x2048xf32>
    %dot_general3A_15 = tpu.matmul %slice3A, %get3A_14, %dot_general3A {dimension_numbers = #tpu.dot_dimension_numbers<[1], [0], [0], [1], [0, 0, 1, 1], [], []>, transpose_lhs_hint = false} : vector<1x10xf32>, vector<10x2048xf32>, vector<1x2048xf32> -> vector<1x2048xf32>
    %get3A_16 = arith.constant 0 : index
    %get3A_17 = arith.constant 0 : index
    %get3A_18 = vector.load %arg2[%get3A_16, %get3A_17] : memref<1x2048xf32, #tpu.memory_space<vmem>>, vector<1x2048xf32>
    %mul3A = arith.mulf %get3A_18, %dot_general3A_15 : vector<1x2048xf32>
    %reduce_sum3A_19 = vector.shape_cast %mul3A : vector<1x2048xf32> to vector<1x1x2048xf32>
    %reduce_sum3A_20 = arith.constant dense<0.000000e+00> : vector<1xf32>
    %reduce_sum3A_21 = vector.multi_reduction <add>, %reduce_sum3A_19, %reduce_sum3A_20 [1, 2] : vector<1x1x2048xf32> to vector<1xf32>
    %reduce_sum3A_22 = vector.shape_cast %reduce_sum3A_21 : vector<1xf32> to vector<1x1x1xf32>
    %reduce_sum3A_23 = vector.extract %reduce_sum3A_22[0, 0, 0] : f32 from vector<1x1x1xf32>
    %logistic3A = arith.negf %reduce_sum3A_23 : f32
    %logistic3A_24 = math.exp %logistic3A : f32
    %logistic3A_25 = arith.constant 1.000000e+00 : f32
    %logistic3A_26 = arith.addf %logistic3A_25, %logistic3A_24 : f32
    %logistic3A_27 = arith.divf %logistic3A_25, %logistic3A_26 : f32
    %reshape3A = vector.broadcast %logistic3A_27 : f32 to vector<1x1xf32>
    %swap3A = arith.constant 0 : index
    %swap3A_28 = arith.constant 0 : index
    %swap3A_29 = vector.load %arg3[%swap3A, %swap3A_28] : memref<1x1xf32, #tpu.memory_space<vmem>>, vector<1x1xf32>
    tpu.vector_store %arg3[%swap3A, %swap3A_28], %reshape3A {strides = array<i32>} : memref<1x1xf32, #tpu.memory_space<vmem>>, vector<1x1xf32>,
    return
  }
}

module attributes {stable_mosaic.version = 14 : i64} {
  func.func @_mv_body(%arg0: i32, %arg1: memref<1x2048xf32, #tpu.memory_space<vmem>>, %arg2: memref<2048x2048xf32, #tpu.memory_space<vmem>>, %arg3: memref<4x1x512xf32, #tpu.memory_space<vmem>>) attributes {dimension_semantics = [#tpu.dimension_semantics<arbitrary>], iteration_bounds = array<i64: 4>, scalar_prefetch = 0 : i64, scratch_operands = 0 : i64, tpu.core_type = #tpu.core_type<tc>, window_params = [{pipeline_mode = #tpu.pipeline_mode<synchronous>, transform_indices = @transform_0, window_bounds = array<i64: 1, 2048>}, {transform_indices = @transform_1, window_bounds = array<i64: 2048, 2048>}, {transform_indices = @transform_2, window_bounds = array<i64: 4, 1, 512>}]} {
    %get3A = arith.constant 0 : index
    %get3A_0 = arith.constant 0 : index
    %get3A_1 = vector.load %arg1[%get3A, %get3A_0] : memref<1x2048xf32, #tpu.memory_space<vmem>>, vector<1x2048xf32>
    %get3A_2 = arith.constant 0 : index
    %get3A_3 = arith.constant 0 : index
    %get3A_4 = vector.load %arg2[%get3A_2, %get3A_3] : memref<2048x2048xf32, #tpu.memory_space<vmem>>, vector<2048x2048xf32>
    %dot_general3A = arith.constant dense<0.000000e+00> : vector<1x2048xf32>
    %dot_general3A_5 = tpu.matmul %get3A_1, %get3A_4, %dot_general3A {dimension_numbers = #tpu.dot_dimension_numbers<[1], [1], [0], [0], [0, 0, 1, 0], [], []>, transpose_lhs_hint = false} : vector<1x2048xf32>, vector<2048x2048xf32>, vector<1x2048xf32> -> vector<1x2048xf32>
    %reshape3A = vector.shape_cast %dot_general3A_5 : vector<1x2048xf32> to vector<4x1x512xf32>
    %swap3A = arith.constant 0 : index
    %swap3A_6 = arith.constant 0 : index
    %swap3A_7 = arith.constant 0 : index
    %swap3A_8 = vector.load %arg3[%swap3A, %swap3A_6, %swap3A_7] : memref<4x1x512xf32, #tpu.memory_space<vmem>>, vector<4x1x512xf32>
    tpu.vector_store %arg3[%swap3A, %swap3A_6, %swap3A_7], %reshape3A {strides = array<i32>} : memref<4x1x512xf32, #tpu.memory_space<vmem>>, vector<4x1x512xf32>,
    return
  }
  func.func @transform_0(%arg0: i32) -> (i32, i32) {
    %c0_i32 = arith.constant 0 : i32
    %c0_i32_0 = arith.constant 0 : i32
    %c0_i32_1 = arith.constant 0 : i32
    return %c0_i32, %c0_i32_0 : i32, i32
  }
  func.func @transform_1(%arg0: i32) -> (i32, i32) {
    %c0_i32 = arith.constant 0 : i32
    %c0_i32_0 = arith.constant 0 : i32
    return %arg0, %c0_i32 : i32, i32
  }
  func.func @transform_2(%arg0: i32) -> (i32, i32, i32) {
    %c0_i32 = arith.constant 0 : i32
    %c0_i32_0 = arith.constant 0 : i32
    %c0_i32_1 = arith.constant 0 : i32
    return %arg0, %c0_i32, %c0_i32_0 : i32, i32, i32
  }
}

</mosaic_0001>

<sc_bundles>
// kernel: kernel.6.cloned.1.call-start
scs
__scs_entry_jumppad:
0x0: {  	(pc) =	sbr.rel $0x88, $3  }
0x1: {  	(tag) =	ssettag $0x0;
	lr =	simm.s32 $0x1  }
0x2: {  	[smem:$0x3F9C] =	sst lr;
	_ =	strace $0xD0000000  }
0x3: {  	_ = 	snop  }
0x4: {  	_ = 	snop  }
0x5: {  	_ = 	snop  }
0x6: {  	_ = 	snop  }
0x7: {  	_ = 	snop  }
__scs_overlays_trampoline_lowered:
0x8: {  	[smem:$0x3FAB] =	sst s0  }
0x9: {  	[smem:$0x3FAC] =	sst s1  }
0xa: {  	[smem:$0x3FAD] =	sst s2  }
0xb: {  	[smem:$0x3FAE] =	sst s3  }
0xc: {  	[smem:$0x3FAF] =	sst s4  }
0xd: {  	[smem:$0x3FB0] =	sst s5  }
0xe: {  	[smem:$0x3FB1] =	sst s6  }
0xf: {  	[smem:$0x3FB2] =	sst s7  }
0x10: {  	[smem:$0x3FB3] =	sst s8  }
0x11: {  	[smem:$0x3FB4] =	sst s9;
	s0 =	simm.s32 @!p0 $0x0  }
0x12: {  	s1 =	sld [smem:$0x3F9A];
	s0 =	simm.s32 @p0 $0x1  }
0x13: {  	[smem:$0x3FB5] =	sst s0;
	s0 =	simm.s32 @!p1 $0x0  }
0x14: {  	s2 =	sld [smem:$0x3F99];
	s0 =	simm.s32 @p1 $0x1  }
0x15: {  	[smem:$0x3FB6] =	sst s0;
	s0 =	simm.s32 @!p2 $0x0  }
0x16: {  	s3 =	sld [smem:$0x3FDB];
	s0 =	simm.s32 @p2 $0x1  }
0x17: {  	s4 =	simm.s32 $0x1BF5;
	[smem:$0x3FB8] =	sst s0  }
0x18: {  	s0 =	sld [smem:$0x3F9B];
	_ =	swait.ge [sflag:s4], $0x0  }
0x19: {  	s7 =	sld [smem:$0x3F9C]  }
0x1a: {  	s8 =	sadd.s32 $0xFFFFE003, lr  }
0x1b: {  	s9 =	sadd.s32 $0xFFFFFEF7, lr;
	s5 =	simm.s32 $0xFFFFFFFF;
	p2 =	slt.u32 s8, $0xFFFFF086  }
0x1c: {  	p1 =	slt.u32 s9, $0xF7A;
	s5 =	simm.s32 @!p2 $0x0  }
0x1d: {  	s5 =	simm.s32 @p1 $0x1;
	p0 =	seq.s32 s7, s2  }
0x1e: {  	s7 =	smul.u32 @!p0 $0xF7A, s2;
	p2 =	seq.s32 @!p0 s5, $0x0  }
0x1f: {  	s9 =	smul.u32 $0xF7A, s1;
	s8 =	simm.s32 @!p0 $0x1BF5;
	p2 =	por !p2, p0  }
0x20: {  	[sflag:s8] =	ssyncset.s32 @!p0 $0xFFFFF086;
	s6 =	sadd.s32 @!p0 s3, s7;
	s7 =	simm.s32 @!p0 $0x108  }
0x21: {  	s3 =	sadd.s32 s3, s9;
	s6 =	sadd.s32 @!p0 $0x88, s6;
	s7 =	simm.s32 @p2 $0x1082  }
0x22: {  	[simem:s7], [sflag:s8] =	dma.local @!p0 [hbm:s6], $0xF7A  }
0x23: {  	s9 =	sor.u32 $0xD0000000, s2;
	s6 =	simm.s32 $0x108;
	_ =	swait.ge @!p0 [sflag:s8], $0x0  }
0x24: {  	s3 =	sadd.s32 $0x88, s3;
	s6 =	simm.s32 @!p1 $0x1082;
	[sflag:s4] =	ssyncset.s32 $0xFFFFF086  }
0x25: {  	[simem:s6], [sflag:s4] =	dma.local [hbm:s3], $0xF7A  }
0x26: {  	[smem:$0x3F9C] =	sst s1;
	(tag) =	ssettag s2;
	_ =	strace s9  }
0x27: {  	s1 =	sld [smem:$0x3FAC]  }
0x28: {  	s2 =	sld [smem:$0x3FAD]  }
0x29: {  	s4 =	sld [smem:$0x3FAF]  }
0x2a: {  	p0 =	seq.s32 s5, $0x0;
	s5 =	sld [smem:$0x3FB0]  }
0x2b: {  	s6 =	sld [smem:$0x3FB1]  }
0x2c: {  	s7 =	sld [smem:$0x3FB2]  }
0x2d: {  	s3 =	simm.s32 $0x108;
	s8 =	sld [smem:$0x3FB3]  }
0x2e: {  	s3 =	simm.s32 @!p0 $0x1082;
	s9 =	sld [smem:$0x3FB4]  }
0x2f: {  	lr =	sadd.s32 s0, s3;
	s0 =	sld [smem:$0x3FAB]  }
0x30: {  	s3 =	sld [smem:$0x3FAE]  }
0x31: {  	[smem:$0x3FB7] =	sst s10  }
0x32: {  	s10 =	sld [smem:$0x3FB5];
	_ =	sdelay $0x3  }
0x33: {  	p0 =	seq.s32 s10, $0x1;
	s10 =	sld [smem:$0x3FB7];
	_ =	sdelay $0x3  }
0x34: {  	[smem:$0x3FB7] =	sst s10  }
0x35: {  	s10 =	sld [smem:$0x3FB6];
	_ =	sdelay $0x3  }
0x36: {  	p1 =	seq.s32 s10, $0x1;
	s10 =	sld [smem:$0x3FB7];
	_ =	sdelay $0x3  }
0x37: {  	[smem:$0x3FB7] =	sst s10  }
0x38: {  	s10 =	sld [smem:$0x3FB8]  }
0x39: {  	_ = 	snop;
	(pc) =	sbr.ind lr, $3  }
0x3a: {  	_ = 	snop  }
0x3b: {  	_ = 	snop  }
0x3c: {  	p2 =	seq.s32 s10, $0x1;
	s10 =	sld [smem:$0x3FB7]  }
0x3d: {  	_ =	shalt  }
0x3e: {  	_ =	shalt  }
0x3f: {  	_ =	shalt  }
0x40: {  	_ =	shalt  }
0x41: {  	_ =	shalt  }
0x42: {  	_ =	shalt  }
0x43: {  	_ =	shalt  }
0x44: {  	_ =	shalt  }
0x45: {  	_ =	shalt  }
0x46: {  	_ =	shalt  }
0x47: {  	_ =	shalt  }
0x48: {  	_ =	shalt  }
0x49: {  	_ =	shalt  }
0x4a: {  	_ =	shalt  }
0x4b: {  	_ =	shalt  }
0x4c: {  	_ =	shalt  }
0x4d: {  	_ =	shalt  }
0x4e: {  	_ =	shalt  }
0x4f: {  	_ =	shalt  }
0x50: {  	_ =	shalt  }
0x51: {  	_ =	shalt  }
0x52: {  	_ =	shalt  }
0x53: {  	_ =	shalt  }
0x54: {  	_ =	shalt  }
0x55: {  	_ =	shalt  }
0x56: {  	_ =	shalt  }
0x57: {  	_ =	shalt  }
0x58: {  	_ =	shalt  }
0x59: {  	_ =	shalt  }
0x5a: {  	_ =	shalt  }
0x5b: {  	_ =	shalt  }
0x5c: {  	_ =	shalt  }
0x5d: {  	_ =	shalt  }
0x5e: {  	_ =	shalt  }
0x5f: {  	_ =	shalt  }
0x60: {  	_ =	shalt  }
0x61: {  	_ =	shalt  }
0x62: {  	_ =	shalt  }
0x63: {  	_ =	shalt  }
0x64: {  	_ =	shalt  }
0x65: {  	_ =	shalt  }
0x66: {  	_ =	shalt  }
0x67: {  	_ =	shalt  }
0x68: {  	_ =	shalt  }
0x69: {  	_ =	shalt  }
0x6a: {  	_ =	shalt  }
0x6b: {  	_ =	shalt  }
0x6c: {  	_ =	shalt  }
0x6d: {  	_ =	shalt  }
0x6e: {  	_ =	shalt  }
0x6f: {  	_ =	shalt  }
0x70: {  	_ =	shalt  }
0x71: {  	_ =	shalt  }
0x72: {  	_ =	shalt  }
0x73: {  	_ =	shalt  }
0x74: {  	_ =	shalt  }
0x75: {  	_ =	shalt  }
0x76: {  	_ =	shalt  }
0x77: {  	_ =	shalt  }
0x78: {  	_ =	shalt  }
0x79: {  	_ =	shalt  }
0x7a: {  	_ =	shalt  }
0x7b: {  	_ =	shalt  }
0x7c: {  	_ =	shalt  }
0x7d: {  	_ =	shalt  }
0x7e: {  	_ =	shalt  }
0x7f: {  	_ =	shalt  }
0x80: {  	_ =	shalt  }
0x81: {  	_ =	shalt  }
0x82: {  	_ =	shalt  }
0x83: {  	_ =	shalt  }
0x84: {  	_ =	shalt  }
0x85: {  	_ =	shalt  }
0x86: {  	_ =	shalt  }
0x87: {  	_ =	shalt  }
.Lfunc_end0:
.L_simem_size_0:
called_computation_lowered:
.L_overlay_start_0:
0x88: {  	s0 =	sld [smem:$0x3FD9]  }
0x89: {  	s1 =	sld [smem:$0x3FFE];
	_ =	sdelay $0x3  }
0x8a: {  	s0 =	sadd.s32 s1, s0  }
0x8b: {  	[smem:$0x3FC3] =	sst s0  }
0x8c: {  	_ = 	snop  }
0x8d: {  	s0 =	sld [smem:$0x3FC7]  }
0x8e: {  	s16 =	sld [smem:$0x3FD0];
	(tm) =	ssettm $0x1  }
0x8f: {  	s2 =	sld [smem:$0x3FFB];
	_ =	sdelay $0x3  }
0x90: {  	_ =	strace s2  }
0x91: {  	s2 =	sld [smem:$0x3FFC];
	_ =	sdelay $0x3  }
0x92: {  	_ =	strace s2  }
0x93: {  	s2 =	sld [smem:$0x3FFD];
	_ =	sdelay $0x3  }
0x94: {  	_ =	strace s2  }
0x95: {  	_ =	strace $0x8FFFFFFF  }
0x96: {  	s17 =	sld [smem:$0x3FDB];
	_ =	sdelay $0x1  }
0x97: {  	s3 =	simm.s32 $_scs_section_size  }
0x98: {  	s4 =	simm.s32 $_size__tile_overlayer_lowered;
	s5 =	simm.s32 $_tile_overlayer_lowered  }
0x99: {  	s20 =	simm.s32 $0x1BFF;
	s19 =	sshll.u32 s5, $0x1;
	s2 =	sadd.s32 s3, s17  }
0x9a: {  	s6 =	simm.s32 $0x0;
	s18 =	sshll.u32 s4, $0x1;
	s4 =	sadd.s32 s19, s2  }
0x9b: {  	[timem:s6], [sflag:s20] =	dma.local [hbm:s4], s18  }
0x9c: {  	_ =	swait.ge [sflag:s20], s18  }
0x9d: {  	s3 =	ssub.s32 $0x0, s18;
	[sflag:s20] =	ssyncset.done $0x0  }
0x9e: {  	[sflag:s20] =	ssyncadd.s32 s3;
	_ =	sdelay $0x1  }
0x9f: {  	s21 =	simm.s32 $0x1B8B  }
0xa0: {  	_ =	swait.ge [sflag:s21], $0x1  }
0xa1: {  	[sflag:s21] =	ssyncset.done $0x0  }
0xa2: {  	s23 =	simm.s32 $0x1B8E;
	s22 =	sld [smem:$0x3FFE];
	[sflag:s21] =	ssyncadd.s32 $0xFFFFFFFF  }
0xa3: {  	s24 =	simm.s32 $execute0_lowered;
	[smem:$0x3FD2] =	sst s23  }
0xa4: {  	s4 =	sshll.u32 s24, $0x1;
	_ =	strace $0x80000046;
	[dreg:$0x1] =	wrdreg $0xFFFFFFFF  }
0xa5: {  	s25 =	simm.s32 $_size_execute0_lowered;
	s2 =	sadd.s32 s2, s4;
	[dreg:$0x0] =	wrdreg $0x0  }
0xa6: {  	s4 =	sshll.u32 s25, $0x1;
	[dreg:$0x2] =	wrdreg s2  }
0xa7: {  	[dreg:$0x3] =	wrdreg s4  }
0xa8: {  	[dreg:$0x4] =	wrdreg $0xC0  }
0xa9: {  	_ =	task [dreg:s6], $0x5FFFF  }
0xaa: {  	[dreg:$0x1] =	wrdreg $0xFFFFFFFF  }
0xab: {  	[dreg:$0x0] =	wrdreg $0x60  }
0xac: {  	[dreg:$0x2] =	wrdreg s22  }
0xad: {  	[dreg:$0x3] =	wrdreg s0  }
0xae: {  	[dreg:$0x4] =	wrdreg s16  }
0xaf: {  	[dreg:$0x5] =	wrdreg $0x86000  }
0xb0: {  	[dreg:$0x6] =	wrdreg $0x86100  }
0xb1: {  	[dreg:$0x7] =	wrdreg $0x9  }
0xb2: {  	_ =	task.clear_ibuf [dreg:s6], $0x8FFFF;
	_ =	strace $0x90000046  }
0xb3: {  	s26 =	simm.s32 $0x9;
	_ =	strace $0x80000048  }
0xb4: {  	_ =	swait.ge [sflag:s26], $0x1  }
0xb5: {  	[sflag:s26] =	ssyncadd.s32 $0xFFFFFFFF  }
0xb6: {  	_ =	strace $0x90000048  }
0xb7: {  	_ =	sfence  }
0xb8: {  	s28 =	sld [smem:$0x0];
	_ =	sdelay $0x1  }
0xb9: {  	s29 =	srdreg.scid  }
0xba: {  	s30 =	sshll.u32 s29, $0xD;
	s31 =	sshrl.u32 s29, $0x2  }
0xbb: {  	s1 =	sand.u32 $0x1, s29;
	s2 =	sand.u32 $0x4000, s30;
	s0 =	sadd.s32 s31, s28  }
0xbc: {  	s1 =	sor.u32 s2, s1;
	s0 =	sshll.u32 s0, $0x11  }
0xbd: {  	s0 =	sor.u32 s0, s1  }
0xbe: {  	s0 =	sadd.s32 $0x8F2B, s0  }
0xbf: {  	[sflag:s0] =	ssyncadd.remote.s32 $0x1  }
0xc0: {  	_ =	sfence.sel $0xFFFF  }
0xc1: {  	[dreg:$0x0] =	wrdreg $0xFFFFFFFF;
	(pc) =	sbr.abs _section_cstart, $3  }
0xc2: {  	[dreg:$0x1] =	wrdreg $0xFFFFFFFF  }
0xc3: {  	_ =	task.clear_ibuf [dreg:s6], $0x2FFFF;
	_ =	strace $0x9FFFFFFF  }
0xc4: {  	(tm) =	ssettm $0x7FFFFFFF  }
0xc5: {  	_ =	shalt  }
tec
execute0_lowered:
.L_overlay_start_1:
0x0: {  	(tag) =	ssettag $0x1  }
0x1: {  	s2 =	rddreg [dreg:$0x0]  }
0x2: {  	s3 =	rddreg [dreg:$0x1]  }
0x3: {  	s1 =	rddreg [dreg:$0x2]  }
0x4: {  	s5 =	rddreg [dreg:$0x3]  }
0x5: {  	s4 =	rddreg [dreg:$0x4];
	s6 =	stileid.u32  }
0x6: {  	s0 =	rddreg [dreg:$0x5];
	s7 =	simm.s32 $0x0;
	s8 =	sshll.u32 s6, $0x6  }
0x7: {  	[smem:$0x7FF] =	sst s7;
	s8 =	sadd.s32 s8, s2  }
0x8: {  	s30 =	simm.s32 $0x2;
	_ =	strace $0x80000047;
	s8 =	sadd.s32 $0x1200, s8  }
0x9: {  	[tilespmem:s7], [sflag:$0x2] =	stream.linear.gather [hbm4b:s8+s7], $0x200, $0x38;
	[tilespmem:$0x8620] =	vst v63  }
0xa: {  	_ =	swait.ge [sflag:s30], $0x200  }
0xb: {  	[sflag:s30] =	ssyncset.done $0x0  }
0xc: {  	s31 =	simm.s32 $0x0;
	[sflag:s30] =	ssyncadd.s32 $0xFFFFFE00  }
0xd: {  	v3 =	vld [tilespmem:s31+$0x0];
	_ =	sdelay $0x2  }
0xe: {  	s7 =	sshll.u32 s6, $0x9  }
0xf: {  	v2 =	vimm.f32 $-Inf;
	v1 =	vimm.s32 $0x7FFFFFFF;
	v0 =	vlaneseq.u32;
	s9 =	simm.s32 $0x40;
	s2 =	sadd.s32 $0x1600, s2;
	s8 =	smov.u32 s7  }
.LBB2_1:
0x10: {  	s10 =	sshra.s32 s9, $0x2;
	p0 =	sne.s32 s9, $0x7C0;
	s9 =	sadd.s32 $0x40, s9;
	v4 =	vor.u32 s8, v0;
	vm0 =	vgt.f32 v3, v2  }
.Ltmp0:
0x11: {  	v2 =	vsel vm0, v3, v2;
	v3 =	vld [tilespmem:s10+$0x0];
	v1 =	vsel vm0, v4, v1;
	(pc) =	sbr.rel @p0 .LBB2_1-.Ltmp0, $2  }
0x12: {  	_ =	sdelay $0x2  }
0x13: {  	s8 =	sadd.s32 $0x10, s8  }
0x14: {  	vm0 =	vgt.f32 v3, v2  }
0x15: {  	v2 =	vsel vm0, v3, v2  }
0x16: {  	(xrf0) =	vmax.scan.msk.f32 $0xffff, v2;
	_ =	sdelay $0x5  }
0x17: {  	v3, _, _ =	vpop (xrf0)  }
0x18: {  	v4 =	vor.u32 s8, v0;
	v0 =	vbroadcast v3, $0xF  }
0x19: {  	v1 =	vsel vm0, v4, v1  }
0x1a: {  	v1 =	vxor.u32 $0x80000000, v1;
	vm14 =	veq.f32 v2, v0  }
0x1b: {  	v1 =	vnsel vm14, $0xFFFFFFFF, v1  }
0x1c: {  	(xrf0) =	vmin.scan.msk.u32 $0xffff, v1;
	_ =	sdelay $0x5  }
0x1d: {  	v1, _, _ =	vpop (xrf0)  }
0x1e: {  	(v2sf) =	vpush v1, $0xF;
	_ =	sdelay $0xe  }
0x1f: {  	s9 =	spop (v2sf)  }
0x20: {  	s8 =	sxor.u32 $0x80000000, s9  }
0x21: {  	s11 =	simm.s32 $0x1;
	s10 =	ssub.s32 s8, s7;
	p0 =	sne.s32 s8, s7  }
0x22: {  	s12 =	sshra.s32 s10, $0x1F;
	s11 =	simm.s32 @!p0 $0x0  }
0x23: {  	s9 =	sand.u32 $0xF, s9;
	s11 =	sor.u32 s11, s12  }
0x24: {  	p1 =	sne.s32 s9, $0x0;
	p6 =	sne.s32 s11, $0x1  }
0x25: {  	s29 =	sshrl.u32 s12, $0x1C;
	p0 =	por !p1, !p6  }
0x26: {  	s9 =	sadd.s32 s29, s10;
	s10 =	simm.s32 $0x1;
	p0 =	por !p0, !p0  }
0x27: {  	s9 =	sshrl.u32 s9, $0x4;
	s10 =	simm.s32 @!p0 $0x0  }
0x28: {  	s9 =	ssub.s32 s9, s10  }
0x29: {  	s9 =	sshll.u32 s9, $0x4  }
0x2a: {  	v2 =	vld [tilespmem:s9+$0x0];
	_ =	sdelay $0x1  }
0x2b: {  	v1 =	vlaneseq.u32;
	s30 =	sadd.s32 s7, s9  }
0x2c: {  	v3 =	vor.u32 s30, v1  }
0x2d: {  	vm15 =	veq.s32 v3, s8  }
0x2e: {  	v2 =	vsel vm15, $0xFF800000, v2  }
0x2f: {  	s31 =	simm.s32 $0x0;
	[tilespmem:s9+$0x0] =	vst v2  }
0x30: {  	v4 =	vld [tilespmem:s31+$0x0];
	_ =	sdelay $0x3  }
0x31: {  	s10 =	simm.s32 $0x40;
	v3 =	vimm.f32 $-Inf;
	v2 =	vimm.s32 $0x7FFFFFFF;
	s9 =	smov.u32 s7  }
.LBB2_3:
0x32: {  	s11 =	sshra.s32 s10, $0x2;
	p0 =	sne.s32 s10, $0x7C0;
	s10 =	sadd.s32 $0x40, s10;
	v5 =	vor.u32 s9, v1;
	vm0 =	vgt.f32 v4, v3  }
.Ltmp1:
0x33: {  	v3 =	vsel vm0, v4, v3;
	v4 =	vld [tilespmem:s11+$0x0];
	v2 =	vsel vm0, v5, v2;
	(pc) =	sbr.rel @p0 .LBB2_3-.Ltmp1, $2  }
0x34: {  	_ =	sdelay $0x2  }
0x35: {  	s9 =	sadd.s32 $0x10, s9  }
0x36: {  	vm0 =	vgt.f32 v4, v3  }
0x37: {  	v3 =	vsel vm0, v4, v3  }
0x38: {  	(xrf0) =	vmax.scan.msk.f32 $0xffff, v3;
	_ =	sdelay $0x5  }
0x39: {  	v4, _, _ =	vpop (xrf0)  }
0x3a: {  	v5 =	vor.u32 s9, v1;
	v1 =	vbroadcast v4, $0xF  }
0x3b: {  	v2 =	vsel vm0, v5, v2  }
0x3c: {  	v2 =	vxor.u32 $0x80000000, v2;
	vm14 =	veq.f32 v3, v1  }
0x3d: {  	v2 =	vnsel vm14, $0xFFFFFFFF, v2  }
0x3e: {  	(xrf0) =	vmin.scan.msk.u32 $0xffff, v2;
	_ =	sdelay $0x5  }
0x3f: {  	v2, _, _ =	vpop (xrf0)  }
0x40: {  	(v2sf) =	vpush v2, $0xF;
	_ =	sdelay $0xe  }
0x41: {  	s28 =	spop (v2sf)  }
0x42: {  	s10 =	sxor.u32 $0x80000000, s28  }
0x43: {  	s12 =	simm.s32 $0x1;
	s11 =	ssub.s32 s10, s7;
	p0 =	sne.s32 s10, s7  }
0x44: {  	s13 =	sshra.s32 s11, $0x1F;
	s12 =	simm.s32 @!p0 $0x0  }
0x45: {  	s9 =	sand.u32 $0xF, s28;
	s12 =	sor.u32 s12, s13  }
0x46: {  	p1 =	sne.s32 s9, $0x0;
	p6 =	sne.s32 s12, $0x1  }
0x47: {  	s29 =	sshrl.u32 s13, $0x1C;
	p0 =	por !p1, !p6  }
0x48: {  	s9 =	sadd.s32 s29, s11;
	s11 =	simm.s32 $0x1;
	p0 =	por !p0, !p0  }
0x49: {  	s9 =	sshrl.u32 s9, $0x4;
	s11 =	simm.s32 @!p0 $0x0  }
0x4a: {  	s9 =	ssub.s32 s9, s11  }
0x4b: {  	s9 =	sshll.u32 s9, $0x4  }
0x4c: {  	v2 =	vld [tilespmem:s9+$0x0];
	_ =	sdelay $0x1  }
0x4d: {  	v3 =	vlaneseq.u32;
	s30 =	sadd.s32 s7, s9  }
0x4e: {  	v4 =	vor.u32 s30, v3  }
0x4f: {  	vm15 =	veq.s32 v4, s10  }
0x50: {  	v2 =	vsel vm15, $0xFF800000, v2  }
0x51: {  	s31 =	simm.s32 $0x0;
	[tilespmem:s9+$0x0] =	vst v2  }
0x52: {  	v6 =	vld [tilespmem:s31+$0x0];
	_ =	sdelay $0x3  }
0x53: {  	v5 =	vimm.f32 $-Inf;
	v4 =	vimm.s32 $0x7FFFFFFF;
	v2 =	vmov s10;
	s10 =	simm.s32 $0x40;
	s9 =	smov.u32 s7  }
.LBB2_5:
0x54: {  	s11 =	sshra.s32 s10, $0x2;
	p0 =	sne.s32 s10, $0x7C0;
	s10 =	sadd.s32 $0x40, s10;
	v7 =	vor.u32 s9, v3;
	vm0 =	vgt.f32 v6, v5  }
.Ltmp2:
0x55: {  	v5 =	vsel vm0, v6, v5;
	v6 =	vld [tilespmem:s11+$0x0];
	v4 =	vsel vm0, v7, v4;
	(pc) =	sbr.rel @p0 .LBB2_5-.Ltmp2, $2  }
0x56: {  	_ =	sdelay $0x2  }
0x57: {  	s9 =	sadd.s32 $0x10, s9  }
0x58: {  	vm0 =	vgt.f32 v6, v5  }
0x59: {  	v5 =	vsel vm0, v6, v5  }
0x5a: {  	(xrf0) =	vmax.scan.msk.f32 $0xffff, v5;
	_ =	sdelay $0x5  }
0x5b: {  	v6, _, _ =	vpop (xrf0)  }
0x5c: {  	v7 =	vor.u32 s9, v3;
	v3 =	vbroadcast v6, $0xF  }
0x5d: {  	v4 =	vsel vm0, v7, v4  }
0x5e: {  	v4 =	vxor.u32 $0x80000000, v4;
	vm14 =	veq.f32 v5, v3  }
0x5f: {  	v4 =	vnsel vm14, $0xFFFFFFFF, v4  }
0x60: {  	(xrf0) =	vmin.scan.msk.u32 $0xffff, v4;
	_ =	sdelay $0x5  }
0x61: {  	v4, _, _ =	vpop (xrf0)  }
0x62: {  	(v2sf) =	vpush v4, $0xF;
	_ =	sdelay $0xe  }
0x63: {  	s28 =	spop (v2sf)  }
0x64: {  	s10 =	sxor.u32 $0x80000000, s28  }
0x65: {  	s12 =	simm.s32 $0x1;
	s11 =	ssub.s32 s10, s7;
	p0 =	sne.s32 s10, s7  }
0x66: {  	s13 =	sshra.s32 s11, $0x1F;
	s12 =	simm.s32 @!p0 $0x0  }
0x67: {  	s9 =	sand.u32 $0xF, s28;
	s12 =	sor.u32 s12, s13  }
0x68: {  	p1 =	sne.s32 s9, $0x0;
	p6 =	sne.s32 s12, $0x1  }
0x69: {  	s29 =	sshrl.u32 s13, $0x1C;
	p0 =	por !p1, !p6  }
0x6a: {  	s9 =	sadd.s32 s29, s11;
	s11 =	simm.s32 $0x1;
	p0 =	por !p0, !p0  }
0x6b: {  	s9 =	sshrl.u32 s9, $0x4;
	s11 =	simm.s32 @!p0 $0x0  }
0x6c: {  	s9 =	ssub.s32 s9, s11  }
0x6d: {  	s9 =	sshll.u32 s9, $0x4  }
0x6e: {  	v4 =	vld [tilespmem:s9+$0x0];
	_ =	sdelay $0x1  }
0x6f: {  	v5 =	vlaneseq.u32;
	s30 =	sadd.s32 s7, s9  }
0x70: {  	v6 =	vor.u32 s30, v5  }
0x71: {  	vm15 =	veq.s32 v6, s10  }
0x72: {  	v4 =	vsel vm15, $0xFF800000, v4  }
0x73: {  	s31 =	simm.s32 $0x0;
	[tilespmem:s9+$0x0] =	vst v4  }
0x74: {  	v8 =	vld [tilespmem:s31+$0x0];
	_ =	sdelay $0x3  }
0x75: {  	v7 =	vimm.f32 $-Inf;
	v6 =	vimm.s32 $0x7FFFFFFF;
	v4 =	vmov s10;
	s10 =	simm.s32 $0x40;
	s9 =	smov.u32 s7  }
.LBB2_7:
0x76: {  	s11 =	sshra.s32 s10, $0x2;
	p0 =	sne.s32 s10, $0x7C0;
	s10 =	sadd.s32 $0x40, s10;
	v9 =	vor.u32 s9, v5;
	vm0 =	vgt.f32 v8, v7  }
.Ltmp3:
0x77: {  	v7 =	vsel vm0, v8, v7;
	v8 =	vld [tilespmem:s11+$0x0];
	v6 =	vsel vm0, v9, v6;
	(pc) =	sbr.rel @p0 .LBB2_7-.Ltmp3, $2  }
0x78: {  	_ =	sdelay $0x2  }
0x79: {  	s9 =	sadd.s32 $0x10, s9  }
0x7a: {  	vm0 =	vgt.f32 v8, v7  }
0x7b: {  	v7 =	vsel vm0, v8, v7  }
0x7c: {  	(xrf0) =	vmax.scan.msk.f32 $0xffff, v7;
	_ =	sdelay $0x5  }
0x7d: {  	v8, _, _ =	vpop (xrf0)  }
0x7e: {  	v9 =	vor.u32 s9, v5;
	v5 =	vbroadcast v8, $0xF  }
0x7f: {  	v6 =	vsel vm0, v9, v6  }
0x80: {  	v6 =	vxor.u32 $0x80000000, v6;
	vm14 =	veq.f32 v7, v5  }
0x81: {  	v6 =	vnsel vm14, $0xFFFFFFFF, v6  }
0x82: {  	(xrf0) =	vmin.scan.msk.u32 $0xffff, v6;
	_ =	sdelay $0x5  }
0x83: {  	v6, _, _ =	vpop (xrf0)  }
0x84: {  	(v2sf) =	vpush v6, $0xF;
	_ =	sdelay $0xe  }
0x85: {  	s28 =	spop (v2sf)  }
0x86: {  	s10 =	sxor.u32 $0x80000000, s28  }
0x87: {  	s12 =	simm.s32 $0x1;
	s11 =	ssub.s32 s10, s7;
	p0 =	sne.s32 s10, s7  }
0x88: {  	s13 =	sshra.s32 s11, $0x1F;
	s12 =	simm.s32 @!p0 $0x0  }
0x89: {  	s9 =	sand.u32 $0xF, s28;
	s12 =	sor.u32 s12, s13  }
0x8a: {  	p1 =	sne.s32 s9, $0x0;
	p6 =	sne.s32 s12, $0x1  }
0x8b: {  	s29 =	sshrl.u32 s13, $0x1C;
	p0 =	por !p1, !p6  }
0x8c: {  	s9 =	sadd.s32 s29, s11;
	s11 =	simm.s32 $0x1;
	p0 =	por !p0, !p0  }
0x8d: {  	s9 =	sshrl.u32 s9, $0x4;
	s11 =	simm.s32 @!p0 $0x0  }
0x8e: {  	s9 =	ssub.s32 s9, s11  }
0x8f: {  	s9 =	sshll.u32 s9, $0x4  }
0x90: {  	v6 =	vld [tilespmem:s9+$0x0];
	_ =	sdelay $0x1  }
0x91: {  	v7 =	vlaneseq.u32;
	s30 =	sadd.s32 s7, s9  }
0x92: {  	v8 =	vor.u32 s30, v7  }
0x93: {  	vm15 =	veq.s32 v8, s10  }
0x94: {  	v6 =	vsel vm15, $0xFF800000, v6  }
0x95: {  	s31 =	simm.s32 $0x0;
	[tilespmem:s9+$0x0] =	vst v6  }
0x96: {  	v10 =	vld [tilespmem:s31+$0x0];
	_ =	sdelay $0x3  }
0x97: {  	v9 =	vimm.f32 $-Inf;
	v8 =	vimm.s32 $0x7FFFFFFF;
	v6 =	vmov s10;
	s10 =	simm.s32 $0x40;
	s9 =	smov.u32 s7  }
.LBB2_9:
0x98: {  	s11 =	sshra.s32 s10, $0x2;
	p0 =	sne.s32 s10, $0x7C0;
	s10 =	sadd.s32 $0x40, s10;
	v11 =	vor.u32 s9, v7;
	vm0 =	vgt.f32 v10, v9  }
.Ltmp4:
0x99: {  	v9 =	vsel vm0, v10, v9;
	v10 =	vld [tilespmem:s11+$0x0];
	v8 =	vsel vm0, v11, v8;
	(pc) =	sbr.rel @p0 .LBB2_9-.Ltmp4, $2  }
0x9a: {  	_ =	sdelay $0x2  }
0x9b: {  	s9 =	sadd.s32 $0x10, s9  }
0x9c: {  	vm0 =	vgt.f32 v10, v9  }
0x9d: {  	v9 =	vsel vm0, v10, v9  }
0x9e: {  	(xrf0) =	vmax.scan.msk.f32 $0xffff, v9;
	_ =	sdelay $0x5  }
0x9f: {  	v10, _, _ =	vpop (xrf0)  }
0xa0: {  	v11 =	vor.u32 s9, v7;
	v7 =	vbroadcast v10, $0xF  }
0xa1: {  	v8 =	vsel vm0, v11, v8  }
0xa2: {  	v8 =	vxor.u32 $0x80000000, v8;
	vm14 =	veq.f32 v9, v7  }
0xa3: {  	v8 =	vnsel vm14, $0xFFFFFFFF, v8  }
0xa4: {  	(xrf0) =	vmin.scan.msk.u32 $0xffff, v8;
	_ =	sdelay $0x5  }
0xa5: {  	v8, _, _ =	vpop (xrf0)  }
0xa6: {  	(v2sf) =	vpush v8, $0xF;
	_ =	sdelay $0xe  }
0xa7: {  	s28 =	spop (v2sf)  }
0xa8: {  	s10 =	sxor.u32 $0x80000000, s28  }
0xa9: {  	s12 =	simm.s32 $0x1;
	s11 =	ssub.s32 s10, s7;
	p0 =	sne.s32 s10, s7  }
0xaa: {  	s13 =	sshra.s32 s11, $0x1F;
	s12 =	simm.s32 @!p0 $0x0  }
0xab: {  	s9 =	sand.u32 $0xF, s28;
	s12 =	sor.u32 s12, s13  }
0xac: {  	p1 =	sne.s32 s9, $0x0;
	p6 =	sne.s32 s12, $0x1  }
0xad: {  	s29 =	sshrl.u32 s13, $0x1C;
	p0 =	por !p1, !p6  }
0xae: {  	s9 =	sadd.s32 s29, s11;
	s11 =	simm.s32 $0x1;
	p0 =	por !p0, !p0  }
0xaf: {  	s9 =	sshrl.u32 s9, $0x4;
	s11 =	simm.s32 @!p0 $0x0  }
0xb0: {  	s9 =	ssub.s32 s9, s11  }
0xb1: {  	s9 =	sshll.u32 s9, $0x4  }
0xb2: {  	v8 =	vld [tilespmem:s9+$0x0];
	_ =	sdelay $0x1  }
0xb3: {  	v9 =	vlaneseq.u32;
	s30 =	sadd.s32 s7, s9  }
0xb4: {  	v10 =	vor.u32 s30, v9  }
0xb5: {  	vm15 =	veq.s32 v10, s10  }
0xb6: {  	v8 =	vsel vm15, $0xFF800000, v8  }
0xb7: {  	s31 =	simm.s32 $0x0;
	[tilespmem:s9+$0x0] =	vst v8  }
0xb8: {  	v12 =	vld [tilespmem:s31+$0x0];
	_ =	sdelay $0x3  }
0xb9: {  	v11 =	vimm.f32 $-Inf;
	v10 =	vimm.s32 $0x7FFFFFFF;
	v8 =	vmov s10;
	s10 =	simm.s32 $0x40;
	s9 =	smov.u32 s7  }
.LBB2_11:
0xba: {  	s11 =	sshra.s32 s10, $0x2;
	p0 =	sne.s32 s10, $0x7C0;
	s10 =	sadd.s32 $0x40, s10;
	v13 =	vor.u32 s9, v9;
	vm0 =	vgt.f32 v12, v11  }
.Ltmp5:
0xbb: {  	v11 =	vsel vm0, v12, v11;
	v12 =	vld [tilespmem:s11+$0x0];
	v10 =	vsel vm0, v13, v10;
	(pc) =	sbr.rel @p0 .LBB2_11-.Ltmp5, $2  }
0xbc: {  	_ =	sdelay $0x2  }
0xbd: {  	s9 =	sadd.s32 $0x10, s9  }
0xbe: {  	vm0 =	vgt.f32 v12, v11  }
0xbf: {  	v11 =	vsel vm0, v12, v11  }
0xc0: {  	(xrf0) =	vmax.scan.msk.f32 $0xffff, v11;
	_ =	sdelay $0x5  }
0xc1: {  	v12, _, _ =	vpop (xrf0)  }
0xc2: {  	v13 =	vor.u32 s9, v9;
	v9 =	vbroadcast v12, $0xF  }
0xc3: {  	v10 =	vsel vm0, v13, v10  }
0xc4: {  	v10 =	vxor.u32 $0x80000000, v10;
	vm14 =	veq.f32 v11, v9  }
0xc5: {  	v10 =	vnsel vm14, $0xFFFFFFFF, v10  }
0xc6: {  	(xrf0) =	vmin.scan.msk.u32 $0xffff, v10;
	_ =	sdelay $0x5  }
0xc7: {  	v10, _, _ =	vpop (xrf0)  }
0xc8: {  	(v2sf) =	vpush v10, $0xF;
	_ =	sdelay $0xe  }
0xc9: {  	s28 =	spop (v2sf)  }
0xca: {  	s10 =	sxor.u32 $0x80000000, s28  }
0xcb: {  	s12 =	simm.s32 $0x1;
	s11 =	ssub.s32 s10, s7;
	p0 =	sne.s32 s10, s7  }
0xcc: {  	s13 =	sshra.s32 s11, $0x1F;
	s12 =	simm.s32 @!p0 $0x0  }
0xcd: {  	s9 =	sand.u32 $0xF, s28;
	s12 =	sor.u32 s12, s13  }
0xce: {  	p1 =	sne.s32 s9, $0x0;
	p6 =	sne.s32 s12, $0x1  }
0xcf: {  	s29 =	sshrl.u32 s13, $0x1C;
	p0 =	por !p1, !p6  }
0xd0: {  	s9 =	sadd.s32 s29, s11;
	s11 =	simm.s32 $0x1;
	p0 =	por !p0, !p0  }
0xd1: {  	s9 =	sshrl.u32 s9, $0x4;
	s11 =	simm.s32 @!p0 $0x0  }
0xd2: {  	s9 =	ssub.s32 s9, s11  }
0xd3: {  	s9 =	sshll.u32 s9, $0x4  }
0xd4: {  	v10 =	vld [tilespmem:s9+$0x0];
	_ =	sdelay $0x1  }
0xd5: {  	v11 =	vlaneseq.u32;
	s30 =	sadd.s32 s7, s9  }
0xd6: {  	v12 =	vor.u32 s30, v11  }
0xd7: {  	vm15 =	veq.s32 v12, s10  }
0xd8: {  	v10 =	vsel vm15, $0xFF800000, v10  }
0xd9: {  	s31 =	simm.s32 $0x0;
	[tilespmem:s9+$0x0] =	vst v10  }
0xda: {  	v14 =	vld [tilespmem:s31+$0x0];
	_ =	sdelay $0x3  }
0xdb: {  	v13 =	vimm.f32 $-Inf;
	v12 =	vimm.s32 $0x7FFFFFFF;
	v10 =	vmov s10;
	s10 =	simm.s32 $0x40;
	s9 =	smov.u32 s7  }
.LBB2_13:
0xdc: {  	s11 =	sshra.s32 s10, $0x2;
	p0 =	sne.s32 s10, $0x7C0;
	s10 =	sadd.s32 $0x40, s10;
	v15 =	vor.u32 s9, v11;
	vm0 =	vgt.f32 v14, v13  }
.Ltmp6:
0xdd: {  	v13 =	vsel vm0, v14, v13;
	v14 =	vld [tilespmem:s11+$0x0];
	v12 =	vsel vm0, v15, v12;
	(pc) =	sbr.rel @p0 .LBB2_13-.Ltmp6, $2  }
0xde: {  	_ =	sdelay $0x2  }
0xdf: {  	s9 =	sadd.s32 $0x10, s9  }
0xe0: {  	vm0 =	vgt.f32 v14, v13  }
0xe1: {  	v13 =	vsel vm0, v14, v13  }
0xe2: {  	(xrf0) =	vmax.scan.msk.f32 $0xffff, v13;
	_ =	sdelay $0x5  }
0xe3: {  	v14, _, _ =	vpop (xrf0)  }
0xe4: {  	v15 =	vor.u32 s9, v11;
	v11 =	vbroadcast v14, $0xF  }
0xe5: {  	v12 =	vsel vm0, v15, v12  }
0xe6: {  	v12 =	vxor.u32 $0x80000000, v12;
	vm14 =	veq.f32 v13, v11  }
0xe7: {  	v12 =	vnsel vm14, $0xFFFFFFFF, v12  }
0xe8: {  	(xrf0) =	vmin.scan.msk.u32 $0xffff, v12;
	_ =	sdelay $0x5  }
0xe9: {  	v12, _, _ =	vpop (xrf0)  }
0xea: {  	(v2sf) =	vpush v12, $0xF;
	_ =	sdelay $0xe  }
0xeb: {  	s28 =	spop (v2sf)  }
0xec: {  	s10 =	sxor.u32 $0x80000000, s28  }
0xed: {  	s12 =	simm.s32 $0x1;
	s11 =	ssub.s32 s10, s7;
	p0 =	sne.s32 s10, s7  }
0xee: {  	s13 =	sshra.s32 s11, $0x1F;
	s12 =	simm.s32 @!p0 $0x0  }
0xef: {  	s9 =	sand.u32 $0xF, s28;
	s12 =	sor.u32 s12, s13  }
0xf0: {  	p1 =	sne.s32 s9, $0x0;
	p6 =	sne.s32 s12, $0x1  }
0xf1: {  	s29 =	sshrl.u32 s13, $0x1C;
	p0 =	por !p1, !p6  }
0xf2: {  	s9 =	sadd.s32 s29, s11;
	s11 =	simm.s32 $0x1;
	p0 =	por !p0, !p0  }
0xf3: {  	s9 =	sshrl.u32 s9, $0x4;
	s11 =	simm.s32 @!p0 $0x0  }
0xf4: {  	s9 =	ssub.s32 s9, s11  }
0xf5: {  	s9 =	sshll.u32 s9, $0x4  }
0xf6: {  	v12 =	vld [tilespmem:s9+$0x0];
	_ =	sdelay $0x1  }
0xf7: {  	v13 =	vlaneseq.u32;
	s30 =	sadd.s32 s7, s9  }
0xf8: {  	v14 =	vor.u32 s30, v13  }
0xf9: {  	vm15 =	veq.s32 v14, s10  }
0xfa: {  	v12 =	vsel vm15, $0xFF800000, v12  }
0xfb: {  	s31 =	simm.s32 $0x0;
	[tilespmem:s9+$0x0] =	vst v12  }
0xfc: {  	v16 =	vld [tilespmem:s31+$0x0];
	_ =	sdelay $0x3  }
0xfd: {  	v15 =	vimm.f32 $-Inf;
	v14 =	vimm.s32 $0x7FFFFFFF;
	v12 =	vmov s10;
	s10 =	simm.s32 $0x40;
	s9 =	smov.u32 s7  }
.LBB2_15:
0xfe: {  	s11 =	sshra.s32 s10, $0x2;
	p0 =	sne.s32 s10, $0x7C0;
	s10 =	sadd.s32 $0x40, s10;
	v17 =	vor.u32 s9, v13;
	vm0 =	vgt.f32 v16, v15  }
.Ltmp7:
0xff: {  	v15 =	vsel vm0, v16, v15;
	v16 =	vld [tilespmem:s11+$0x0];
	v14 =	vsel vm0, v17, v14;
	(pc) =	sbr.rel @p0 .LBB2_15-.Ltmp7, $2  }
0x100: {  	_ =	sdelay $0x2  }
0x101: {  	s9 =	sadd.s32 $0x10, s9  }
0x102: {  	vm0 =	vgt.f32 v16, v15  }
0x103: {  	v15 =	vsel vm0, v16, v15  }
0x104: {  	(xrf0) =	vmax.scan.msk.f32 $0xffff, v15;
	_ =	sdelay $0x5  }
0x105: {  	v16, _, _ =	vpop (xrf0)  }
0x106: {  	v17 =	vor.u32 s9, v13;
	v13 =	vbroadcast v16, $0xF  }
0x107: {  	v14 =	vsel vm0, v17, v14  }
0x108: {  	v14 =	vxor.u32 $0x80000000, v14;
	vm14 =	veq.f32 v15, v13  }
0x109: {  	v14 =	vnsel vm14, $0xFFFFFFFF, v14  }
0x10a: {  	(xrf0) =	vmin.scan.msk.u32 $0xffff, v14;
	_ =	sdelay $0x5  }
0x10b: {  	v14, _, _ =	vpop (xrf0)  }
0x10c: {  	(v2sf) =	vpush v14, $0xF;
	_ =	sdelay $0xe  }
0x10d: {  	s28 =	spop (v2sf)  }
0x10e: {  	s10 =	sxor.u32 $0x80000000, s28  }
0x10f: {  	s12 =	simm.s32 $0x1;
	s11 =	ssub.s32 s10, s7;
	p0 =	sne.s32 s10, s7  }
0x110: {  	s13 =	sshra.s32 s11, $0x1F;
	s12 =	simm.s32 @!p0 $0x0  }
0x111: {  	s9 =	sand.u32 $0xF, s28;
	s12 =	sor.u32 s12, s13  }
0x112: {  	p1 =	sne.s32 s9, $0x0;
	p6 =	sne.s32 s12, $0x1  }
0x113: {  	s29 =	sshrl.u32 s13, $0x1C;
	p0 =	por !p1, !p6  }
0x114: {  	s9 =	sadd.s32 s29, s11;
	s11 =	simm.s32 $0x1;
	p0 =	por !p0, !p0  }
0x115: {  	s9 =	sshrl.u32 s9, $0x4;
	s11 =	simm.s32 @!p0 $0x0  }
0x116: {  	s9 =	ssub.s32 s9, s11  }
0x117: {  	s9 =	sshll.u32 s9, $0x4  }
0x118: {  	v14 =	vld [tilespmem:s9+$0x0];
	_ =	sdelay $0x1  }
0x119: {  	v15 =	vlaneseq.u32;
	s30 =	sadd.s32 s7, s9  }
0x11a: {  	v16 =	vor.u32 s30, v15  }
0x11b: {  	vm15 =	veq.s32 v16, s10  }
0x11c: {  	v14 =	vsel vm15, $0xFF800000, v14  }
0x11d: {  	s31 =	simm.s32 $0x0;
	[tilespmem:s9+$0x0] =	vst v14  }
0x11e: {  	v18 =	vld [tilespmem:s31+$0x0];
	_ =	sdelay $0x3  }
0x11f: {  	v17 =	vimm.f32 $-Inf;
	v16 =	vimm.s32 $0x7FFFFFFF;
	v14 =	vmov s10;
	s10 =	simm.s32 $0x40;
	s9 =	smov.u32 s7  }
.LBB2_17:
0x120: {  	s11 =	sshra.s32 s10, $0x2;
	p0 =	sne.s32 s10, $0x7C0;
	s10 =	sadd.s32 $0x40, s10;
	v19 =	vor.u32 s9, v15;
	vm0 =	vgt.f32 v18, v17  }
.Ltmp8:
0x121: {  	v17 =	vsel vm0, v18, v17;
	v18 =	vld [tilespmem:s11+$0x0];
	v16 =	vsel vm0, v19, v16;
	(pc) =	sbr.rel @p0 .LBB2_17-.Ltmp8, $2  }
0x122: {  	_ =	sdelay $0x2  }
0x123: {  	s9 =	sadd.s32 $0x10, s9  }
0x124: {  	vm0 =	vgt.f32 v18, v17  }
0x125: {  	v17 =	vsel vm0, v18, v17  }
0x126: {  	(xrf0) =	vmax.scan.msk.f32 $0xffff, v17;
	_ =	sdelay $0x5  }
0x127: {  	v18, _, _ =	vpop (xrf0)  }
0x128: {  	v19 =	vor.u32 s9, v15;
	v15 =	vbroadcast v18, $0xF  }
0x129: {  	v16 =	vsel vm0, v19, v16  }
0x12a: {  	v16 =	vxor.u32 $0x80000000, v16;
	vm14 =	veq.f32 v17, v15  }
0x12b: {  	v16 =	vnsel vm14, $0xFFFFFFFF, v16  }
0x12c: {  	(xrf0) =	vmin.scan.msk.u32 $0xffff, v16;
	_ =	sdelay $0x5  }
0x12d: {  	v16, _, _ =	vpop (xrf0)  }
0x12e: {  	(v2sf) =	vpush v16, $0xF;
	_ =	sdelay $0xe  }
0x12f: {  	s28 =	spop (v2sf)  }
0x130: {  	s10 =	sxor.u32 $0x80000000, s28  }
0x131: {  	s12 =	simm.s32 $0x1;
	s11 =	ssub.s32 s10, s7;
	p0 =	sne.s32 s10, s7  }
0x132: {  	s13 =	sshra.s32 s11, $0x1F;
	s12 =	simm.s32 @!p0 $0x0  }
0x133: {  	s9 =	sand.u32 $0xF, s28;
	s12 =	sor.u32 s12, s13  }
0x134: {  	p1 =	sne.s32 s9, $0x0;
	p6 =	sne.s32 s12, $0x1  }
0x135: {  	s29 =	sshrl.u32 s13, $0x1C;
	p0 =	por !p1, !p6  }
0x136: {  	s9 =	sadd.s32 s29, s11;
	s11 =	simm.s32 $0x1;
	p0 =	por !p0, !p0  }
0x137: {  	s9 =	sshrl.u32 s9, $0x4;
	s11 =	simm.s32 @!p0 $0x0  }
0x138: {  	s9 =	ssub.s32 s9, s11  }
0x139: {  	s9 =	sshll.u32 s9, $0x4  }
0x13a: {  	v16 =	vld [tilespmem:s9+$0x0];
	_ =	sdelay $0x1  }
0x13b: {  	v17 =	vlaneseq.u32;
	s30 =	sadd.s32 s7, s9  }
0x13c: {  	v18 =	vor.u32 s30, v17  }
0x13d: {  	vm15 =	veq.s32 v18, s10  }
0x13e: {  	v16 =	vsel vm15, $0xFF800000, v16  }
0x13f: {  	s31 =	simm.s32 $0x0;
	[tilespmem:s9+$0x0] =	vst v16  }
0x140: {  	v20 =	vld [tilespmem:s31+$0x0];
	_ =	sdelay $0x3  }
0x141: {  	v19 =	vimm.f32 $-Inf;
	v18 =	vimm.s32 $0x7FFFFFFF;
	v16 =	vmov s10;
	s10 =	simm.s32 $0x40;
	s9 =	smov.u32 s7  }
.LBB2_19:
0x142: {  	s11 =	sshra.s32 s10, $0x2;
	p0 =	sne.s32 s10, $0x7C0;
	s10 =	sadd.s32 $0x40, s10;
	v21 =	vor.u32 s9, v17;
	vm0 =	vgt.f32 v20, v19  }
.Ltmp9:
0x143: {  	v19 =	vsel vm0, v20, v19;
	v20 =	vld [tilespmem:s11+$0x0];
	v18 =	vsel vm0, v21, v18;
	(pc) =	sbr.rel @p0 .LBB2_19-.Ltmp9, $2  }
0x144: {  	_ =	sdelay $0x2  }
0x145: {  	s9 =	sadd.s32 $0x10, s9  }
0x146: {  	vm0 =	vgt.f32 v20, v19  }
0x147: {  	v19 =	vsel vm0, v20, v19  }
0x148: {  	(xrf0) =	vmax.scan.msk.f32 $0xffff, v19;
	_ =	sdelay $0x5  }
0x149: {  	v61, _, _ =	vpop (xrf0)  }
0x14a: {  	v17 =	vor.u32 s9, v17;
	v20 =	vbroadcast v61, $0xF  }
0x14b: {  	v17 =	vsel vm0, v17, v18  }
0x14c: {  	v17 =	vxor.u32 $0x80000000, v17;
	vm0 =	veq.f32 v19, v20  }
0x14d: {  	v17 =	vnsel vm0, $0xFFFFFFFF, v17  }
0x14e: {  	(xrf0) =	vmin.scan.msk.u32 $0xffff, v17;
	_ =	sdelay $0x5  }
0x14f: {  	v17, _, _ =	vpop (xrf0)  }
0x150: {  	(v2sf) =	vpush v17, $0xF;
	_ =	sdelay $0xe  }
0x151: {  	s24 =	spop (v2sf)  }
0x152: {  	s10 =	sxor.u32 $0x80000000, s24  }
0x153: {  	s12 =	simm.s32 $0x1;
	s11 =	ssub.s32 s10, s7;
	p0 =	sne.s32 s10, s7  }
0x154: {  	s13 =	sshra.s32 s11, $0x1F;
	s12 =	simm.s32 @!p0 $0x0  }
0x155: {  	s9 =	sand.u32 $0xF, s24;
	s12 =	sor.u32 s12, s13  }
0x156: {  	p1 =	sne.s32 s9, $0x0;
	p6 =	sne.s32 s12, $0x1  }
0x157: {  	v62 =	vmov s8;
	vm1 =	vcmask $0x300;
	vm0 =	vmmov $0x1;
	s25 =	sshrl.u32 s13, $0x1C;
	p0 =	por !p1, !p6  }
0x158: {  	v0 =	vnsel vm0, $0xFF800000, v0;
	v17 =	vnsel vm1, $0x0, v62;
	vm1 =	vcmask $0x328;
	s9 =	simm.s32 $0x1;
	s8 =	sadd.s32 s25, s11;
	p0 =	por !p0, !p0  }
0x159: {  	vm2 =	vcmask $0x728;
	vm3 =	vcmask $0xB28;
	v0 =	vsel vm1, v0, v1;
	s8 =	sshrl.u32 s8, $0x4;
	s9 =	simm.s32 @!p0 $0x0  }
0x15a: {  	vm4 =	vcmask $0xF28;
	vm5 =	vcmask $0x1328;
	v0 =	vsel vm2, v0, v3;
	s8 =	ssub.s32 s8, s9  }
0x15b: {  	vm6 =	vcmask $0x1728;
	v1 =	vsel vm1, v17, v2;
	v0 =	vsel vm3, v0, v5;
	s8 =	sshll.u32 s8, $0x4  }
0x15c: {  	vm7 =	vcmask $0x1B28;
	v1 =	vsel vm2, v1, v4;
	v0 =	vsel vm4, v0, v7;
	v2 =	vld [tilespmem:s8+$0x0]  }
0x15d: {  	vm8 =	vcmask $0x1F28;
	v1 =	vsel vm3, v1, v6;
	v0 =	vsel vm5, v0, v9  }
0x15e: {  	v1 =	vsel vm4, v1, v8;
	v3 =	vsel vm6, v0, v11;
	v0 =	vlaneseq.u32;
	s26 =	sadd.s32 s7, s8  }
0x15f: {  	vm9 =	vcmask $0x2328;
	v1 =	vsel vm5, v1, v10;
	v63 =	vor.u32 s26, v0  }
0x160: {  	v1 =	vsel vm6, v1, v12;
	v3 =	vsel vm7, v3, v13;
	vm10 =	veq.s32 v63, s10  }
0x161: {  	v1 =	vsel vm7, v1, v14;
	v3 =	vsel vm8, v3, v15;
	v2 =	vsel vm10, $0xFF800000, v2  }
0x162: {  	v1 =	vsel vm8, v1, v16;
	v3 =	vsel vm9, v3, v20;
	[tilespmem:s8+$0x0] =	vst v2  }
0x163: {  	s28 =	sshll.u32 s6, $0x4;
	v1 =	vnsel vm9, s10, v1;
	[tilespmem:$0x8280] =	vst v3  }
0x164: {  	s30 =	simm.s32 $0x8280;
	s29 =	sadd.s32 s28, s5;
	s7 =	simm.s32 $0x2;
	[tilespmem:$0x8300] =	vst v1  }
0x165: {  	[spmem:s29] =	stream.linear.scatter [tilespmem:s30], [sflag:$0x2], $0x10, $0x38;
	[tilespmem:$0x8620] =	vst v63  }
0x166: {  	_ =	swait.ge [sflag:s7], $0x10  }
0x167: {  	[sflag:s7] =	ssyncset.done $0x0  }
0x168: {  	s31 =	simm.s32 $0x8300;
	s8 =	sadd.s32 s28, s4;
	[sflag:s7] =	ssyncadd.s32 $0xFFFFFFF0  }
0x169: {  	[spmem:s8] =	stream.linear.scatter [tilespmem:s31], [sflag:$0x2], $0x10, $0x38;
	[tilespmem:$0x8620] =	vst v63  }
0x16a: {  	_ =	swait.ge [sflag:s7], $0x10  }
0x16b: {  	[sflag:s7] =	ssyncset.done $0x0  }
0x16c: {  	[sflag:s7] =	ssyncadd.s32 $0xFFFFFFF0  }
0x16d: {  	p0 =	sne.s32 s6, $0x0;
	[bflag:$0x0] =	sbarrier.arrive $0xFFFF  }
0x16e: {  	_ =	sfence.sel @p0 $0x180000  }
0x16f: {  	[bflag:$0x0] =	sbarrier.arrive @p0 $0xFFFF  }
0x170: {  	_ =	strace @p0 $0x90000047  }
0x171: {  	[bflag:$0x2] =	sbarrier.arrive @p0 $0xFFFF  }
0x172: {  	_ =	shalt @p0  }
.LBB2_21:
0x173: {  	s6 =	simm.s32 $0x8400  }
0x174: {  	[tilespmem:s6], [sflag:$0x2] =	stream.linear.gather [spmem:s5], $0x100, $0x38;
	[tilespmem:$0x8620] =	vst v63  }
0x175: {  	_ =	swait.ge [sflag:s7], $0x100  }
0x176: {  	[sflag:s7] =	ssyncset.done $0x0  }
0x177: {  	s11 =	simm.s32 $0x8500;
	[sflag:s7] =	ssyncadd.s32 $0xFFFFFF00  }
0x178: {  	[tilespmem:s11], [sflag:$0x2] =	stream.linear.gather [spmem:s4], $0x100, $0x38;
	[tilespmem:$0x8620] =	vst v63  }
0x179: {  	_ =	swait.ge [sflag:s7], $0x100  }
0x17a: {  	[sflag:s7] =	ssyncset.done $0x0  }
0x17b: {  	[sflag:s7] =	ssyncadd.s32 $0xFFFFFF00  }
0x17c: {  	v3 =	vld [tilespmem:s6+$0x0];
	_ =	sdelay $0x1  }
0x17d: {  	s10 =	sadd.s32 $0x100, s3;
	v2 =	vld [tilespmem:s11+$0x0]  }
0x17e: {  	s9 =	sadd.s32 $0x200, s3;
	s8 =	sadd.s32 $0x300, s3;
	s13 =	simm.s32 $0x0  }
0x17f: {  	v4 =	vimm.f32 $-Inf;
	s12 =	simm.s32 $0x10;
	s5 =	sadd.s32 $0x600, s3;
	v6 =	vor.u32 s13, v0;
	s13 =	simm.s32 $0x8410  }
0x180: {  	v1 =	vimm.s32 $0x7FFFFFFF;
	v5 =	vimm.s32 $0x7FFFFFFF;
	s4 =	sadd.s32 $0x700, s3;
	s7 =	sadd.s32 $0x400, s3;
	s6 =	sadd.s32 $0x500, s3;
	vm10 =	vgt.f32 v3, v4  }
.LBB2_22:
0x181: {  	p0 =	sne.s32 s12, $0xF0  }
0x182: {  	v4 =	vsel vm10, v3, v4;
	v3 =	vld [tilespmem:s13+$0x0];
	v1 =	vsel vm10, v2, v1;
	v5 =	vsel vm10, v6, v5;
	s11 =	sadd.s32 $0x10, s11;
	s14 =	smov.u32 s12;
	s12 =	sadd.s32 $0x10, s12  }
.Ltmp10:
0x183: {  	v2 =	vld [tilespmem:s11+$0x0];
	(pc) =	sbr.rel @p0 .LBB2_22-.Ltmp10, $2  }
0x184: {  	_ =	sdelay $0x2  }
0x185: {  	s13 =	sadd.s32 $0x10, s13;
	v6 =	vor.u32 s14, v0;
	vm10 =	vgt.f32 v3, v4  }
0x186: {  	v4 =	vsel vm10, v3, v4  }
0x187: {  	(xrf0) =	vmax.scan.msk.f32 $0xffff, v4;
	_ =	sdelay $0x5  }
0x188: {  	v0, _, _ =	vpop (xrf0)  }
0x189: {  	v0 =	vbroadcast v0, $0xF  }
0x18a: {  	v3 =	vsel vm10, v6, v5  }
0x18b: {  	vm11 =	veq.f32 v4, v0;
	v4 =	vxor.u32 $0x80000000, v3  }
0x18c: {  	v4 =	vnsel vm11, $0xFFFFFFFF, v4  }
0x18d: {  	(xrf0) =	vmin.scan.msk.u32 $0xffff, v4;
	_ =	sdelay $0x5  }
0x18e: {  	v4, _, _ =	vpop (xrf0)  }
0x18f: {  	(v2sf) =	vpush v4, $0xF;
	_ =	sdelay $0xe  }
0x190: {  	s11 =	spop (v2sf)  }
0x191: {  	s12 =	sxor.u32 $0x80000000, s11  }
0x192: {  	p1 =	sgt.s32 s11, $0xFFFFFFFF;
	s11 =	sand.u32 $0xF, s11;
	p0 =	slt.s32 s12, $0x1  }
0x193: {  	s13 =	sshra.s32 s12, $0x1F;
	p6 =	sne.s32 s11, $0x0;
	p0 =	por p1, p0  }
0x194: {  	s29 =	sshrl.u32 s13, $0x1C;
	p0 =	por !p6, !p0  }
0x195: {  	s13 =	simm.s32 $0x1;
	s11 =	sadd.s32 s29, s12;
	p0 =	por !p0, !p0  }
0x196: {  	s11 =	sshrl.u32 s11, $0x4;
	s13 =	simm.s32 @!p0 $0x0  }
0x197: {  	s11 =	ssub.s32 s11, s13  }
0x198: {  	s11 =	sshll.u32 s11, $0x4  }
0x199: {  	v4 =	vld [tilespmem:s11+$0x8400];
	_ =	sdelay $0x1  }
0x19a: {  	v7 =	vlaneseq.u32  }
0x19b: {  	v5 =	vor.u32 s11, v7  }
0x19c: {  	vm11 =	veq.s32 v5, s12  }
0x19d: {  	v4 =	vsel vm11, $0xFF800000, v4  }
0x19e: {  	s30 =	simm.s32 $0x8400;
	[tilespmem:s11+$0x8400] =	vst v4  }
0x19f: {  	v8 =	vld [tilespmem:s30+$0x0]  }
0x1a0: {  	s11 =	simm.s32 $0x8500  }
0x1a1: {  	v4 =	vld [tilespmem:s11+$0x0]  }
0x1a2: {  	s31 =	simm.s32 $0x0;
	v9 =	vimm.s32 $0x7FFFFFFF  }
0x1a3: {  	v10 =	vor.u32 s31, v7;
	v5 =	vsel vm10, v2, v1;
	v1 =	vimm.f32 $-Inf  }
0x1a4: {  	v6 =	vmov s12;
	s13 =	simm.s32 $0x8410;
	v2 =	vimm.s32 $0x7FFFFFFF;
	s12 =	simm.s32 $0x10;
	vm10 =	vgt.f32 v8, v1  }
.LBB2_24:
0x1a5: {  	p0 =	sne.s32 s12, $0xF0  }
0x1a6: {  	v1 =	vsel vm10, v8, v1;
	v8 =	vld [tilespmem:s13+$0x0];
	v2 =	vsel vm10, v4, v2;
	v9 =	vsel vm10, v10, v9;
	s11 =	sadd.s32 $0x10, s11;
	s14 =	smov.u32 s12;
	s12 =	sadd.s32 $0x10, s12  }
.Ltmp11:
0x1a7: {  	v4 =	vld [tilespmem:s11+$0x0];
	(pc) =	sbr.rel @p0 .LBB2_24-.Ltmp11, $2  }
0x1a8: {  	_ =	sdelay $0x2  }
0x1a9: {  	s13 =	sadd.s32 $0x10, s13;
	v10 =	vor.u32 s14, v7;
	vm10 =	vgt.f32 v8, v1  }
0x1aa: {  	v8 =	vsel vm10, v8, v1  }
0x1ab: {  	(xrf0) =	vmax.scan.msk.f32 $0xffff, v8;
	_ =	sdelay $0x5  }
0x1ac: {  	v1, _, _ =	vpop (xrf0)  }
0x1ad: {  	v1 =	vbroadcast v1, $0xF  }
0x1ae: {  	v7 =	vsel vm10, v10, v9  }
0x1af: {  	vm11 =	veq.f32 v8, v1;
	v8 =	vxor.u32 $0x80000000, v7  }
0x1b0: {  	v8 =	vnsel vm11, $0xFFFFFFFF, v8  }
0x1b1: {  	(xrf0) =	vmin.scan.msk.u32 $0xffff, v8;
	_ =	sdelay $0x5  }
0x1b2: {  	v8, _, _ =	vpop (xrf0)  }
0x1b3: {  	(v2sf) =	vpush v8, $0xF;
	_ =	sdelay $0xe  }
0x1b4: {  	s11 =	spop (v2sf)  }
0x1b5: {  	s12 =	sxor.u32 $0x80000000, s11  }
0x1b6: {  	p1 =	sgt.s32 s11, $0xFFFFFFFF;
	s11 =	sand.u32 $0xF, s11;
	p0 =	slt.s32 s12, $0x1  }
0x1b7: {  	s13 =	sshra.s32 s12, $0x1F;
	p6 =	sne.s32 s11, $0x0;
	p0 =	por p1, p0  }
0x1b8: {  	s29 =	sshrl.u32 s13, $0x1C;
	p0 =	por !p6, !p0  }
0x1b9: {  	s13 =	simm.s32 $0x1;
	s11 =	sadd.s32 s29, s12;
	p0 =	por !p0, !p0  }
0x1ba: {  	s11 =	sshrl.u32 s11, $0x4;
	s13 =	simm.s32 @!p0 $0x0  }
0x1bb: {  	s11 =	ssub.s32 s11, s13  }
0x1bc: {  	s11 =	sshll.u32 s11, $0x4  }
0x1bd: {  	v8 =	vld [tilespmem:s11+$0x8400];
	_ =	sdelay $0x1  }
0x1be: {  	v11 =	vlaneseq.u32  }
0x1bf: {  	v9 =	vor.u32 s11, v11  }
0x1c0: {  	vm11 =	veq.s32 v9, s12  }
0x1c1: {  	v8 =	vsel vm11, $0xFF800000, v8  }
0x1c2: {  	s30 =	simm.s32 $0x8400;
	[tilespmem:s11+$0x8400] =	vst v8  }
0x1c3: {  	v12 =	vld [tilespmem:s30+$0x0]  }
0x1c4: {  	s11 =	simm.s32 $0x8500  }
0x1c5: {  	v8 =	vld [tilespmem:s11+$0x0]  }
0x1c6: {  	s31 =	simm.s32 $0x0;
	v13 =	vimm.s32 $0x7FFFFFFF  }
0x1c7: {  	v14 =	vor.u32 s31, v11;
	v9 =	vsel vm10, v4, v2;
	v2 =	vimm.f32 $-Inf  }
0x1c8: {  	v10 =	vmov s12;
	s13 =	simm.s32 $0x8410;
	v4 =	vimm.s32 $0x7FFFFFFF;
	s12 =	simm.s32 $0x10;
	vm10 =	vgt.f32 v12, v2  }
.LBB2_26:
0x1c9: {  	p0 =	sne.s32 s12, $0xF0  }
0x1ca: {  	v2 =	vsel vm10, v12, v2;
	v12 =	vld [tilespmem:s13+$0x0];
	v4 =	vsel vm10, v8, v4;
	v13 =	vsel vm10, v14, v13;
	s11 =	sadd.s32 $0x10, s11;
	s14 =	smov.u32 s12;
	s12 =	sadd.s32 $0x10, s12  }
.Ltmp12:
0x1cb: {  	v8 =	vld [tilespmem:s11+$0x0];
	(pc) =	sbr.rel @p0 .LBB2_26-.Ltmp12, $2  }
0x1cc: {  	_ =	sdelay $0x2  }
0x1cd: {  	s13 =	sadd.s32 $0x10, s13;
	v14 =	vor.u32 s14, v11;
	vm10 =	vgt.f32 v12, v2  }
0x1ce: {  	v12 =	vsel vm10, v12, v2  }
0x1cf: {  	(xrf0) =	vmax.scan.msk.f32 $0xffff, v12;
	_ =	sdelay $0x5  }
0x1d0: {  	v2, _, _ =	vpop (xrf0)  }
0x1d1: {  	v2 =	vbroadcast v2, $0xF  }
0x1d2: {  	v11 =	vsel vm10, v14, v13  }
0x1d3: {  	vm11 =	veq.f32 v12, v2;
	v12 =	vxor.u32 $0x80000000, v11  }
0x1d4: {  	v12 =	vnsel vm11, $0xFFFFFFFF, v12  }
0x1d5: {  	(xrf0) =	vmin.scan.msk.u32 $0xffff, v12;
	_ =	sdelay $0x5  }
0x1d6: {  	v12, _, _ =	vpop (xrf0)  }
0x1d7: {  	(v2sf) =	vpush v12, $0xF;
	_ =	sdelay $0xe  }
0x1d8: {  	s11 =	spop (v2sf)  }
0x1d9: {  	s12 =	sxor.u32 $0x80000000, s11  }
0x1da: {  	p1 =	sgt.s32 s11, $0xFFFFFFFF;
	s11 =	sand.u32 $0xF, s11;
	p0 =	slt.s32 s12, $0x1  }
0x1db: {  	s13 =	sshra.s32 s12, $0x1F;
	p6 =	sne.s32 s11, $0x0;
	p0 =	por p1, p0  }
0x1dc: {  	s29 =	sshrl.u32 s13, $0x1C;
	p0 =	por !p6, !p0  }
0x1dd: {  	s13 =	simm.s32 $0x1;
	s11 =	sadd.s32 s29, s12;
	p0 =	por !p0, !p0  }
0x1de: {  	s11 =	sshrl.u32 s11, $0x4;
	s13 =	simm.s32 @!p0 $0x0  }
0x1df: {  	s11 =	ssub.s32 s11, s13  }
0x1e0: {  	s11 =	sshll.u32 s11, $0x4  }
0x1e1: {  	v12 =	vld [tilespmem:s11+$0x8400];
	_ =	sdelay $0x1  }
0x1e2: {  	v15 =	vlaneseq.u32  }
0x1e3: {  	v13 =	vor.u32 s11, v15  }
0x1e4: {  	vm11 =	veq.s32 v13, s12  }
0x1e5: {  	v12 =	vsel vm11, $0xFF800000, v12  }
0x1e6: {  	s30 =	simm.s32 $0x8400;
	[tilespmem:s11+$0x8400] =	vst v12  }
0x1e7: {  	v16 =	vld [tilespmem:s30+$0x0]  }
0x1e8: {  	s11 =	simm.s32 $0x8500  }
0x1e9: {  	v12 =	vld [tilespmem:s11+$0x0]  }
0x1ea: {  	s31 =	simm.s32 $0x0;
	v17 =	vimm.s32 $0x7FFFFFFF  }
0x1eb: {  	v18 =	vor.u32 s31, v15;
	v13 =	vsel vm10, v8, v4;
	v4 =	vimm.f32 $-Inf  }
0x1ec: {  	v14 =	vmov s12;
	s13 =	simm.s32 $0x8410;
	v8 =	vimm.s32 $0x7FFFFFFF;
	s12 =	simm.s32 $0x10;
	vm10 =	vgt.f32 v16, v4  }
.LBB2_28:
0x1ed: {  	p0 =	sne.s32 s12, $0xF0  }
0x1ee: {  	v4 =	vsel vm10, v16, v4;
	v16 =	vld [tilespmem:s13+$0x0];
	v8 =	vsel vm10, v12, v8;
	v17 =	vsel vm10, v18, v17;
	s11 =	sadd.s32 $0x10, s11;
	s14 =	smov.u32 s12;
	s12 =	sadd.s32 $0x10, s12  }
.Ltmp13:
0x1ef: {  	v12 =	vld [tilespmem:s11+$0x0];
	(pc) =	sbr.rel @p0 .LBB2_28-.Ltmp13, $2  }
0x1f0: {  	_ =	sdelay $0x2  }
0x1f1: {  	s13 =	sadd.s32 $0x10, s13;
	v18 =	vor.u32 s14, v15;
	vm10 =	vgt.f32 v16, v4  }
0x1f2: {  	v16 =	vsel vm10, v16, v4  }
0x1f3: {  	(xrf0) =	vmax.scan.msk.f32 $0xffff, v16;
	_ =	sdelay $0x5  }
0x1f4: {  	v4, _, _ =	vpop (xrf0)  }
0x1f5: {  	v4 =	vbroadcast v4, $0xF  }
0x1f6: {  	v15 =	vsel vm10, v18, v17  }
0x1f7: {  	vm11 =	veq.f32 v16, v4;
	v16 =	vxor.u32 $0x80000000, v15  }
0x1f8: {  	v16 =	vnsel vm11, $0xFFFFFFFF, v16  }
0x1f9: {  	(xrf0) =	vmin.scan.msk.u32 $0xffff, v16;
	_ =	sdelay $0x5  }
0x1fa: {  	v16, _, _ =	vpop (xrf0)  }
0x1fb: {  	(v2sf) =	vpush v16, $0xF;
	_ =	sdelay $0xe  }
0x1fc: {  	s11 =	spop (v2sf)  }
0x1fd: {  	s12 =	sxor.u32 $0x80000000, s11  }
0x1fe: {  	p1 =	sgt.s32 s11, $0xFFFFFFFF;
	s11 =	sand.u32 $0xF, s11;
	p0 =	slt.s32 s12, $0x1  }
0x1ff: {  	s13 =	sshra.s32 s12, $0x1F;
	p6 =	sne.s32 s11, $0x0;
	p0 =	por p1, p0  }
0x200: {  	s29 =	sshrl.u32 s13, $0x1C;
	p0 =	por !p6, !p0  }
0x201: {  	s13 =	simm.s32 $0x1;
	s11 =	sadd.s32 s29, s12;
	p0 =	por !p0, !p0  }
0x202: {  	s11 =	sshrl.u32 s11, $0x4;
	s13 =	simm.s32 @!p0 $0x0  }
0x203: {  	s11 =	ssub.s32 s11, s13  }
0x204: {  	s11 =	sshll.u32 s11, $0x4  }
0x205: {  	v16 =	vld [tilespmem:s11+$0x8400];
	_ =	sdelay $0x1  }
0x206: {  	v19 =	vlaneseq.u32  }
0x207: {  	v17 =	vor.u32 s11, v19  }
0x208: {  	vm11 =	veq.s32 v17, s12  }
0x209: {  	v16 =	vsel vm11, $0xFF800000, v16  }
0x20a: {  	s30 =	simm.s32 $0x8400;
	[tilespmem:s11+$0x8400] =	vst v16  }
0x20b: {  	v20 =	vld [tilespmem:s30+$0x0]  }
0x20c: {  	s11 =	simm.s32 $0x8500  }
0x20d: {  	v16 =	vld [tilespmem:s11+$0x0]  }
0x20e: {  	s31 =	simm.s32 $0x0;
	v21 =	vimm.s32 $0x7FFFFFFF  }
0x20f: {  	v22 =	vor.u32 s31, v19;
	v17 =	vsel vm10, v12, v8;
	v8 =	vimm.f32 $-Inf  }
0x210: {  	v18 =	vmov s12;
	s13 =	simm.s32 $0x8410;
	v12 =	vimm.s32 $0x7FFFFFFF;
	s12 =	simm.s32 $0x10;
	vm10 =	vgt.f32 v20, v8  }
.LBB2_30:
0x211: {  	p0 =	sne.s32 s12, $0xF0  }
0x212: {  	v8 =	vsel vm10, v20, v8;
	v20 =	vld [tilespmem:s13+$0x0];
	v12 =	vsel vm10, v16, v12;
	v21 =	vsel vm10, v22, v21;
	s11 =	sadd.s32 $0x10, s11;
	s14 =	smov.u32 s12;
	s12 =	sadd.s32 $0x10, s12  }
.Ltmp14:
0x213: {  	v16 =	vld [tilespmem:s11+$0x0];
	(pc) =	sbr.rel @p0 .LBB2_30-.Ltmp14, $2  }
0x214: {  	_ =	sdelay $0x2  }
0x215: {  	s13 =	sadd.s32 $0x10, s13;
	v22 =	vor.u32 s14, v19;
	vm10 =	vgt.f32 v20, v8  }
0x216: {  	v20 =	vsel vm10, v20, v8  }
0x217: {  	(xrf0) =	vmax.scan.msk.f32 $0xffff, v20;
	_ =	sdelay $0x5  }
0x218: {  	v8, _, _ =	vpop (xrf0)  }
0x219: {  	v8 =	vbroadcast v8, $0xF  }
0x21a: {  	v19 =	vsel vm10, v22, v21  }
0x21b: {  	vm11 =	veq.f32 v20, v8;
	v20 =	vxor.u32 $0x80000000, v19  }
0x21c: {  	v20 =	vnsel vm11, $0xFFFFFFFF, v20  }
0x21d: {  	(xrf0) =	vmin.scan.msk.u32 $0xffff, v20;
	_ =	sdelay $0x5  }
0x21e: {  	v20, _, _ =	vpop (xrf0)  }
0x21f: {  	(v2sf) =	vpush v20, $0xF;
	_ =	sdelay $0xe  }
0x220: {  	s11 =	spop (v2sf)  }
0x221: {  	s12 =	sxor.u32 $0x80000000, s11  }
0x222: {  	p1 =	sgt.s32 s11, $0xFFFFFFFF;
	s11 =	sand.u32 $0xF, s11;
	p0 =	slt.s32 s12, $0x1  }
0x223: {  	s13 =	sshra.s32 s12, $0x1F;
	p6 =	sne.s32 s11, $0x0;
	p0 =	por p1, p0  }
0x224: {  	s29 =	sshrl.u32 s13, $0x1C;
	p0 =	por !p6, !p0  }
0x225: {  	s13 =	simm.s32 $0x1;
	s11 =	sadd.s32 s29, s12;
	p0 =	por !p0, !p0  }
0x226: {  	s11 =	sshrl.u32 s11, $0x4;
	s13 =	simm.s32 @!p0 $0x0  }
0x227: {  	s11 =	ssub.s32 s11, s13  }
0x228: {  	s11 =	sshll.u32 s11, $0x4  }
0x229: {  	v20 =	vld [tilespmem:s11+$0x8400];
	_ =	sdelay $0x1  }
0x22a: {  	v23 =	vlaneseq.u32  }
0x22b: {  	v21 =	vor.u32 s11, v23  }
0x22c: {  	vm11 =	veq.s32 v21, s12  }
0x22d: {  	v20 =	vsel vm11, $0xFF800000, v20  }
0x22e: {  	s30 =	simm.s32 $0x8400;
	[tilespmem:s11+$0x8400] =	vst v20  }
0x22f: {  	v24 =	vld [tilespmem:s30+$0x0]  }
0x230: {  	s11 =	simm.s32 $0x8500  }
0x231: {  	v20 =	vld [tilespmem:s11+$0x0]  }
0x232: {  	s31 =	simm.s32 $0x0;
	v25 =	vimm.s32 $0x7FFFFFFF  }
0x233: {  	v26 =	vor.u32 s31, v23;
	v21 =	vsel vm10, v16, v12;
	v12 =	vimm.f32 $-Inf  }
0x234: {  	v22 =	vmov s12;
	s13 =	simm.s32 $0x8410;
	v16 =	vimm.s32 $0x7FFFFFFF;
	s12 =	simm.s32 $0x10;
	vm10 =	vgt.f32 v24, v12  }
.LBB2_32:
0x235: {  	p0 =	sne.s32 s12, $0xF0  }
0x236: {  	v12 =	vsel vm10, v24, v12;
	v24 =	vld [tilespmem:s13+$0x0];
	v16 =	vsel vm10, v20, v16;
	v25 =	vsel vm10, v26, v25;
	s11 =	sadd.s32 $0x10, s11;
	s14 =	smov.u32 s12;
	s12 =	sadd.s32 $0x10, s12  }
.Ltmp15:
0x237: {  	v20 =	vld [tilespmem:s11+$0x0];
	(pc) =	sbr.rel @p0 .LBB2_32-.Ltmp15, $2  }
0x238: {  	_ =	sdelay $0x2  }
0x239: {  	s13 =	sadd.s32 $0x10, s13;
	v26 =	vor.u32 s14, v23;
	vm10 =	vgt.f32 v24, v12  }
0x23a: {  	v24 =	vsel vm10, v24, v12  }
0x23b: {  	(xrf0) =	vmax.scan.msk.f32 $0xffff, v24;
	_ =	sdelay $0x5  }
0x23c: {  	v12, _, _ =	vpop (xrf0)  }
0x23d: {  	v12 =	vbroadcast v12, $0xF  }
0x23e: {  	v23 =	vsel vm10, v26, v25  }
0x23f: {  	vm11 =	veq.f32 v24, v12;
	v24 =	vxor.u32 $0x80000000, v23  }
0x240: {  	v24 =	vnsel vm11, $0xFFFFFFFF, v24  }
0x241: {  	(xrf0) =	vmin.scan.msk.u32 $0xffff, v24;
	_ =	sdelay $0x5  }
0x242: {  	v24, _, _ =	vpop (xrf0)  }
0x243: {  	(v2sf) =	vpush v24, $0xF;
	_ =	sdelay $0xe  }
0x244: {  	s11 =	spop (v2sf)  }
0x245: {  	s12 =	sxor.u32 $0x80000000, s11  }
0x246: {  	p1 =	sgt.s32 s11, $0xFFFFFFFF;
	s11 =	sand.u32 $0xF, s11;
	p0 =	slt.s32 s12, $0x1  }
0x247: {  	s13 =	sshra.s32 s12, $0x1F;
	p6 =	sne.s32 s11, $0x0;
	p0 =	por p1, p0  }
0x248: {  	s29 =	sshrl.u32 s13, $0x1C;
	p0 =	por !p6, !p0  }
0x249: {  	s13 =	simm.s32 $0x1;
	s11 =	sadd.s32 s29, s12;
	p0 =	por !p0, !p0  }
0x24a: {  	s11 =	sshrl.u32 s11, $0x4;
	s13 =	simm.s32 @!p0 $0x0  }
0x24b: {  	s11 =	ssub.s32 s11, s13  }
0x24c: {  	s11 =	sshll.u32 s11, $0x4  }
0x24d: {  	v24 =	vld [tilespmem:s11+$0x8400];
	_ =	sdelay $0x1  }
0x24e: {  	v27 =	vlaneseq.u32  }
0x24f: {  	v25 =	vor.u32 s11, v27  }
0x250: {  	vm11 =	veq.s32 v25, s12  }
0x251: {  	v24 =	vsel vm11, $0xFF800000, v24  }
0x252: {  	s30 =	simm.s32 $0x8400;
	[tilespmem:s11+$0x8400] =	vst v24  }
0x253: {  	v28 =	vld [tilespmem:s30+$0x0]  }
0x254: {  	s11 =	simm.s32 $0x8500  }
0x255: {  	v24 =	vld [tilespmem:s11+$0x0]  }
0x256: {  	s31 =	simm.s32 $0x0;
	v29 =	vimm.s32 $0x7FFFFFFF  }
0x257: {  	v30 =	vor.u32 s31, v27;
	v25 =	vsel vm10, v20, v16;
	v16 =	vimm.f32 $-Inf  }
0x258: {  	v26 =	vmov s12;
	s13 =	simm.s32 $0x8410;
	v20 =	vimm.s32 $0x7FFFFFFF;
	s12 =	simm.s32 $0x10;
	vm10 =	vgt.f32 v28, v16  }
.LBB2_34:
0x259: {  	p0 =	sne.s32 s12, $0xF0  }
0x25a: {  	v16 =	vsel vm10, v28, v16;
	v28 =	vld [tilespmem:s13+$0x0];
	v20 =	vsel vm10, v24, v20;
	v29 =	vsel vm10, v30, v29;
	s11 =	sadd.s32 $0x10, s11;
	s14 =	smov.u32 s12;
	s12 =	sadd.s32 $0x10, s12  }
.Ltmp16:
0x25b: {  	v24 =	vld [tilespmem:s11+$0x0];
	(pc) =	sbr.rel @p0 .LBB2_34-.Ltmp16, $2  }
0x25c: {  	_ =	sdelay $0x2  }
0x25d: {  	s13 =	sadd.s32 $0x10, s13;
	v30 =	vor.u32 s14, v27;
	vm10 =	vgt.f32 v28, v16  }
0x25e: {  	v28 =	vsel vm10, v28, v16  }
0x25f: {  	(xrf0) =	vmax.scan.msk.f32 $0xffff, v28;
	_ =	sdelay $0x5  }
0x260: {  	v16, _, _ =	vpop (xrf0)  }
0x261: {  	v16 =	vbroadcast v16, $0xF  }
0x262: {  	v27 =	vsel vm10, v30, v29  }
0x263: {  	vm11 =	veq.f32 v28, v16;
	v28 =	vxor.u32 $0x80000000, v27  }
0x264: {  	v28 =	vnsel vm11, $0xFFFFFFFF, v28  }
0x265: {  	(xrf0) =	vmin.scan.msk.u32 $0xffff, v28;
	_ =	sdelay $0x5  }
0x266: {  	v28, _, _ =	vpop (xrf0)  }
0x267: {  	(v2sf) =	vpush v28, $0xF;
	_ =	sdelay $0xe  }
0x268: {  	s11 =	spop (v2sf)  }
0x269: {  	s12 =	sxor.u32 $0x80000000, s11  }
0x26a: {  	p1 =	sgt.s32 s11, $0xFFFFFFFF;
	s11 =	sand.u32 $0xF, s11;
	p0 =	slt.s32 s12, $0x1  }
0x26b: {  	s13 =	sshra.s32 s12, $0x1F;
	p6 =	sne.s32 s11, $0x0;
	p0 =	por p1, p0  }
0x26c: {  	s29 =	sshrl.u32 s13, $0x1C;
	p0 =	por !p6, !p0  }
0x26d: {  	s13 =	simm.s32 $0x1;
	s11 =	sadd.s32 s29, s12;
	p0 =	por !p0, !p0  }
0x26e: {  	s11 =	sshrl.u32 s11, $0x4;
	s13 =	simm.s32 @!p0 $0x0  }
0x26f: {  	s11 =	ssub.s32 s11, s13  }
0x270: {  	s11 =	sshll.u32 s11, $0x4  }
0x271: {  	v28 =	vld [tilespmem:s11+$0x8400];
	_ =	sdelay $0x1  }
0x272: {  	v30 =	vlaneseq.u32  }
0x273: {  	v29 =	vor.u32 s11, v30  }
0x274: {  	vm11 =	veq.s32 v29, s12  }
0x275: {  	v28 =	vsel vm11, $0xFF800000, v28  }
0x276: {  	s30 =	simm.s32 $0x8400;
	[tilespmem:s11+$0x8400] =	vst v28  }
0x277: {  	v32 =	vld [tilespmem:s30+$0x0]  }
0x278: {  	s11 =	simm.s32 $0x8500  }
0x279: {  	v31 =	vld [tilespmem:s11+$0x0]  }
0x27a: {  	s31 =	simm.s32 $0x0;
	v33 =	vimm.s32 $0x7FFFFFFF  }
0x27b: {  	v34 =	vor.u32 s31, v30;
	v28 =	vsel vm10, v24, v20;
	v20 =	vimm.f32 $-Inf  }
0x27c: {  	s13 =	simm.s32 $0x8410;
	v29 =	vmov s12;
	s12 =	simm.s32 $0x10;
	v24 =	vimm.s32 $0x7FFFFFFF;
	vm10 =	vgt.f32 v32, v20  }
.LBB2_36:
0x27d: {  	p0 =	sne.s32 s12, $0xF0  }
0x27e: {  	v20 =	vsel vm10, v32, v20;
	v32 =	vld [tilespmem:s13+$0x0];
	v24 =	vsel vm10, v31, v24;
	v33 =	vsel vm10, v34, v33;
	s11 =	sadd.s32 $0x10, s11;
	s14 =	smov.u32 s12;
	s12 =	sadd.s32 $0x10, s12  }
.Ltmp17:
0x27f: {  	v31 =	vld [tilespmem:s11+$0x0];
	(pc) =	sbr.rel @p0 .LBB2_36-.Ltmp17, $2  }
0x280: {  	_ =	sdelay $0x2  }
0x281: {  	s13 =	sadd.s32 $0x10, s13;
	v34 =	vor.u32 s14, v30;
	vm10 =	vgt.f32 v32, v20  }
0x282: {  	v32 =	vsel vm10, v32, v20  }
0x283: {  	(xrf0) =	vmax.scan.msk.f32 $0xffff, v32;
	_ =	sdelay $0x5  }
0x284: {  	v20, _, _ =	vpop (xrf0)  }
0x285: {  	v20 =	vbroadcast v20, $0xF  }
0x286: {  	v30 =	vsel vm10, v34, v33  }
0x287: {  	v61 =	vxor.u32 $0x80000000, v30;
	vm11 =	veq.f32 v32, v20  }
0x288: {  	v32 =	vnsel vm11, $0xFFFFFFFF, v61  }
0x289: {  	(xrf0) =	vmin.scan.msk.u32 $0xffff, v32;
	_ =	sdelay $0x5  }
0x28a: {  	v32, _, _ =	vpop (xrf0)  }
0x28b: {  	(v2sf) =	vpush v32, $0xF;
	_ =	sdelay $0xe  }
0x28c: {  	s11 =	spop (v2sf)  }
0x28d: {  	s12 =	sxor.u32 $0x80000000, s11  }
0x28e: {  	p1 =	sgt.s32 s11, $0xFFFFFFFF;
	s11 =	sand.u32 $0xF, s11;
	p0 =	slt.s32 s12, $0x1  }
0x28f: {  	s13 =	sshra.s32 s12, $0x1F;
	p6 =	sne.s32 s11, $0x0;
	p0 =	por p1, p0  }
0x290: {  	s29 =	sshrl.u32 s13, $0x1C;
	p0 =	por !p6, !p0  }
0x291: {  	s13 =	simm.s32 $0x1;
	s11 =	sadd.s32 s29, s12;
	p0 =	por !p0, !p0  }
0x292: {  	s11 =	sshrl.u32 s11, $0x4;
	s13 =	simm.s32 @!p0 $0x0  }
0x293: {  	s11 =	ssub.s32 s11, s13  }
0x294: {  	s11 =	sshll.u32 s11, $0x4  }
0x295: {  	v62 =	vld [tilespmem:s11+$0x8400];
	_ =	sdelay $0x1  }
0x296: {  	v34 =	vlaneseq.u32  }
0x297: {  	v63 =	vor.u32 s11, v34  }
0x298: {  	vm11 =	veq.s32 v63, s12  }
0x299: {  	v32 =	vsel vm11, $0xFF800000, v62  }
0x29a: {  	s30 =	simm.s32 $0x8400;
	[tilespmem:s11+$0x8400] =	vst v32  }
0x29b: {  	v36 =	vld [tilespmem:s30+$0x0]  }
0x29c: {  	s11 =	simm.s32 $0x8500  }
0x29d: {  	v35 =	vld [tilespmem:s11+$0x0]  }
0x29e: {  	v31 =	vsel vm10, v31, v24  }
0x29f: {  	v24 =	vimm.f32 $-Inf;
	v33 =	vimm.s32 $0x7FFFFFFF;
	s31 =	simm.s32 $0x0;
	v37 =	vimm.s32 $0x7FFFFFFF  }
0x2a0: {  	v38 =	vor.u32 s31, v34;
	s13 =	simm.s32 $0x8410;
	v32 =	vmov s12;
	s12 =	simm.s32 $0x10;
	vm10 =	vgt.f32 v36, v24  }
.LBB2_38:
0x2a1: {  	p0 =	sne.s32 s12, $0xF0  }
0x2a2: {  	v24 =	vsel vm10, v36, v24;
	v36 =	vld [tilespmem:s13+$0x0];
	v33 =	vsel vm10, v35, v33;
	v37 =	vsel vm10, v38, v37;
	s11 =	sadd.s32 $0x10, s11;
	s14 =	smov.u32 s12;
	s12 =	sadd.s32 $0x10, s12  }
.Ltmp18:
0x2a3: {  	v35 =	vld [tilespmem:s11+$0x0];
	(pc) =	sbr.rel @p0 .LBB2_38-.Ltmp18, $2  }
0x2a4: {  	_ =	sdelay $0x2  }
0x2a5: {  	s13 =	sadd.s32 $0x10, s13;
	v38 =	vor.u32 s14, v34;
	vm10 =	vgt.f32 v36, v24  }
0x2a6: {  	v36 =	vsel vm10, v36, v24  }
0x2a7: {  	(xrf0) =	vmax.scan.msk.f32 $0xffff, v36;
	_ =	sdelay $0x5  }
0x2a8: {  	v24, _, _ =	vpop (xrf0)  }
0x2a9: {  	v24 =	vbroadcast v24, $0xF  }
0x2aa: {  	v34 =	vsel vm10, v38, v37  }
0x2ab: {  	v61 =	vxor.u32 $0x80000000, v34;
	vm11 =	veq.f32 v36, v24  }
0x2ac: {  	v36 =	vnsel vm11, $0xFFFFFFFF, v61  }
0x2ad: {  	(xrf0) =	vmin.scan.msk.u32 $0xffff, v36;
	_ =	sdelay $0x5  }
0x2ae: {  	v36, _, _ =	vpop (xrf0)  }
0x2af: {  	(v2sf) =	vpush v36, $0xF;
	_ =	sdelay $0xe  }
0x2b0: {  	s11 =	spop (v2sf)  }
0x2b1: {  	s12 =	sxor.u32 $0x80000000, s11  }
0x2b2: {  	p1 =	sgt.s32 s11, $0xFFFFFFFF;
	s11 =	sand.u32 $0xF, s11;
	p0 =	slt.s32 s12, $0x1  }
0x2b3: {  	s13 =	sshra.s32 s12, $0x1F;
	p6 =	sne.s32 s11, $0x0;
	p0 =	por p1, p0  }
0x2b4: {  	s29 =	sshrl.u32 s13, $0x1C;
	p0 =	por !p6, !p0  }
0x2b5: {  	s13 =	simm.s32 $0x1;
	s11 =	sadd.s32 s29, s12;
	p0 =	por !p0, !p0  }
0x2b6: {  	s11 =	sshrl.u32 s11, $0x4;
	s13 =	simm.s32 @!p0 $0x0  }
0x2b7: {  	s11 =	ssub.s32 s11, s13  }
0x2b8: {  	s11 =	sshll.u32 s11, $0x4  }
0x2b9: {  	v62 =	vld [tilespmem:s11+$0x8400];
	_ =	sdelay $0x1  }
0x2ba: {  	v42 =	vlaneseq.u32  }
0x2bb: {  	v63 =	vor.u32 s11, v42  }
0x2bc: {  	vm11 =	veq.s32 v63, s12  }
0x2bd: {  	v36 =	vsel vm11, $0xFF800000, v62  }
0x2be: {  	s30 =	simm.s32 $0x8400;
	[tilespmem:s11+$0x8400] =	vst v36  }
0x2bf: {  	v37 =	vld [tilespmem:s30+$0x0]  }
0x2c0: {  	s11 =	simm.s32 $0x8500  }
0x2c1: {  	v39 =	vsel vm10, v35, v33;
	v35 =	vld [tilespmem:s11+$0x0]  }
0x2c2: {  	s31 =	simm.s32 $0x0  }
0x2c3: {  	v38 =	vimm.f32 $-Inf;
	v33 =	vimm.s32 $0x7FFFFFFF;
	v41 =	vor.u32 s31, v42  }
0x2c4: {  	v40 =	vmov s12;
	s13 =	simm.s32 $0x8410;
	s12 =	simm.s32 $0x10;
	v36 =	vimm.s32 $0x7FFFFFFF;
	vm10 =	vgt.f32 v37, v38  }
.LBB2_40:
0x2c5: {  	p0 =	sne.s32 s12, $0xF0  }
0x2c6: {  	v38 =	vsel vm10, v37, v38;
	v37 =	vld [tilespmem:s13+$0x0];
	v33 =	vsel vm10, v35, v33;
	v36 =	vsel vm10, v41, v36;
	s11 =	sadd.s32 $0x10, s11;
	s14 =	smov.u32 s12;
	s12 =	sadd.s32 $0x10, s12  }
.Ltmp19:
0x2c7: {  	v35 =	vld [tilespmem:s11+$0x0];
	(pc) =	sbr.rel @p0 .LBB2_40-.Ltmp19, $2  }
0x2c8: {  	_ =	sdelay $0x2  }
0x2c9: {  	s13 =	sadd.s32 $0x10, s13;
	v41 =	vor.u32 s14, v42;
	vm10 =	vgt.f32 v37, v38  }
0x2ca: {  	vm11 =	veq.s32 v3, v6;
	v6 =	vxor.u32 $0x80000000, v5  }
0x2cb: {  	vm15 =	veq.s32 v7, v10;
	v9 =	vxor.u32 $0x80000000, v9;
	v3 =	vnsel vm11, $0xFFFFFFFF, v6  }
0x2cc: {  	vm12 =	veq.s32 v11, v14;
	v13 =	vxor.u32 $0x80000000, v13;
	v10 =	vnsel vm15, $0xFFFFFFFF, v9;
	(xrf0) =	vmin.scan.msk.u32 $0xffff, v3  }
0x2cd: {  	vm13 =	veq.s32 v15, v18;
	v17 =	vxor.u32 $0x80000000, v17;
	v14 =	vnsel vm12, $0xFFFFFFFF, v13;
	(xrf0) =	vmin.scan.msk.u32 $0xffff, v10  }
0x2ce: {  	vm14 =	veq.s32 v19, v22;
	v21 =	vxor.u32 $0x80000000, v21;
	v18 =	vnsel vm13, $0xFFFFFFFF, v17;
	(xrf0) =	vmin.scan.msk.u32 $0xffff, v14  }
0x2cf: {  	v25 =	vxor.u32 $0x80000000, v25;
	v22 =	vnsel vm14, $0xFFFFFFFF, v21;
	vm15 =	veq.s32 v23, v26;
	(xrf0) =	vmin.scan.msk.u32 $0xffff, v18  }
0x2d0: {  	v28 =	vxor.u32 $0x80000000, v28;
	vm12 =	veq.s32 v27, v29;
	v26 =	vnsel vm15, $0xFFFFFFFF, v25;
	(xrf0) =	vmin.scan.msk.u32 $0xffff, v22  }
0x2d1: {  	vm13 =	veq.s32 v30, v32;
	v30 =	vxor.u32 $0x80000000, v31;
	v29 =	vnsel vm12, $0xFFFFFFFF, v28;
	(xrf0) =	vmin.scan.msk.u32 $0xffff, v26  }
0x2d2: {  	vm14 =	veq.s32 v34, v40;
	v40 =	vxor.u32 $0x80000000, v39;
	v32 =	vnsel vm13, $0xFFFFFFFF, v30;
	v31, _, _ =	vpop (xrf0);
	(xrf0) =	vmin.scan.msk.u32 $0xffff, v29  }
0x2d3: {  	v43 =	vnsel vm14, $0xFFFFFFFF, v40;
	v42, _, _ =	vpop (xrf0);
	(xrf0) =	vmin.scan.msk.u32 $0xffff, v32  }
0x2d4: {  	v44 =	vsel vm10, v37, v38;
	v45, _, _ =	vpop (xrf0);
	(xrf0) =	vmin.scan.msk.u32 $0xffff, v43  }
0x2d5: {  	v46, _, _ =	vpop (xrf0);
	(xrf0) =	vmax.scan.msk.f32 $0xffff, v44  }
0x2d6: {  	v47, _, _ =	vpop (xrf0)  }
0x2d7: {  	v48, _, _ =	vpop (xrf0)  }
0x2d8: {  	v49, _, _ =	vpop (xrf0)  }
0x2d9: {  	v50, _, _ =	vpop (xrf0)  }
0x2da: {  	v51, _, _ =	vpop (xrf0)  }
0x2db: {  	v52, _, _ =	vpop (xrf0)  }
0x2dc: {  	v3 =	vbroadcast v52, $0xF  }
0x2dd: {  	v53 =	vsel vm10, v41, v36  }
0x2de: {  	v54 =	vxor.u32 $0x80000000, v53;
	(v2sf) =	vpush v31, $0xF;
	vm15 =	veq.f32 v44, v3  }
0x2df: {  	(v2sf) =	vpush v42, $0xF;
	v5 =	vnsel vm15, $0xFFFFFFFF, v54  }
0x2e0: {  	(v2sf) =	vpush v45, $0xF;
	(xrf0) =	vmin.scan.msk.u32 $0xffff, v5  }
0x2e1: {  	(v2sf) =	vpush v46, $0xF  }
0x2e2: {  	(v2sf) =	vpush v47, $0xF  }
0x2e3: {  	(v2sf) =	vpush v48, $0xF  }
0x2e4: {  	(v2sf) =	vpush v49, $0xF  }
0x2e5: {  	(v2sf) =	vpush v50, $0xF  }
0x2e6: {  	(v2sf) =	vpush v51, $0xF;
	v5, _, _ =	vpop (xrf0)  }
0x2e7: {  	(v2sf) =	vpush v5, $0xF;
	_ =	sdelay $0x5  }
0x2e8: {  	s11 =	spop (v2sf)  }
0x2e9: {  	s12 =	spop (v2sf)  }
0x2ea: {  	s13 =	spop (v2sf)  }
0x2eb: {  	s14 =	spop (v2sf)  }
0x2ec: {  	s15 =	spop (v2sf)  }
0x2ed: {  	s16 =	spop (v2sf)  }
0x2ee: {  	s17 =	spop (v2sf)  }
0x2ef: {  	s18 =	spop (v2sf)  }
0x2f0: {  	s19 =	spop (v2sf)  }
0x2f1: {  	s20 =	spop (v2sf)  }
0x2f2: {  	v55 =	vsel vm10, v35, v33;
	s21 =	sxor.u32 $0x80000000, s20  }
0x2f3: {  	v5 =	vxor.u32 $0x80000000, v55;
	vm12 =	veq.s32 v53, s21  }
0x2f4: {  	v5 =	vnsel vm12, $0xFFFFFFFF, v5  }
0x2f5: {  	(xrf0) =	vmin.scan.msk.u32 $0xffff, v5;
	_ =	sdelay $0x5  }
0x2f6: {  	v5, _, _ =	vpop (xrf0)  }
0x2f7: {  	(v2sf) =	vpush v5, $0xF;
	_ =	sdelay $0x5  }
0x2f8: {  	s11 =	sxor.u32 $0x80000000, s11  }
0x2f9: {  	p1 =	sgt.s32 s20, $0xFFFFFFFF;
	s20 =	sand.u32 $0xF, s20;
	p0 =	slt.s32 s21, $0x1  }
0x2fa: {  	s22 =	sshra.s32 s21, $0x1F;
	p6 =	sne.s32 s20, $0x0;
	p0 =	por p1, p0  }
0x2fb: {  	vm10 =	vcmask $0x704;
	s12 =	sxor.u32 $0x80000000, s12;
	v56 =	vmov s11;
	s22 =	sshrl.u32 s22, $0x1C;
	p0 =	por !p6, !p0  }
0x2fc: {  	s11 =	sadd.s32 s22, s21;
	p0 =	por !p0, !p0;
	v5 =	vsel vm10, s12, v56;
	s12 =	simm.s32 $0x1  }
0x2fd: {  	vm13 =	vcmask $0xB08;
	s13 =	sxor.u32 $0x80000000, s13;
	s11 =	sshrl.u32 s11, $0x4;
	s12 =	simm.s32 @!p0 $0x0  }
0x2fe: {  	vm14 =	vcmask $0xF0C;
	s14 =	sxor.u32 $0x80000000, s14;
	v5 =	vsel vm13, s13, v5;
	s11 =	ssub.s32 s11, s12  }
0x2ff: {  	vm15 =	vcmask $0x1310;
	s23 =	sxor.u32 $0x80000000, s15;
	v5 =	vsel vm14, s14, v5;
	s11 =	sshll.u32 s11, $0x4  }
0x300: {  	s24 =	sxor.u32 $0x80000000, s16;
	vm12 =	vcmask $0x1714;
	v5 =	vsel vm15, s23, v5;
	v57 =	vld [tilespmem:s11+$0x8400]  }
0x301: {  	v59 =	vlaneseq.u32;
	s25 =	sxor.u32 $0x80000000, s17;
	s26 =	sxor.u32 $0x80000000, s19;
	vm13 =	vcmask $0x1B18;
	v5 =	vsel vm12, s24, v5;
	s28 =	spop (v2sf)  }
0x302: {  	s29 =	sxor.u32 $0x80000000, s18;
	v58 =	vmov s26;
	vm14 =	vcmask $0x1F1C;
	v5 =	vsel vm13, s25, v5;
	s14 =	sxor.u32 $0x80000000, s28  }
0x303: {  	v60 =	vor.u32 s11, v59;
	v5 =	vsel vm14, s29, v5;
	v7 =	vsel vm10, s14, v58  }
0x304: {  	vm15 =	veq.s32 v60, s21;
	v5 =	vcombine.low v5, v7  }
0x305: {  	vm12 =	vmmov $0x3ff;
	v6 =	vsel vm15, $0xFF800000, v57  }
0x306: {  	[tilespmem:s11+$0x8400] =	vst v6;
	v5 =	vnsel vm12, $0x0, v5  }
0x307: {  	[tilespmem:$0x200] =	vst v5  }
0x308: {  	v5 =	vld.msk [tilespmem:$0x200], $0x3ff;
	_ =	sdelay $0x4  }
0x309: {  	v61 =	vshll.u32 v5, $0x4  }
0x30a: {  	v5 =	vand.u32 $0x7, v5;
	v6 =	vand.u32 $0xFFFFFF80, v61  }
0x30b: {  	v62 =	vand.u32 $0x7, v59;
	v63 =	vshrl.u32 v59, $0x3;
	v5 =	vor.u32 v5, v6  }
0x30c: {  	v7 =	vmul.u32 $0x8, v63;
	v6 =	vperm.xlane v5, v62;
	_ =	sdelay $0x1  }
0x30d: {  	v6 =	vadd.s32 v7, v6;
	_ =	sdelay $0x3  }
0x30e: {  	s30 =	simm.s32 $0x280;
	vm13 =	vmmov $0xffff;
	s11 =	simm.s32 $0x0  }
0x30f: {  	[tilespmem:s30], [sflag:$0x1] =	stream.indirect_vreg.gather [hbm4b:s3+s11], $0x80, v6, vm13, $0xb8;
	[tilespmem:$0x8620] =	vst v63  }
0x310: {  	s31 =	simm.s32 $0xA80  }
0x311: {  	[tilespmem:s31], [sflag:$0x1] =	stream.indirect_vreg.gather [hbm4b:s10+s11], $0x80, v6, vm13, $0xb8;
	[tilespmem:$0x8620] =	vst v63  }
0x312: {  	s14 =	simm.s32 $0x1280  }
0x313: {  	[tilespmem:s14], [sflag:$0x1] =	stream.indirect_vreg.gather [hbm4b:s9+s11], $0x80, v6, vm13, $0xb8;
	[tilespmem:$0x8620] =	vst v63  }
0x314: {  	s15 =	simm.s32 $0x1A80  }
0x315: {  	[tilespmem:s15], [sflag:$0x1] =	stream.indirect_vreg.gather [hbm4b:s8+s11], $0x80, v6, vm13, $0xb8;
	[tilespmem:$0x8620] =	vst v63  }
0x316: {  	s16 =	simm.s32 $0x2280  }
0x317: {  	v9 =	vor.u32 $0x8, v59;
	[tilespmem:s16], [sflag:$0x1] =	stream.indirect_vreg.gather [hbm4b:s7+s11], $0x80, v6, vm13, $0xb8;
	[tilespmem:$0x8620] =	vst v63  }
0x318: {  	s17 =	simm.s32 $0x2A80;
	v5 =	vperm.xlane v5, v9  }
0x319: {  	[tilespmem:s17], [sflag:$0x1] =	stream.indirect_vreg.gather [hbm4b:s6+s11], $0x80, v6, vm13, $0xb8;
	[tilespmem:$0x8620] =	vst v63  }
0x31a: {  	s18 =	simm.s32 $0x3280;
	v5 =	vadd.s32 v7, v5  }
0x31b: {  	[tilespmem:s18], [sflag:$0x1] =	stream.indirect_vreg.gather [hbm4b:s5+s11], $0x80, v6, vm13, $0xb8;
	[tilespmem:$0x8620] =	vst v63  }
0x31c: {  	s19 =	simm.s32 $0x3A80  }
0x31d: {  	vm14 =	vcmask $0x2720;
	vm15 =	vcmask $0x700;
	[tilespmem:s19], [sflag:$0x1] =	stream.indirect_vreg.gather [hbm4b:s4+s11], $0x80, v6, vm13, $0xb8;
	[tilespmem:$0x8620] =	vst v63  }
0x31e: {  	s20 =	simm.s32 $0x4280;
	vm10 =	vmor vm15, vm14  }
0x31f: {  	[tilespmem:s20], [sflag:$0x1] =	stream.indirect_vreg.gather [hbm4b:s3+s11], $0x80, v5, vm10, $0xb8;
	[tilespmem:$0x8620] =	vst v63  }
0x320: {  	s21 =	simm.s32 $0x4A80  }
0x321: {  	[tilespmem:s21], [sflag:$0x1] =	stream.indirect_vreg.gather [hbm4b:s10+s11], $0x80, v5, vm10, $0xb8;
	[tilespmem:$0x8620] =	vst v63  }
0x322: {  	s22 =	simm.s32 $0x5280  }
0x323: {  	[tilespmem:s22], [sflag:$0x1] =	stream.indirect_vreg.gather [hbm4b:s9+s11], $0x80, v5, vm10, $0xb8;
	[tilespmem:$0x8620] =	vst v63  }
0x324: {  	s23 =	simm.s32 $0x5A80  }
0x325: {  	[tilespmem:s23], [sflag:$0x1] =	stream.indirect_vreg.gather [hbm4b:s8+s11], $0x80, v5, vm10, $0xb8;
	[tilespmem:$0x8620] =	vst v63  }
0x326: {  	s24 =	simm.s32 $0x6280  }
0x327: {  	[tilespmem:s24], [sflag:$0x1] =	stream.indirect_vreg.gather [hbm4b:s7+s11], $0x80, v5, vm10, $0xb8;
	[tilespmem:$0x8620] =	vst v63  }
0x328: {  	s25 =	simm.s32 $0x6A80  }
0x329: {  	[tilespmem:s25], [sflag:$0x1] =	stream.indirect_vreg.gather [hbm4b:s6+s11], $0x80, v5, vm10, $0xb8;
	[tilespmem:$0x8620] =	vst v63  }
0x32a: {  	s26 =	simm.s32 $0x7280  }
0x32b: {  	[tilespmem:s26], [sflag:$0x1] =	stream.indirect_vreg.gather [hbm4b:s5+s11], $0x80, v5, vm10, $0xb8;
	[tilespmem:$0x8620] =	vst v63  }
0x32c: {  	v0 =	vnsel vm0, $0xFF800000, v0;
	s29 =	simm.s32 $0x7A80;
	s28 =	simm.s32 $0x1  }
0x32d: {  	v0 =	vsel vm1, v0, v1;
	[tilespmem:s29], [sflag:$0x1] =	stream.indirect_vreg.gather [hbm4b:s4+s11], $0x80, v5, vm10, $0xb8;
	[tilespmem:$0x8620] =	vst v63  }
0x32e: {  	v0 =	vsel vm2, v0, v2;
	_ =	swait.ge [sflag:s28], $0x5000  }
0x32f: {  	v0 =	vsel vm3, v0, v4;
	[sflag:s28] =	ssyncset.done $0x0  }
0x330: {  	v0 =	vsel vm4, v0, v8;
	[sflag:s28] =	ssyncadd.s32 $0xFFFFB000  }
0x331: {  	v0 =	vsel vm5, v0, v12;
	[hbm4b:s2+s11] =	stream.linear.scatter [tilespmem:s30], [sflag:$0x2], $0x8000, $0x38;
	[tilespmem:$0x8620] =	vst v63  }
0x332: {  	v0 =	vsel vm6, v0, v16;
	s30 =	simm.s32 $0x2  }
0x333: {  	v0 =	vsel vm7, v0, v20;
	_ =	swait.ge [sflag:s30], $0x8000  }
0x334: {  	v0 =	vsel vm8, v0, v24;
	[sflag:s30] =	ssyncset.done $0x0  }
0x335: {  	v0 =	vsel vm9, v0, v3;
	[sflag:s30] =	ssyncadd.s32 $0xFFFF8000  }
0x336: {  	s31 =	simm.s32 $0x8380;
	[tilespmem:$0x8380] =	vst v0  }
0x337: {  	[hbm4b:s1+s11] =	stream.linear.scatter [tilespmem:s31], [sflag:$0x2], $0x80, $0x38;
	[tilespmem:$0x8620] =	vst v63  }
0x338: {  	_ =	swait.ge [sflag:s30], $0x80  }
0x339: {  	[sflag:s30] =	ssyncset.done $0x0  }
0x33a: {  	[sflag:s30] =	ssyncadd.s32 $0xFFFFFF80  }
0x33b: {  	_ =	sfence.sel $0x180000  }
0x33c: {  	[bflag:$0x0] =	sbarrier.arrive $0xFFFF  }
0x33d: {  	_ =	strace $0x90000047  }
0x33e: {  	s0 =	sadd.s32 $0x100000, s0;
	[bflag:$0x2] =	sbarrier.arrive $0xFFFF  }
0x33f: {  	[sflag:s0] =	ssyncadd.tile.s32 $0x1;
	_ =	shalt  }
.Lfunc_end2:
_tile_overlayer_lowered:
.L_overlay_start_2:
0x340: {  	(tag) =	ssettag $0x2  }
0x341: {  	s0 =	rddreg [dreg:$0x0];
	s2 =	stileid.u32  }
0x342: {  	s1 =	rddreg [dreg:$0x1];
	p0 =	sne.s32 s2, $0x0  }
0x343: {  	s3 =	rddreg [dreg:$0x2];
	[bflag:$0x3] =	sbarrier.arrive $0xFFFF;
	s2 =	simm.s32 @!p0 $0x1C02  }
0x344: {  	[timem:s3], [sflag:s2] =	dma.local @!p0 [hbm:s0], s1  }
0x345: {  	s0 =	simm.s32 @!p0 $0x2  }
0x346: {  	_ =	swait.ge @!p0 [sflag:s0], s1  }
0x347: {  	s1 =	ssub.s32 @!p0 $0x0, s1;
	[sflag:s0] =	ssyncset.done @!p0 $0x0  }
0x348: {  	[sflag:s0] =	ssyncadd.s32 @!p0 s1  }
0x349: {  	[bflag:$0x3] =	sbarrier.arrive $0xFFFF  }
0x34a: {  	_ =	shalt  }

</sc_bundles>
